<compile_context>
chip_gen: v7x
topology: tpu7x:2x2x1
jax: 0.10.2.dev20260603
libtpu: 0.0.44.dev20260713+nightly
codegen_flags: <defaults>
</compile_context>

<pallas_src>
import functools

import jax
import jax.numpy as jnp
from jax import lax
from jax.experimental import pallas as pl
from jax.experimental.pallas import tpu as pltpu
from jax.experimental.pallas import tpu_sc as plsc

N = 10000
D = 128
B = 16
NC = 2
NS = 16
NW = NC * NS
CH = 128
NPAD = 10112
TRASH = N

_HI = lax.Precision.DEFAULT



_RB = 2000


def _lin2_body(x_ref, w0_ref, b0_ref, w1_ref, b1_ref, v0_ref, v1_ref):
    xb = x_ref[...]
    v0_ref[...] = jnp.dot(xb, w0_ref[...], preferred_element_type=jnp.float32,
                          precision=_HI) + b0_ref[...]
    v1_ref[...] = jnp.dot(xb, w1_ref[...], preferred_element_type=jnp.float32,
                          precision=_HI) + b1_ref[...]


_lin2 = pl.pallas_call(
    _lin2_body,
    grid=(N // _RB,),
    in_specs=[
        pl.BlockSpec((_RB, D), lambda i: (i, 0)),
        pl.BlockSpec((D, D), lambda i: (0, 0)),
        pl.BlockSpec((1, D), lambda i: (0, 0)),
        pl.BlockSpec((D, D), lambda i: (0, 0)),
        pl.BlockSpec((1, D), lambda i: (0, 0)),
    ],
    out_specs=[
        pl.BlockSpec((_RB, D), lambda i: (i, 0)),
        pl.BlockSpec((_RB, D), lambda i: (i, 0)),
    ],
    out_shape=[
        jax.ShapeDtypeStruct((N, D), jnp.float32),
        jax.ShapeDtypeStruct((N, D), jnp.float32),
    ],
)


def _layer2_body(v0_ref, agg_ref, w0_ref, b0_ref, w1_ref, b1_ref,
                 o0_ref, o1_ref):
    v = jnp.maximum(v0_ref[...] + agg_ref[0] + agg_ref[1], 0.0)
    o0_ref[...] = jnp.dot(v, w0_ref[...], preferred_element_type=jnp.float32,
                          precision=_HI) + b0_ref[...]
    o1_ref[...] = jnp.dot(v, w1_ref[...], preferred_element_type=jnp.float32,
                          precision=_HI) + b1_ref[...]


_layer2 = pl.pallas_call(
    _layer2_body,
    grid=(N // _RB,),
    in_specs=[
        pl.BlockSpec((_RB, D), lambda i: (i, 0)),
        pl.BlockSpec((NC, _RB, D), lambda i: (0, i, 0)),
        pl.BlockSpec((D, D), lambda i: (0, 0)),
        pl.BlockSpec((1, D), lambda i: (0, 0)),
        pl.BlockSpec((D, D), lambda i: (0, 0)),
        pl.BlockSpec((1, D), lambda i: (0, 0)),
    ],
    out_specs=[
        pl.BlockSpec((_RB, D), lambda i: (i, 0)),
        pl.BlockSpec((_RB, D), lambda i: (i, 0)),
    ],
    out_shape=[
        jax.ShapeDtypeStruct((N, D), jnp.float32),
        jax.ShapeDtypeStruct((N, D), jnp.float32),
    ],
)


def _pool_head_body(v0_ref, agg_ref, vi_ref, fc1w_ref, fc1b_ref,
                    wcat_ref, bcat_ref, out_ref):
    v2 = jnp.maximum(v0_ref[...] + agg_ref[0, :N] + agg_ref[1, :N], 0.0)
    vi = vi_ref[...]
    seg = lax.broadcasted_iota(jnp.int32, (B, N), 0)
    onehot = (seg == vi).astype(jnp.float32)
    counts = jnp.sum(onehot, axis=1)
    maxc = jnp.max(counts)
    pooled = jnp.dot(onehot, v2, preferred_element_type=jnp.float32,
                     precision=lax.Precision.HIGHEST) / maxc
    h = jnp.maximum(jnp.dot(pooled, fc1w_ref[...],
                            preferred_element_type=jnp.float32,
                            precision=_HI) + fc1b_ref[...], 0.0)
    out_ref[...] = jnp.dot(h, wcat_ref[...],
                           preferred_element_type=jnp.float32,
                           precision=_HI) + bcat_ref[...]


_pool_head = pl.pallas_call(
    _pool_head_body,
    out_shape=jax.ShapeDtypeStruct((B, D), jnp.float32),
)




def _edge_agg_body(cpt, v1_hbm, msg_hbm, zeros_hbm, out_hbm,
                   midx0, midx1, midx2, midx3, rows0, rows1, acc,
                   isem0, isem1, isem2, isem3, gsem0, gsem1, ssem0, ssem1):
    c = lax.axis_index("c")
    s = lax.axis_index("s")
    wid = c * NS + s
    zr = NPAD // NS
    pltpu.sync_copy(zeros_hbm.at[pl.ds(s * zr, zr)], acc.at[pl.ds(s * zr, zr)])
    plsc.subcore_barrier()

    midx = (midx0, midx1, midx2, midx3)
    rows = (rows0, rows1)
    isem = (isem0, isem1, isem2, isem3)
    gsem = (gsem0, gsem1)
    ssem = (ssem0, ssem1)
    base = wid * cpt

    pltpu.sync_copy(msg_hbm.at[base], midx0)
    pltpu.async_copy(msg_hbm.at[base + 1], midx1, isem1)
    pltpu.async_copy(v1_hbm.at[midx0.at[0]], rows0, gsem0)

    def step(k, i_val, first):
        q, nq, fq = k % 4, (k + 1) % 4, (k + 2) % 4
        r = k % 2
        nr = 1 - r
        pltpu.make_async_copy(msg_hbm.at[base], midx[nq], isem[nq]).wait()
        if not first:
            pltpu.make_async_copy(v1_hbm.at[pl.ds(0, CH)], rows[nr],
                                  ssem[nr]).wait()
        pltpu.async_copy(v1_hbm.at[midx[nq].at[0]], rows[nr], gsem[nr])
        pltpu.make_async_copy(v1_hbm.at[pl.ds(0, CH)], rows[r],
                              gsem[r]).wait()
        pltpu.async_copy(rows[r], acc.at[midx[q].at[1]], ssem[r], add=True)
        nxt = jnp.minimum(i_val + 2, cpt - 1)
        pltpu.async_copy(msg_hbm.at[base + nxt], midx[fq], isem[fq])

    step(0, 0, True)
    step(1, 1, False)
    step(2, 2, False)
    step(3, 3, False)

    def quad(j, carry):
        for k in range(4):
            step(k, 4 * j + k, False)
        return carry

    lax.fori_loop(1, cpt // 4, quad, 0)
    pltpu.make_async_copy(v1_hbm.at[pl.ds(0, CH)], rows0, gsem0).wait()
    pltpu.make_async_copy(v1_hbm.at[pl.ds(0, CH)], rows1, ssem1).wait()
    pltpu.make_async_copy(msg_hbm.at[base], midx1, isem1).wait()
    plsc.subcore_barrier()
    pltpu.sync_copy(acc.at[pl.ds(s * zr, zr)],
                    out_hbm.at[c].at[pl.ds(s * zr, zr)])


@functools.lru_cache(maxsize=None)
def _make_edge_agg(cpt):
    return pl.kernel(
        functools.partial(_edge_agg_body, cpt),
        out_type=jax.ShapeDtypeStruct((NC, NPAD, D), jnp.float32),
        mesh=plsc.VectorSubcoreMesh(core_axis_name="c", subcore_axis_name="s"),
        scratch_types=[
            pltpu.VMEM((2, CH), jnp.int32),
            pltpu.VMEM((2, CH), jnp.int32),
            pltpu.VMEM((2, CH), jnp.int32),
            pltpu.VMEM((2, CH), jnp.int32),
            pltpu.VMEM((CH, D), jnp.float32),
            pltpu.VMEM((CH, D), jnp.float32),
            pltpu.VMEM_SHARED((NPAD, D), jnp.float32),
            pltpu.SemaphoreType.DMA,
            pltpu.SemaphoreType.DMA,
            pltpu.SemaphoreType.DMA,
            pltpu.SemaphoreType.DMA,
            pltpu.SemaphoreType.DMA,
            pltpu.SemaphoreType.DMA,
            pltpu.SemaphoreType.DMA,
            pltpu.SemaphoreType.DMA,
        ],
    )




def kernel(x, edges, verts_idx, W0_1, b0_1, W1_1, b1_1, W0_2, b0_2,
           W1_2, b1_2, fc1_W, fc1_b, Wst, bst, Wse, bse, Wfu, bfu, Wae, bae):
    E = edges.shape[0]
    M = 2 * E
    cpt = -(-(-(-M // (NW * CH))) // 4) * 4
    mtot = NW * cpt * CH
    pad = mtot - M

    pad_src = jnp.arange(pad, dtype=jnp.int32) * 79 % N
    pad_dst = TRASH + (jnp.arange(pad, dtype=jnp.int32) % (NPAD - N))
    src = jnp.concatenate([edges[:, 0], edges[:, 1],
                           pad_src]).reshape(-1, 1, CH)
    dst = jnp.concatenate([edges[:, 1], edges[:, 0],
                           pad_dst]).reshape(-1, 1, CH)
    msg = jnp.concatenate([src, dst], axis=1)
    zeros = jnp.zeros((NPAD, D), jnp.float32)

    edge_agg = _make_edge_agg(cpt)

    v0, v1 = _lin2(x, W0_1, b0_1[None], W1_1, b1_1[None])
    agg1 = edge_agg(v1, msg, zeros)
    v0_2, v1_2 = _layer2(v0, agg1, W0_2, b0_2[None], W1_2, b1_2[None])
    agg2 = edge_agg(v1_2, msg, zeros)

    wcat = jnp.concatenate([Wst, Wse, Wfu, Wae], axis=1)
    wcat = jnp.pad(wcat, ((0, 0), (0, D - wcat.shape[1])))
    bcat = jnp.concatenate([bst, bse, bfu, bae])
    bcat = jnp.pad(bcat, (0, D - bcat.shape[0]))[None]

    outE = _pool_head(v0_2, agg2, verts_idx[None], fc1_W, fc1_b[None],
                      wcat, bcat)
    return (outE[:, 0:3], outE[:, 3:5], outE[:, 5:10], outE[:, 10:15])

# --- scband reference (transcript-rebuilt; emitter-appended) ---
"""Pipeline reference for scband-graph-conv-clf-3607772528843 (READ-ONLY COPY).

The authoritative reference and input builder live on the scoring server;
editing this copy changes nothing except your own understanding.
"""

import jax, jax.numpy as jnp
import numpy as np

N = 10000
E = 320000
D = 128
B = 16

def setup_inputs(seed: int = 0) -> dict:
    key = jax.random.key(seed)
    ks = jax.random.split(key, 16)
    inp = {}
    inp['x'] = jax.random.normal(ks[0], (N, D), dtype=jnp.float32)
    inp['edges'] = jax.random.randint(ks[1], (E, 2), 0, N, dtype=jnp.int32)
    inp['verts_idx'] = jnp.sort(jax.random.randint(ks[2], (N,), 0, B, dtype=jnp.int32))
    def lin(k, i, o):
        return jax.random.normal(k, (i, o), dtype=jnp.float32) * (1.0 / np.sqrt(i))
    inp['W0_1'] = lin(ks[3], D, D); inp['b0_1'] = jnp.zeros((D,), jnp.float32)
    inp['W1_1'] = lin(ks[4], D, D); inp['b1_1'] = jnp.zeros((D,), jnp.float32)
    inp['W0_2'] = lin(ks[5], D, D); inp['b0_2'] = jnp.zeros((D,), jnp.float32)
    inp['W1_2'] = lin(ks[6], D, D); inp['b1_2'] = jnp.zeros((D,), jnp.float32)
    inp['fc1_W'] = jax.random.normal(ks[7], (D, 1024), jnp.float32) * 0.01
    inp['fc1_b'] = jnp.zeros((1024,), jnp.float32)
    inp['Wst'] = jax.random.normal(ks[8], (1024, 3), jnp.float32) * 0.01
    inp['bst'] = jnp.zeros((3,), jnp.float32)
    inp['Wse'] = jax.random.normal(ks[9], (1024, 2), jnp.float32) * 0.01
    inp['bse'] = jnp.zeros((2,), jnp.float32)
    inp['Wfu'] = jax.random.normal(ks[10], (1024, 5), jnp.float32) * 0.01
    inp['bfu'] = jnp.zeros((5,), jnp.float32)
    inp['Wae'] = jax.random.normal(ks[11], (1024, 5), jnp.float32) * 0.01
    inp['bae'] = jnp.zeros((5,), jnp.float32)
    return inp

def _gconv(v, edges, W0, b0, W1, b1):
    # pytorch3d GraphConv (undirected): w0(x) + scatter-add of w1(x[nbr]) over both edge directions
    v0 = v @ W0 + b0
    v1 = v @ W1 + b1
    agg = jnp.zeros_like(v0)
    agg = agg.at[edges[:, 1]].add(v1[edges[:, 0]])
    agg = agg.at[edges[:, 0]].add(v1[edges[:, 1]])
    return v0 + agg

def reference(x, edges, verts_idx, W0_1, b0_1, W1_1, b1_1, W0_2, b0_2, W1_2, b1_2, fc1_W, fc1_b, Wst, bst, Wse, bse, Wfu, bfu, Wae, bae):
    v = jax.nn.relu(_gconv(x, edges, W0_1, b0_1, W1_1, b1_1))
    v = jax.nn.relu(_gconv(v, edges, W0_2, b0_2, W1_2, b1_2))
    # packed_to_list -> list_to_padded (zero pad) -> mean over dim 1 divides by MAX count
    counts = jnp.bincount(verts_idx, length=B)
    max_count = jnp.max(counts).astype(jnp.float32)
    sums = jax.ops.segment_sum(v, verts_idx, num_segments=B)
    out = sums / max_count
    out = jax.nn.relu(out @ fc1_W + fc1_b)
    out_style = out @ Wst + bst
    out_semantics = out @ Wse + bse
    out_functionality = out @ Wfu + bfu
    out_aesthetics = out @ Wae + bae
    return (out_style, out_semantics, out_functionality, out_aesthetics)

if __name__ == "__main__":
    import jax
    _d = setup_inputs()
    print(jax.jit(kernel)(*tuple(_d.values())))

</pallas_src>

<mosaic_0001>
#map = affine_map<(d0, d1) -> (0, 0)>
#map1 = affine_map<(d0, d1) -> (0, 0, 0)>
module attributes {stable_mosaic.version = 14 : i64} {
  func.func @_edge_agg_body(%arg0: i32, %arg1: i32, %arg2: memref<10000x128xf32, #tpu.memory_space<hbm>>, %arg3: memref<5120x2x128xi32, #tpu.memory_space<hbm>>, %arg4: memref<10112x128xf32, #tpu.memory_space<hbm>>, %arg5: memref<2x10112x128xf32, #tpu.memory_space<hbm>>, %arg6: memref<2x128xi32, #tpu.memory_space<vmem>>, %arg7: memref<2x128xi32, #tpu.memory_space<vmem>>, %arg8: memref<2x128xi32, #tpu.memory_space<vmem>>, %arg9: memref<2x128xi32, #tpu.memory_space<vmem>>, %arg10: memref<128x128xf32, #tpu.memory_space<vmem>>, %arg11: memref<128x128xf32, #tpu.memory_space<vmem>>, %arg12: memref<10112x128xf32, #tpu.memory_space<vmem_shared>>, %arg13: memref<!tpu.dma_semaphore, #tpu.memory_space<semaphore_mem>>, %arg14: memref<!tpu.dma_semaphore, #tpu.memory_space<semaphore_mem>>, %arg15: memref<!tpu.dma_semaphore, #tpu.memory_space<semaphore_mem>>, %arg16: memref<!tpu.dma_semaphore, #tpu.memory_space<semaphore_mem>>, %arg17: memref<!tpu.dma_semaphore, #tpu.memory_space<semaphore_mem>>, %arg18: memref<!tpu.dma_semaphore, #tpu.memory_space<semaphore_mem>>, %arg19: memref<!tpu.dma_semaphore, #tpu.memory_space<semaphore_mem>>, %arg20: memref<!tpu.dma_semaphore, #tpu.memory_space<semaphore_mem>>) attributes {dimension_semantics = [#tpu.dimension_semantics<core_parallel>, #tpu.dimension_semantics<subcore_parallel>], iteration_bounds = array<i64: 2, 16>, scalar_prefetch = 0 : i64, scratch_operands = 15 : i64, tpu.core_type = #tpu.core_type<sc_vector_subcore>, window_params = [{transform_indices = #map}, {transform_indices = #map1}, {transform_indices = #map}, {transform_indices = #map1}]} {
    %mul3A = arith.constant 16 : i32
    %mul3A_0 = arith.muli %arg0, %mul3A : i32
    %add3A = arith.addi %mul3A_0, %arg1 : i32
    %mul3A_1 = arith.constant 632 : i32
    %mul3A_2 = arith.muli %arg1, %mul3A_1 : i32
    %mul3A_3 = arith.constant 632 : i32
    %mul3A_4 = arith.muli %arg1, %mul3A_3 : i32
    "tpu.region"() ({
      %run_scoped3A = tpu.sem_alloc : memref<!tpu.dma_semaphore, #tpu.memory_space<semaphore_mem>>
      %dma_start3A_229 = arith.constant 0 : i32
      %dma_start3A_230 = tpu.memref_slice %arg12[%mul3A_4, %dma_start3A_229] : memref<10112x128xf32, #tpu.memory_space<vmem_shared>> -> memref<632x128xf32, #tpu.memory_space<vmem_shared>>
      %dma_start3A_231 = arith.constant 0 : i32
      %dma_start3A_232 = tpu.memref_slice %arg4[%mul3A_2, %dma_start3A_231] : memref<10112x128xf32, #tpu.memory_space<hbm>> -> memref<632x128xf32, #tpu.memory_space<hbm>>
      tpu.enqueue_dma source(%dma_start3A_232 : memref<632x128xf32, #tpu.memory_space<hbm>>) target(%dma_start3A_230 : memref<632x128xf32, #tpu.memory_space<vmem_shared>>) target_semaphore(%run_scoped3A : memref<!tpu.dma_semaphore, #tpu.memory_space<semaphore_mem>>)
      %dma_wait3A_233 = arith.constant 0 : i32
      %dma_wait3A_234 = tpu.memref_slice %arg12[%mul3A_4, %dma_wait3A_233] : memref<10112x128xf32, #tpu.memory_space<vmem_shared>> -> memref<632x128xf32, #tpu.memory_space<vmem_shared>>
      %dma_wait3A_235 = arith.constant 0 : i32
      %dma_wait3A_236 = tpu.memref_slice %arg4[%mul3A_2, %dma_wait3A_235] : memref<10112x128xf32, #tpu.memory_space<hbm>> -> memref<632x128xf32, #tpu.memory_space<hbm>>
      tpu.wait_dma2 semaphore(%run_scoped3A : memref<!tpu.dma_semaphore, #tpu.memory_space<semaphore_mem>>) src(%dma_wait3A_236 : memref<632x128xf32, #tpu.memory_space<hbm>>) dst(%dma_wait3A_234 : memref<632x128xf32, #tpu.memory_space<vmem_shared>>)
      tpu.yield
    }) : () -> ()
    %barrier3A = arith.constant 0 : index
    tpu.barrier barrier_id(%barrier3A)
    %mul3A_5 = arith.constant 160 : i32
    %mul3A_6 = arith.muli %add3A, %mul3A_5 : i32
    "tpu.region"() ({
      %run_scoped3A = tpu.sem_alloc : memref<!tpu.dma_semaphore, #tpu.memory_space<semaphore_mem>>
      %dma_start3A_229 = arith.constant 0 : i32
      %dma_start3A_230 = arith.constant 0 : i32
      %dma_start3A_231 = tpu.memref_slice %arg3[%mul3A_6, %dma_start3A_229, %dma_start3A_230] : memref<5120x2x128xi32, #tpu.memory_space<hbm>> -> memref<1x2x128xi32, #tpu.memory_space<hbm>>
      %dma_start3A_232 = tpu.memref_squeeze %dma_start3A_231 : memref<1x2x128xi32, #tpu.memory_space<hbm>> -> memref<2x128xi32, #tpu.memory_space<hbm>>
      %dma_start3A_233 = arith.constant 0 : i32
      %dma_start3A_234 = arith.constant 0 : i32
      %dma_start3A_235 = tpu.memref_slice %arg3[%mul3A_6, %dma_start3A_233, %dma_start3A_234] : memref<5120x2x128xi32, #tpu.memory_space<hbm>> -> memref<1x2x128xi32, #tpu.memory_space<hbm>>
      %dma_start3A_236 = tpu.memref_squeeze %dma_start3A_235 : memref<1x2x128xi32, #tpu.memory_space<hbm>> -> memref<2x128xi32, #tpu.memory_space<hbm>>
      tpu.enqueue_dma source(%dma_start3A_236 : memref<2x128xi32, #tpu.memory_space<hbm>>) target(%arg6 : memref<2x128xi32, #tpu.memory_space<vmem>>) target_semaphore(%run_scoped3A : memref<!tpu.dma_semaphore, #tpu.memory_space<semaphore_mem>>)
      %dma_wait3A_237 = arith.constant 0 : i32
      %dma_wait3A_238 = arith.constant 0 : i32
      %dma_wait3A_239 = tpu.memref_slice %arg3[%mul3A_6, %dma_wait3A_237, %dma_wait3A_238] : memref<5120x2x128xi32, #tpu.memory_space<hbm>> -> memref<1x2x128xi32, #tpu.memory_space<hbm>>
      %dma_wait3A_240 = tpu.memref_squeeze %dma_wait3A_239 : memref<1x2x128xi32, #tpu.memory_space<hbm>> -> memref<2x128xi32, #tpu.memory_space<hbm>>
      %dma_wait3A_241 = arith.constant 0 : i32
      %dma_wait3A_242 = arith.constant 0 : i32
      %dma_wait3A_243 = tpu.memref_slice %arg3[%mul3A_6, %dma_wait3A_241, %dma_wait3A_242] : memref<5120x2x128xi32, #tpu.memory_space<hbm>> -> memref<1x2x128xi32, #tpu.memory_space<hbm>>
      %dma_wait3A_244 = tpu.memref_squeeze %dma_wait3A_243 : memref<1x2x128xi32, #tpu.memory_space<hbm>> -> memref<2x128xi32, #tpu.memory_space<hbm>>
      tpu.wait_dma2 semaphore(%run_scoped3A : memref<!tpu.dma_semaphore, #tpu.memory_space<semaphore_mem>>) src(%dma_wait3A_244 : memref<2x128xi32, #tpu.memory_space<hbm>>) dst(%arg6 : memref<2x128xi32, #tpu.memory_space<vmem>>)
      tpu.yield
    }) : () -> ()
    %add3A_7 = arith.constant 1 : i32
    %add3A_8 = arith.addi %mul3A_6, %add3A_7 : i32
    %dma_start3A = arith.constant 0 : i32
    %dma_start3A_9 = arith.constant 0 : i32
    %dma_start3A_10 = tpu.memref_slice %arg3[%add3A_8, %dma_start3A, %dma_start3A_9] : memref<5120x2x128xi32, #tpu.memory_space<hbm>> -> memref<1x2x128xi32, #tpu.memory_space<hbm>>
    %dma_start3A_11 = tpu.memref_squeeze %dma_start3A_10 : memref<1x2x128xi32, #tpu.memory_space<hbm>> -> memref<2x128xi32, #tpu.memory_space<hbm>>
    %dma_start3A_12 = arith.constant 0 : i32
    %dma_start3A_13 = arith.constant 0 : i32
    %dma_start3A_14 = tpu.memref_slice %arg3[%add3A_8, %dma_start3A_12, %dma_start3A_13] : memref<5120x2x128xi32, #tpu.memory_space<hbm>> -> memref<1x2x128xi32, #tpu.memory_space<hbm>>
    %dma_start3A_15 = tpu.memref_squeeze %dma_start3A_14 : memref<1x2x128xi32, #tpu.memory_space<hbm>> -> memref<2x128xi32, #tpu.memory_space<hbm>>
    tpu.enqueue_dma source(%dma_start3A_15 : memref<2x128xi32, #tpu.memory_space<hbm>>) target(%arg7 : memref<2x128xi32, #tpu.memory_space<vmem>>) target_semaphore(%arg14 : memref<!tpu.dma_semaphore, #tpu.memory_space<semaphore_mem>>)
    %dma_start3A_16 = arith.constant 0 : i32
    %dma_start3A_17 = arith.constant 0 : i32
    %dma_start3A_18 = tpu.memref_slice %arg6[%dma_start3A_16, %dma_start3A_17] : memref<2x128xi32, #tpu.memory_space<vmem>> -> memref<1x128xi32, #tpu.memory_space<vmem>>
    %dma_start3A_19 = tpu.memref_squeeze %dma_start3A_18 : memref<1x128xi32, #tpu.memory_space<vmem>> -> memref<128xi32, #tpu.memory_space<vmem>>
    %dma_start3A_20 = arith.constant 0 : i32
    %dma_start3A_21 = arith.constant 0 : i32
    %dma_start3A_22 = tpu.memref_slice %arg2[%dma_start3A_20, %dma_start3A_21] : memref<10000x128xf32, #tpu.memory_space<hbm>> -> memref<10000x128xf32, #tpu.memory_space<hbm>>
    tpu.enqueue_indirect_dma source(%dma_start3A_22 : memref<10000x128xf32, #tpu.memory_space<hbm>>) target(%arg10 : memref<128x128xf32, #tpu.memory_space<vmem>>) offsets(%dma_start3A_19 : memref<128xi32, #tpu.memory_space<vmem>>) semaphore(%arg17 : memref<!tpu.dma_semaphore, #tpu.memory_space<semaphore_mem>>)
    %dma_wait3A = arith.constant 0 : i32
    %dma_wait3A_23 = arith.constant 0 : i32
    %dma_wait3A_24 = tpu.memref_slice %arg3[%mul3A_6, %dma_wait3A, %dma_wait3A_23] : memref<5120x2x128xi32, #tpu.memory_space<hbm>> -> memref<1x2x128xi32, #tpu.memory_space<hbm>>
    %dma_wait3A_25 = tpu.memref_squeeze %dma_wait3A_24 : memref<1x2x128xi32, #tpu.memory_space<hbm>> -> memref<2x128xi32, #tpu.memory_space<hbm>>
    %dma_wait3A_26 = arith.constant 0 : i32
    %dma_wait3A_27 = arith.constant 0 : i32
    %dma_wait3A_28 = tpu.memref_slice %arg3[%mul3A_6, %dma_wait3A_26, %dma_wait3A_27] : memref<5120x2x128xi32, #tpu.memory_space<hbm>> -> memref<1x2x128xi32, #tpu.memory_space<hbm>>
    %dma_wait3A_29 = tpu.memref_squeeze %dma_wait3A_28 : memref<1x2x128xi32, #tpu.memory_space<hbm>> -> memref<2x128xi32, #tpu.memory_space<hbm>>
    tpu.wait_dma2 semaphore(%arg14 : memref<!tpu.dma_semaphore, #tpu.memory_space<semaphore_mem>>) src(%dma_wait3A_29 : memref<2x128xi32, #tpu.memory_space<hbm>>) dst(%arg7 : memref<2x128xi32, #tpu.memory_space<vmem>>)
    %dma_start3A_30 = arith.constant 0 : i32
    %dma_start3A_31 = arith.constant 0 : i32
    %dma_start3A_32 = tpu.memref_slice %arg7[%dma_start3A_30, %dma_start3A_31] : memref<2x128xi32, #tpu.memory_space<vmem>> -> memref<1x128xi32, #tpu.memory_space<vmem>>
    %dma_start3A_33 = tpu.memref_squeeze %dma_start3A_32 : memref<1x128xi32, #tpu.memory_space<vmem>> -> memref<128xi32, #tpu.memory_space<vmem>>
    %dma_start3A_34 = arith.constant 0 : i32
    %dma_start3A_35 = arith.constant 0 : i32
    %dma_start3A_36 = tpu.memref_slice %arg2[%dma_start3A_34, %dma_start3A_35] : memref<10000x128xf32, #tpu.memory_space<hbm>> -> memref<10000x128xf32, #tpu.memory_space<hbm>>
    tpu.enqueue_indirect_dma source(%dma_start3A_36 : memref<10000x128xf32, #tpu.memory_space<hbm>>) target(%arg11 : memref<128x128xf32, #tpu.memory_space<vmem>>) offsets(%dma_start3A_33 : memref<128xi32, #tpu.memory_space<vmem>>) semaphore(%arg18 : memref<!tpu.dma_semaphore, #tpu.memory_space<semaphore_mem>>)
    %dma_wait3A_37 = arith.constant 0 : i32
    %dma_wait3A_38 = arith.constant 0 : i32
    %dma_wait3A_39 = tpu.memref_slice %arg2[%dma_wait3A_37, %dma_wait3A_38] : memref<10000x128xf32, #tpu.memory_space<hbm>> -> memref<128x128xf32, #tpu.memory_space<hbm>>
    %dma_wait3A_40 = arith.constant 0 : i32
    %dma_wait3A_41 = arith.constant 0 : i32
    %dma_wait3A_42 = tpu.memref_slice %arg2[%dma_wait3A_40, %dma_wait3A_41] : memref<10000x128xf32, #tpu.memory_space<hbm>> -> memref<128x128xf32, #tpu.memory_space<hbm>>
    tpu.wait_dma2 semaphore(%arg17 : memref<!tpu.dma_semaphore, #tpu.memory_space<semaphore_mem>>) src(%dma_wait3A_42 : memref<128x128xf32, #tpu.memory_space<hbm>>) dst(%arg10 : memref<128x128xf32, #tpu.memory_space<vmem>>)
    %dma_start3A_43 = arith.constant 1 : i32
    %dma_start3A_44 = arith.constant 0 : i32
    %dma_start3A_45 = tpu.memref_slice %arg6[%dma_start3A_43, %dma_start3A_44] : memref<2x128xi32, #tpu.memory_space<vmem>> -> memref<1x128xi32, #tpu.memory_space<vmem>>
    %dma_start3A_46 = tpu.memref_squeeze %dma_start3A_45 : memref<1x128xi32, #tpu.memory_space<vmem>> -> memref<128xi32, #tpu.memory_space<vmem>>
    %dma_start3A_47 = arith.constant 0 : i32
    %dma_start3A_48 = arith.constant 0 : i32
    %dma_start3A_49 = tpu.memref_slice %arg12[%dma_start3A_47, %dma_start3A_48] : memref<10112x128xf32, #tpu.memory_space<vmem_shared>> -> memref<10112x128xf32, #tpu.memory_space<vmem_shared>>
    tpu.enqueue_indirect_dma source(%arg10 : memref<128x128xf32, #tpu.memory_space<vmem>>) target(%dma_start3A_49 : memref<10112x128xf32, #tpu.memory_space<vmem_shared>>) offsets(%dma_start3A_46 : memref<128xi32, #tpu.memory_space<vmem>>) semaphore(%arg19 : memref<!tpu.dma_semaphore, #tpu.memory_space<semaphore_mem>>) {add = true}
    %min3A = arith.constant 2 : i32
    %min3A_50 = arith.constant 159 : i32
    %min3A_51 = arith.minsi %min3A, %min3A_50 : i32
    %add3A_52 = arith.addi %mul3A_6, %min3A_51 : i32
    %dma_start3A_53 = arith.constant 0 : i32
    %dma_start3A_54 = arith.constant 0 : i32
    %dma_start3A_55 = tpu.memref_slice %arg3[%add3A_52, %dma_start3A_53, %dma_start3A_54] : memref<5120x2x128xi32, #tpu.memory_space<hbm>> -> memref<1x2x128xi32, #tpu.memory_space<hbm>>
    %dma_start3A_56 = tpu.memref_squeeze %dma_start3A_55 : memref<1x2x128xi32, #tpu.memory_space<hbm>> -> memref<2x128xi32, #tpu.memory_space<hbm>>
    %dma_start3A_57 = arith.constant 0 : i32
    %dma_start3A_58 = arith.constant 0 : i32
    %dma_start3A_59 = tpu.memref_slice %arg3[%add3A_52, %dma_start3A_57, %dma_start3A_58] : memref<5120x2x128xi32, #tpu.memory_space<hbm>> -> memref<1x2x128xi32, #tpu.memory_space<hbm>>
    %dma_start3A_60 = tpu.memref_squeeze %dma_start3A_59 : memref<1x2x128xi32, #tpu.memory_space<hbm>> -> memref<2x128xi32, #tpu.memory_space<hbm>>
    tpu.enqueue_dma source(%dma_start3A_60 : memref<2x128xi32, #tpu.memory_space<hbm>>) target(%arg8 : memref<2x128xi32, #tpu.memory_space<vmem>>) target_semaphore(%arg15 : memref<!tpu.dma_semaphore, #tpu.memory_space<semaphore_mem>>)
    %dma_wait3A_61 = arith.constant 0 : i32
    %dma_wait3A_62 = arith.constant 0 : i32
    %dma_wait3A_63 = tpu.memref_slice %arg3[%mul3A_6, %dma_wait3A_61, %dma_wait3A_62] : memref<5120x2x128xi32, #tpu.memory_space<hbm>> -> memref<1x2x128xi32, #tpu.memory_space<hbm>>
    %dma_wait3A_64 = tpu.memref_squeeze %dma_wait3A_63 : memref<1x2x128xi32, #tpu.memory_space<hbm>> -> memref<2x128xi32, #tpu.memory_space<hbm>>
    %dma_wait3A_65 = arith.constant 0 : i32
    %dma_wait3A_66 = arith.constant 0 : i32
    %dma_wait3A_67 = tpu.memref_slice %arg3[%mul3A_6, %dma_wait3A_65, %dma_wait3A_66] : memref<5120x2x128xi32, #tpu.memory_space<hbm>> -> memref<1x2x128xi32, #tpu.memory_space<hbm>>
    %dma_wait3A_68 = tpu.memref_squeeze %dma_wait3A_67 : memref<1x2x128xi32, #tpu.memory_space<hbm>> -> memref<2x128xi32, #tpu.memory_space<hbm>>
    tpu.wait_dma2 semaphore(%arg15 : memref<!tpu.dma_semaphore, #tpu.memory_space<semaphore_mem>>) src(%dma_wait3A_68 : memref<2x128xi32, #tpu.memory_space<hbm>>) dst(%arg8 : memref<2x128xi32, #tpu.memory_space<vmem>>)
    %dma_wait3A_69 = arith.constant 0 : i32
    %dma_wait3A_70 = arith.constant 0 : i32
    %dma_wait3A_71 = tpu.memref_slice %arg2[%dma_wait3A_69, %dma_wait3A_70] : memref<10000x128xf32, #tpu.memory_space<hbm>> -> memref<128x128xf32, #tpu.memory_space<hbm>>
    %dma_wait3A_72 = arith.constant 0 : i32
    %dma_wait3A_73 = arith.constant 0 : i32
    %dma_wait3A_74 = tpu.memref_slice %arg2[%dma_wait3A_72, %dma_wait3A_73] : memref<10000x128xf32, #tpu.memory_space<hbm>> -> memref<128x128xf32, #tpu.memory_space<hbm>>
    tpu.wait_dma2 semaphore(%arg19 : memref<!tpu.dma_semaphore, #tpu.memory_space<semaphore_mem>>) src(%dma_wait3A_74 : memref<128x128xf32, #tpu.memory_space<hbm>>) dst(%arg10 : memref<128x128xf32, #tpu.memory_space<vmem>>)
    %dma_start3A_75 = arith.constant 0 : i32
    %dma_start3A_76 = arith.constant 0 : i32
    %dma_start3A_77 = tpu.memref_slice %arg8[%dma_start3A_75, %dma_start3A_76] : memref<2x128xi32, #tpu.memory_space<vmem>> -> memref<1x128xi32, #tpu.memory_space<vmem>>
    %dma_start3A_78 = tpu.memref_squeeze %dma_start3A_77 : memref<1x128xi32, #tpu.memory_space<vmem>> -> memref<128xi32, #tpu.memory_space<vmem>>
    %dma_start3A_79 = arith.constant 0 : i32
    %dma_start3A_80 = arith.constant 0 : i32
    %dma_start3A_81 = tpu.memref_slice %arg2[%dma_start3A_79, %dma_start3A_80] : memref<10000x128xf32, #tpu.memory_space<hbm>> -> memref<10000x128xf32, #tpu.memory_space<hbm>>
    tpu.enqueue_indirect_dma source(%dma_start3A_81 : memref<10000x128xf32, #tpu.memory_space<hbm>>) target(%arg10 : memref<128x128xf32, #tpu.memory_space<vmem>>) offsets(%dma_start3A_78 : memref<128xi32, #tpu.memory_space<vmem>>) semaphore(%arg17 : memref<!tpu.dma_semaphore, #tpu.memory_space<semaphore_mem>>)
    %dma_wait3A_82 = arith.constant 0 : i32
    %dma_wait3A_83 = arith.constant 0 : i32
    %dma_wait3A_84 = tpu.memref_slice %arg2[%dma_wait3A_82, %dma_wait3A_83] : memref<10000x128xf32, #tpu.memory_space<hbm>> -> memref<128x128xf32, #tpu.memory_space<hbm>>
    %dma_wait3A_85 = arith.constant 0 : i32
    %dma_wait3A_86 = arith.constant 0 : i32
    %dma_wait3A_87 = tpu.memref_slice %arg2[%dma_wait3A_85, %dma_wait3A_86] : memref<10000x128xf32, #tpu.memory_space<hbm>> -> memref<128x128xf32, #tpu.memory_space<hbm>>
    tpu.wait_dma2 semaphore(%arg18 : memref<!tpu.dma_semaphore, #tpu.memory_space<semaphore_mem>>) src(%dma_wait3A_87 : memref<128x128xf32, #tpu.memory_space<hbm>>) dst(%arg11 : memref<128x128xf32, #tpu.memory_space<vmem>>)
    %dma_start3A_88 = arith.constant 1 : i32
    %dma_start3A_89 = arith.constant 0 : i32
    %dma_start3A_90 = tpu.memref_slice %arg7[%dma_start3A_88, %dma_start3A_89] : memref<2x128xi32, #tpu.memory_space<vmem>> -> memref<1x128xi32, #tpu.memory_space<vmem>>
    %dma_start3A_91 = tpu.memref_squeeze %dma_start3A_90 : memref<1x128xi32, #tpu.memory_space<vmem>> -> memref<128xi32, #tpu.memory_space<vmem>>
    %dma_start3A_92 = arith.constant 0 : i32
    %dma_start3A_93 = arith.constant 0 : i32
    %dma_start3A_94 = tpu.memref_slice %arg12[%dma_start3A_92, %dma_start3A_93] : memref<10112x128xf32, #tpu.memory_space<vmem_shared>> -> memref<10112x128xf32, #tpu.memory_space<vmem_shared>>
    tpu.enqueue_indirect_dma source(%arg11 : memref<128x128xf32, #tpu.memory_space<vmem>>) target(%dma_start3A_94 : memref<10112x128xf32, #tpu.memory_space<vmem_shared>>) offsets(%dma_start3A_91 : memref<128xi32, #tpu.memory_space<vmem>>) semaphore(%arg20 : memref<!tpu.dma_semaphore, #tpu.memory_space<semaphore_mem>>) {add = true}
    %min3A_95 = arith.constant 3 : i32
    %min3A_96 = arith.constant 159 : i32
    %min3A_97 = arith.minsi %min3A_95, %min3A_96 : i32
    %add3A_98 = arith.addi %mul3A_6, %min3A_97 : i32
    %dma_start3A_99 = arith.constant 0 : i32
    %dma_start3A_100 = arith.constant 0 : i32
    %dma_start3A_101 = tpu.memref_slice %arg3[%add3A_98, %dma_start3A_99, %dma_start3A_100] : memref<5120x2x128xi32, #tpu.memory_space<hbm>> -> memref<1x2x128xi32, #tpu.memory_space<hbm>>
    %dma_start3A_102 = tpu.memref_squeeze %dma_start3A_101 : memref<1x2x128xi32, #tpu.memory_space<hbm>> -> memref<2x128xi32, #tpu.memory_space<hbm>>
    %dma_start3A_103 = arith.constant 0 : i32
    %dma_start3A_104 = arith.constant 0 : i32
    %dma_start3A_105 = tpu.memref_slice %arg3[%add3A_98, %dma_start3A_103, %dma_start3A_104] : memref<5120x2x128xi32, #tpu.memory_space<hbm>> -> memref<1x2x128xi32, #tpu.memory_space<hbm>>
    %dma_start3A_106 = tpu.memref_squeeze %dma_start3A_105 : memref<1x2x128xi32, #tpu.memory_space<hbm>> -> memref<2x128xi32, #tpu.memory_space<hbm>>
    tpu.enqueue_dma source(%dma_start3A_106 : memref<2x128xi32, #tpu.memory_space<hbm>>) target(%arg9 : memref<2x128xi32, #tpu.memory_space<vmem>>) target_semaphore(%arg16 : memref<!tpu.dma_semaphore, #tpu.memory_space<semaphore_mem>>)
    %dma_wait3A_107 = arith.constant 0 : i32
    %dma_wait3A_108 = arith.constant 0 : i32
    %dma_wait3A_109 = tpu.memref_slice %arg3[%mul3A_6, %dma_wait3A_107, %dma_wait3A_108] : memref<5120x2x128xi32, #tpu.memory_space<hbm>> -> memref<1x2x128xi32, #tpu.memory_space<hbm>>
    %dma_wait3A_110 = tpu.memref_squeeze %dma_wait3A_109 : memref<1x2x128xi32, #tpu.memory_space<hbm>> -> memref<2x128xi32, #tpu.memory_space<hbm>>
    %dma_wait3A_111 = arith.constant 0 : i32
    %dma_wait3A_112 = arith.constant 0 : i32
    %dma_wait3A_113 = tpu.memref_slice %arg3[%mul3A_6, %dma_wait3A_111, %dma_wait3A_112] : memref<5120x2x128xi32, #tpu.memory_space<hbm>> -> memref<1x2x128xi32, #tpu.memory_space<hbm>>
    %dma_wait3A_114 = tpu.memref_squeeze %dma_wait3A_113 : memref<1x2x128xi32, #tpu.memory_space<hbm>> -> memref<2x128xi32, #tpu.memory_space<hbm>>
    tpu.wait_dma2 semaphore(%arg16 : memref<!tpu.dma_semaphore, #tpu.memory_space<semaphore_mem>>) src(%dma_wait3A_114 : memref<2x128xi32, #tpu.memory_space<hbm>>) dst(%arg9 : memref<2x128xi32, #tpu.memory_space<vmem>>)
    %dma_wait3A_115 = arith.constant 0 : i32
    %dma_wait3A_116 = arith.constant 0 : i32
    %dma_wait3A_117 = tpu.memref_slice %arg2[%dma_wait3A_115, %dma_wait3A_116] : memref<10000x128xf32, #tpu.memory_space<hbm>> -> memref<128x128xf32, #tpu.memory_space<hbm>>
    %dma_wait3A_118 = arith.constant 0 : i32
    %dma_wait3A_119 = arith.constant 0 : i32
    %dma_wait3A_120 = tpu.memref_slice %arg2[%dma_wait3A_118, %dma_wait3A_119] : memref<10000x128xf32, #tpu.memory_space<hbm>> -> memref<128x128xf32, #tpu.memory_space<hbm>>
    tpu.wait_dma2 semaphore(%arg20 : memref<!tpu.dma_semaphore, #tpu.memory_space<semaphore_mem>>) src(%dma_wait3A_120 : memref<128x128xf32, #tpu.memory_space<hbm>>) dst(%arg11 : memref<128x128xf32, #tpu.memory_space<vmem>>)
    %dma_start3A_121 = arith.constant 0 : i32
    %dma_start3A_122 = arith.constant 0 : i32
    %dma_start3A_123 = tpu.memref_slice %arg9[%dma_start3A_121, %dma_start3A_122] : memref<2x128xi32, #tpu.memory_space<vmem>> -> memref<1x128xi32, #tpu.memory_space<vmem>>
    %dma_start3A_124 = tpu.memref_squeeze %dma_start3A_123 : memref<1x128xi32, #tpu.memory_space<vmem>> -> memref<128xi32, #tpu.memory_space<vmem>>
    %dma_start3A_125 = arith.constant 0 : i32
    %dma_start3A_126 = arith.constant 0 : i32
    %dma_start3A_127 = tpu.memref_slice %arg2[%dma_start3A_125, %dma_start3A_126] : memref<10000x128xf32, #tpu.memory_space<hbm>> -> memref<10000x128xf32, #tpu.memory_space<hbm>>
    tpu.enqueue_indirect_dma source(%dma_start3A_127 : memref<10000x128xf32, #tpu.memory_space<hbm>>) target(%arg11 : memref<128x128xf32, #tpu.memory_space<vmem>>) offsets(%dma_start3A_124 : memref<128xi32, #tpu.memory_space<vmem>>) semaphore(%arg18 : memref<!tpu.dma_semaphore, #tpu.memory_space<semaphore_mem>>)
    %dma_wait3A_128 = arith.constant 0 : i32
    %dma_wait3A_129 = arith.constant 0 : i32
    %dma_wait3A_130 = tpu.memref_slice %arg2[%dma_wait3A_128, %dma_wait3A_129] : memref<10000x128xf32, #tpu.memory_space<hbm>> -> memref<128x128xf32, #tpu.memory_space<hbm>>
    %dma_wait3A_131 = arith.constant 0 : i32
    %dma_wait3A_132 = arith.constant 0 : i32
    %dma_wait3A_133 = tpu.memref_slice %arg2[%dma_wait3A_131, %dma_wait3A_132] : memref<10000x128xf32, #tpu.memory_space<hbm>> -> memref<128x128xf32, #tpu.memory_space<hbm>>
    tpu.wait_dma2 semaphore(%arg17 : memref<!tpu.dma_semaphore, #tpu.memory_space<semaphore_mem>>) src(%dma_wait3A_133 : memref<128x128xf32, #tpu.memory_space<hbm>>) dst(%arg10 : memref<128x128xf32, #tpu.memory_space<vmem>>)
    %dma_start3A_134 = arith.constant 1 : i32
    %dma_start3A_135 = arith.constant 0 : i32
    %dma_start3A_136 = tpu.memref_slice %arg8[%dma_start3A_134, %dma_start3A_135] : memref<2x128xi32, #tpu.memory_space<vmem>> -> memref<1x128xi32, #tpu.memory_space<vmem>>
    %dma_start3A_137 = tpu.memref_squeeze %dma_start3A_136 : memref<1x128xi32, #tpu.memory_space<vmem>> -> memref<128xi32, #tpu.memory_space<vmem>>
    %dma_start3A_138 = arith.constant 0 : i32
    %dma_start3A_139 = arith.constant 0 : i32
    %dma_start3A_140 = tpu.memref_slice %arg12[%dma_start3A_138, %dma_start3A_139] : memref<10112x128xf32, #tpu.memory_space<vmem_shared>> -> memref<10112x128xf32, #tpu.memory_space<vmem_shared>>
    tpu.enqueue_indirect_dma source(%arg10 : memref<128x128xf32, #tpu.memory_space<vmem>>) target(%dma_start3A_140 : memref<10112x128xf32, #tpu.memory_space<vmem_shared>>) offsets(%dma_start3A_137 : memref<128xi32, #tpu.memory_space<vmem>>) semaphore(%arg19 : memref<!tpu.dma_semaphore, #tpu.memory_space<semaphore_mem>>) {add = true}
    %min3A_141 = arith.constant 4 : i32
    %min3A_142 = arith.constant 159 : i32
    %min3A_143 = arith.minsi %min3A_141, %min3A_142 : i32
    %add3A_144 = arith.addi %mul3A_6, %min3A_143 : i32
    %dma_start3A_145 = arith.constant 0 : i32
    %dma_start3A_146 = arith.constant 0 : i32
    %dma_start3A_147 = tpu.memref_slice %arg3[%add3A_144, %dma_start3A_145, %dma_start3A_146] : memref<5120x2x128xi32, #tpu.memory_space<hbm>> -> memref<1x2x128xi32, #tpu.memory_space<hbm>>
    %dma_start3A_148 = tpu.memref_squeeze %dma_start3A_147 : memref<1x2x128xi32, #tpu.memory_space<hbm>> -> memref<2x128xi32, #tpu.memory_space<hbm>>
    %dma_start3A_149 = arith.constant 0 : i32
    %dma_start3A_150 = arith.constant 0 : i32
    %dma_start3A_151 = tpu.memref_slice %arg3[%add3A_144, %dma_start3A_149, %dma_start3A_150] : memref<5120x2x128xi32, #tpu.memory_space<hbm>> -> memref<1x2x128xi32, #tpu.memory_space<hbm>>
    %dma_start3A_152 = tpu.memref_squeeze %dma_start3A_151 : memref<1x2x128xi32, #tpu.memory_space<hbm>> -> memref<2x128xi32, #tpu.memory_space<hbm>>
    tpu.enqueue_dma source(%dma_start3A_152 : memref<2x128xi32, #tpu.memory_space<hbm>>) target(%arg6 : memref<2x128xi32, #tpu.memory_space<vmem>>) target_semaphore(%arg13 : memref<!tpu.dma_semaphore, #tpu.memory_space<semaphore_mem>>)
    %dma_wait3A_153 = arith.constant 0 : i32
    %dma_wait3A_154 = arith.constant 0 : i32
    %dma_wait3A_155 = tpu.memref_slice %arg3[%mul3A_6, %dma_wait3A_153, %dma_wait3A_154] : memref<5120x2x128xi32, #tpu.memory_space<hbm>> -> memref<1x2x128xi32, #tpu.memory_space<hbm>>
    %dma_wait3A_156 = tpu.memref_squeeze %dma_wait3A_155 : memref<1x2x128xi32, #tpu.memory_space<hbm>> -> memref<2x128xi32, #tpu.memory_space<hbm>>
    %dma_wait3A_157 = arith.constant 0 : i32
    %dma_wait3A_158 = arith.constant 0 : i32
    %dma_wait3A_159 = tpu.memref_slice %arg3[%mul3A_6, %dma_wait3A_157, %dma_wait3A_158] : memref<5120x2x128xi32, #tpu.memory_space<hbm>> -> memref<1x2x128xi32, #tpu.memory_space<hbm>>
    %dma_wait3A_160 = tpu.memref_squeeze %dma_wait3A_159 : memref<1x2x128xi32, #tpu.memory_space<hbm>> -> memref<2x128xi32, #tpu.memory_space<hbm>>
    tpu.wait_dma2 semaphore(%arg13 : memref<!tpu.dma_semaphore, #tpu.memory_space<semaphore_mem>>) src(%dma_wait3A_160 : memref<2x128xi32, #tpu.memory_space<hbm>>) dst(%arg6 : memref<2x128xi32, #tpu.memory_space<vmem>>)
    %dma_wait3A_161 = arith.constant 0 : i32
    %dma_wait3A_162 = arith.constant 0 : i32
    %dma_wait3A_163 = tpu.memref_slice %arg2[%dma_wait3A_161, %dma_wait3A_162] : memref<10000x128xf32, #tpu.memory_space<hbm>> -> memref<128x128xf32, #tpu.memory_space<hbm>>
    %dma_wait3A_164 = arith.constant 0 : i32
    %dma_wait3A_165 = arith.constant 0 : i32
    %dma_wait3A_166 = tpu.memref_slice %arg2[%dma_wait3A_164, %dma_wait3A_165] : memref<10000x128xf32, #tpu.memory_space<hbm>> -> memref<128x128xf32, #tpu.memory_space<hbm>>
    tpu.wait_dma2 semaphore(%arg19 : memref<!tpu.dma_semaphore, #tpu.memory_space<semaphore_mem>>) src(%dma_wait3A_166 : memref<128x128xf32, #tpu.memory_space<hbm>>) dst(%arg10 : memref<128x128xf32, #tpu.memory_space<vmem>>)
    %dma_start3A_167 = arith.constant 0 : i32
    %dma_start3A_168 = arith.constant 0 : i32
    %dma_start3A_169 = tpu.memref_slice %arg6[%dma_start3A_167, %dma_start3A_168] : memref<2x128xi32, #tpu.memory_space<vmem>> -> memref<1x128xi32, #tpu.memory_space<vmem>>
    %dma_start3A_170 = tpu.memref_squeeze %dma_start3A_169 : memref<1x128xi32, #tpu.memory_space<vmem>> -> memref<128xi32, #tpu.memory_space<vmem>>
    %dma_start3A_171 = arith.constant 0 : i32
    %dma_start3A_172 = arith.constant 0 : i32
    %dma_start3A_173 = tpu.memref_slice %arg2[%dma_start3A_171, %dma_start3A_172] : memref<10000x128xf32, #tpu.memory_space<hbm>> -> memref<10000x128xf32, #tpu.memory_space<hbm>>
    tpu.enqueue_indirect_dma source(%dma_start3A_173 : memref<10000x128xf32, #tpu.memory_space<hbm>>) target(%arg10 : memref<128x128xf32, #tpu.memory_space<vmem>>) offsets(%dma_start3A_170 : memref<128xi32, #tpu.memory_space<vmem>>) semaphore(%arg17 : memref<!tpu.dma_semaphore, #tpu.memory_space<semaphore_mem>>)
    %dma_wait3A_174 = arith.constant 0 : i32
    %dma_wait3A_175 = arith.constant 0 : i32
    %dma_wait3A_176 = tpu.memref_slice %arg2[%dma_wait3A_174, %dma_wait3A_175] : memref<10000x128xf32, #tpu.memory_space<hbm>> -> memref<128x128xf32, #tpu.memory_space<hbm>>
    %dma_wait3A_177 = arith.constant 0 : i32
    %dma_wait3A_178 = arith.constant 0 : i32
    %dma_wait3A_179 = tpu.memref_slice %arg2[%dma_wait3A_177, %dma_wait3A_178] : memref<10000x128xf32, #tpu.memory_space<hbm>> -> memref<128x128xf32, #tpu.memory_space<hbm>>
    tpu.wait_dma2 semaphore(%arg18 : memref<!tpu.dma_semaphore, #tpu.memory_space<semaphore_mem>>) src(%dma_wait3A_179 : memref<128x128xf32, #tpu.memory_space<hbm>>) dst(%arg11 : memref<128x128xf32, #tpu.memory_space<vmem>>)
    %dma_start3A_180 = arith.constant 1 : i32
    %dma_start3A_181 = arith.constant 0 : i32
    %dma_start3A_182 = tpu.memref_slice %arg9[%dma_start3A_180, %dma_start3A_181] : memref<2x128xi32, #tpu.memory_space<vmem>> -> memref<1x128xi32, #tpu.memory_space<vmem>>
    %dma_start3A_183 = tpu.memref_squeeze %dma_start3A_182 : memref<1x128xi32, #tpu.memory_space<vmem>> -> memref<128xi32, #tpu.memory_space<vmem>>
    %dma_start3A_184 = arith.constant 0 : i32
    %dma_start3A_185 = arith.constant 0 : i32
    %dma_start3A_186 = tpu.memref_slice %arg12[%dma_start3A_184, %dma_start3A_185] : memref<10112x128xf32, #tpu.memory_space<vmem_shared>> -> memref<10112x128xf32, #tpu.memory_space<vmem_shared>>
    tpu.enqueue_indirect_dma source(%arg11 : memref<128x128xf32, #tpu.memory_space<vmem>>) target(%dma_start3A_186 : memref<10112x128xf32, #tpu.memory_space<vmem_shared>>) offsets(%dma_start3A_183 : memref<128xi32, #tpu.memory_space<vmem>>) semaphore(%arg20 : memref<!tpu.dma_semaphore, #tpu.memory_space<semaphore_mem>>) {add = true}
    %min3A_187 = arith.constant 5 : i32
    %min3A_188 = arith.constant 159 : i32
    %min3A_189 = arith.minsi %min3A_187, %min3A_188 : i32
    %add3A_190 = arith.addi %mul3A_6, %min3A_189 : i32
    %dma_start3A_191 = arith.constant 0 : i32
    %dma_start3A_192 = arith.constant 0 : i32
    %dma_start3A_193 = tpu.memref_slice %arg3[%add3A_190, %dma_start3A_191, %dma_start3A_192] : memref<5120x2x128xi32, #tpu.memory_space<hbm>> -> memref<1x2x128xi32, #tpu.memory_space<hbm>>
    %dma_start3A_194 = tpu.memref_squeeze %dma_start3A_193 : memref<1x2x128xi32, #tpu.memory_space<hbm>> -> memref<2x128xi32, #tpu.memory_space<hbm>>
    %dma_start3A_195 = arith.constant 0 : i32
    %dma_start3A_196 = arith.constant 0 : i32
    %dma_start3A_197 = tpu.memref_slice %arg3[%add3A_190, %dma_start3A_195, %dma_start3A_196] : memref<5120x2x128xi32, #tpu.memory_space<hbm>> -> memref<1x2x128xi32, #tpu.memory_space<hbm>>
    %dma_start3A_198 = tpu.memref_squeeze %dma_start3A_197 : memref<1x2x128xi32, #tpu.memory_space<hbm>> -> memref<2x128xi32, #tpu.memory_space<hbm>>
    tpu.enqueue_dma source(%dma_start3A_198 : memref<2x128xi32, #tpu.memory_space<hbm>>) target(%arg7 : memref<2x128xi32, #tpu.memory_space<vmem>>) target_semaphore(%arg14 : memref<!tpu.dma_semaphore, #tpu.memory_space<semaphore_mem>>)
    %scan3A = arith.constant 0 : i32
    %scan3A_199 = arith.constant 1 : i32
    %scan3A_200 = arith.constant 39 : i32
    %scan3A_201 = arith.addi %scan3A_199, %scan3A_200 : i32
    %scan3A_202 = arith.constant 1 : i32
    scf.for %scan3A_229 = %scan3A_199 to %scan3A_201 step %scan3A_202  : i32 {
      %mul3A_230 = arith.constant 4 : i32
      %mul3A_231 = arith.muli %mul3A_230, %scan3A_229 : i32
      %add3A_232 = arith.constant 0 : i32
      %add3A_233 = arith.addi %mul3A_231, %add3A_232 : i32
      %dma_wait3A_234 = arith.constant 0 : i32
      %dma_wait3A_235 = arith.constant 0 : i32
      %dma_wait3A_236 = tpu.memref_slice %arg3[%mul3A_6, %dma_wait3A_234, %dma_wait3A_235] : memref<5120x2x128xi32, #tpu.memory_space<hbm>> -> memref<1x2x128xi32, #tpu.memory_space<hbm>>
      %dma_wait3A_237 = tpu.memref_squeeze %dma_wait3A_236 : memref<1x2x128xi32, #tpu.memory_space<hbm>> -> memref<2x128xi32, #tpu.memory_space<hbm>>
      %dma_wait3A_238 = arith.constant 0 : i32
      %dma_wait3A_239 = arith.constant 0 : i32
      %dma_wait3A_240 = tpu.memref_slice %arg3[%mul3A_6, %dma_wait3A_238, %dma_wait3A_239] : memref<5120x2x128xi32, #tpu.memory_space<hbm>> -> memref<1x2x128xi32, #tpu.memory_space<hbm>>
      %dma_wait3A_241 = tpu.memref_squeeze %dma_wait3A_240 : memref<1x2x128xi32, #tpu.memory_space<hbm>> -> memref<2x128xi32, #tpu.memory_space<hbm>>
      tpu.wait_dma2 semaphore(%arg14 : memref<!tpu.dma_semaphore, #tpu.memory_space<semaphore_mem>>) src(%dma_wait3A_241 : memref<2x128xi32, #tpu.memory_space<hbm>>) dst(%arg7 : memref<2x128xi32, #tpu.memory_space<vmem>>)
      %dma_wait3A_242 = arith.constant 0 : i32
      %dma_wait3A_243 = arith.constant 0 : i32
      %dma_wait3A_244 = tpu.memref_slice %arg2[%dma_wait3A_242, %dma_wait3A_243] : memref<10000x128xf32, #tpu.memory_space<hbm>> -> memref<128x128xf32, #tpu.memory_space<hbm>>
      %dma_wait3A_245 = arith.constant 0 : i32
      %dma_wait3A_246 = arith.constant 0 : i32
      %dma_wait3A_247 = tpu.memref_slice %arg2[%dma_wait3A_245, %dma_wait3A_246] : memref<10000x128xf32, #tpu.memory_space<hbm>> -> memref<128x128xf32, #tpu.memory_space<hbm>>
      tpu.wait_dma2 semaphore(%arg20 : memref<!tpu.dma_semaphore, #tpu.memory_space<semaphore_mem>>) src(%dma_wait3A_247 : memref<128x128xf32, #tpu.memory_space<hbm>>) dst(%arg11 : memref<128x128xf32, #tpu.memory_space<vmem>>)
      %dma_start3A_248 = arith.constant 0 : i32
      %dma_start3A_249 = arith.constant 0 : i32
      %dma_start3A_250 = tpu.memref_slice %arg7[%dma_start3A_248, %dma_start3A_249] : memref<2x128xi32, #tpu.memory_space<vmem>> -> memref<1x128xi32, #tpu.memory_space<vmem>>
      %dma_start3A_251 = tpu.memref_squeeze %dma_start3A_250 : memref<1x128xi32, #tpu.memory_space<vmem>> -> memref<128xi32, #tpu.memory_space<vmem>>
      %dma_start3A_252 = arith.constant 0 : i32
      %dma_start3A_253 = arith.constant 0 : i32
      %dma_start3A_254 = tpu.memref_slice %arg2[%dma_start3A_252, %dma_start3A_253] : memref<10000x128xf32, #tpu.memory_space<hbm>> -> memref<10000x128xf32, #tpu.memory_space<hbm>>
      tpu.enqueue_indirect_dma source(%dma_start3A_254 : memref<10000x128xf32, #tpu.memory_space<hbm>>) target(%arg11 : memref<128x128xf32, #tpu.memory_space<vmem>>) offsets(%dma_start3A_251 : memref<128xi32, #tpu.memory_space<vmem>>) semaphore(%arg18 : memref<!tpu.dma_semaphore, #tpu.memory_space<semaphore_mem>>)
      %dma_wait3A_255 = arith.constant 0 : i32
      %dma_wait3A_256 = arith.constant 0 : i32
      %dma_wait3A_257 = tpu.memref_slice %arg2[%dma_wait3A_255, %dma_wait3A_256] : memref<10000x128xf32, #tpu.memory_space<hbm>> -> memref<128x128xf32, #tpu.memory_space<hbm>>
      %dma_wait3A_258 = arith.constant 0 : i32
      %dma_wait3A_259 = arith.constant 0 : i32
      %dma_wait3A_260 = tpu.memref_slice %arg2[%dma_wait3A_258, %dma_wait3A_259] : memref<10000x128xf32, #tpu.memory_space<hbm>> -> memref<128x128xf32, #tpu.memory_space<hbm>>
      tpu.wait_dma2 semaphore(%arg17 : memref<!tpu.dma_semaphore, #tpu.memory_space<semaphore_mem>>) src(%dma_wait3A_260 : memref<128x128xf32, #tpu.memory_space<hbm>>) dst(%arg10 : memref<128x128xf32, #tpu.memory_space<vmem>>)
      %dma_start3A_261 = arith.constant 1 : i32
      %dma_start3A_262 = arith.constant 0 : i32
      %dma_start3A_263 = tpu.memref_slice %arg6[%dma_start3A_261, %dma_start3A_262] : memref<2x128xi32, #tpu.memory_space<vmem>> -> memref<1x128xi32, #tpu.memory_space<vmem>>
      %dma_start3A_264 = tpu.memref_squeeze %dma_start3A_263 : memref<1x128xi32, #tpu.memory_space<vmem>> -> memref<128xi32, #tpu.memory_space<vmem>>
      %dma_start3A_265 = arith.constant 0 : i32
      %dma_start3A_266 = arith.constant 0 : i32
      %dma_start3A_267 = tpu.memref_slice %arg12[%dma_start3A_265, %dma_start3A_266] : memref<10112x128xf32, #tpu.memory_space<vmem_shared>> -> memref<10112x128xf32, #tpu.memory_space<vmem_shared>>
      tpu.enqueue_indirect_dma source(%arg10 : memref<128x128xf32, #tpu.memory_space<vmem>>) target(%dma_start3A_267 : memref<10112x128xf32, #tpu.memory_space<vmem_shared>>) offsets(%dma_start3A_264 : memref<128xi32, #tpu.memory_space<vmem>>) semaphore(%arg19 : memref<!tpu.dma_semaphore, #tpu.memory_space<semaphore_mem>>) {add = true}
      %add3A_268 = arith.constant 2 : i32
      %add3A_269 = arith.addi %add3A_233, %add3A_268 : i32
      %min3A_270 = arith.constant 159 : i32
      %min3A_271 = arith.minsi %add3A_269, %min3A_270 : i32
      %add3A_272 = arith.addi %mul3A_6, %min3A_271 : i32
      %dma_start3A_273 = arith.constant 0 : i32
      %dma_start3A_274 = arith.constant 0 : i32
      %dma_start3A_275 = tpu.memref_slice %arg3[%add3A_272, %dma_start3A_273, %dma_start3A_274] : memref<5120x2x128xi32, #tpu.memory_space<hbm>> -> memref<1x2x128xi32, #tpu.memory_space<hbm>>
      %dma_start3A_276 = tpu.memref_squeeze %dma_start3A_275 : memref<1x2x128xi32, #tpu.memory_space<hbm>> -> memref<2x128xi32, #tpu.memory_space<hbm>>
      %dma_start3A_277 = arith.constant 0 : i32
      %dma_start3A_278 = arith.constant 0 : i32
      %dma_start3A_279 = tpu.memref_slice %arg3[%add3A_272, %dma_start3A_277, %dma_start3A_278] : memref<5120x2x128xi32, #tpu.memory_space<hbm>> -> memref<1x2x128xi32, #tpu.memory_space<hbm>>
      %dma_start3A_280 = tpu.memref_squeeze %dma_start3A_279 : memref<1x2x128xi32, #tpu.memory_space<hbm>> -> memref<2x128xi32, #tpu.memory_space<hbm>>
      tpu.enqueue_dma source(%dma_start3A_280 : memref<2x128xi32, #tpu.memory_space<hbm>>) target(%arg8 : memref<2x128xi32, #tpu.memory_space<vmem>>) target_semaphore(%arg15 : memref<!tpu.dma_semaphore, #tpu.memory_space<semaphore_mem>>)
      %mul3A_281 = arith.constant 4 : i32
      %mul3A_282 = arith.muli %mul3A_281, %scan3A_229 : i32
      %add3A_283 = arith.constant 1 : i32
      %add3A_284 = arith.addi %mul3A_282, %add3A_283 : i32
      %dma_wait3A_285 = arith.constant 0 : i32
      %dma_wait3A_286 = arith.constant 0 : i32
      %dma_wait3A_287 = tpu.memref_slice %arg3[%mul3A_6, %dma_wait3A_285, %dma_wait3A_286] : memref<5120x2x128xi32, #tpu.memory_space<hbm>> -> memref<1x2x128xi32, #tpu.memory_space<hbm>>
      %dma_wait3A_288 = tpu.memref_squeeze %dma_wait3A_287 : memref<1x2x128xi32, #tpu.memory_space<hbm>> -> memref<2x128xi32, #tpu.memory_space<hbm>>
      %dma_wait3A_289 = arith.constant 0 : i32
      %dma_wait3A_290 = arith.constant 0 : i32
      %dma_wait3A_291 = tpu.memref_slice %arg3[%mul3A_6, %dma_wait3A_289, %dma_wait3A_290] : memref<5120x2x128xi32, #tpu.memory_space<hbm>> -> memref<1x2x128xi32, #tpu.memory_space<hbm>>
      %dma_wait3A_292 = tpu.memref_squeeze %dma_wait3A_291 : memref<1x2x128xi32, #tpu.memory_space<hbm>> -> memref<2x128xi32, #tpu.memory_space<hbm>>
      tpu.wait_dma2 semaphore(%arg15 : memref<!tpu.dma_semaphore, #tpu.memory_space<semaphore_mem>>) src(%dma_wait3A_292 : memref<2x128xi32, #tpu.memory_space<hbm>>) dst(%arg8 : memref<2x128xi32, #tpu.memory_space<vmem>>)
      %dma_wait3A_293 = arith.constant 0 : i32
      %dma_wait3A_294 = arith.constant 0 : i32
      %dma_wait3A_295 = tpu.memref_slice %arg2[%dma_wait3A_293, %dma_wait3A_294] : memref<10000x128xf32, #tpu.memory_space<hbm>> -> memref<128x128xf32, #tpu.memory_space<hbm>>
      %dma_wait3A_296 = arith.constant 0 : i32
      %dma_wait3A_297 = arith.constant 0 : i32
      %dma_wait3A_298 = tpu.memref_slice %arg2[%dma_wait3A_296, %dma_wait3A_297] : memref<10000x128xf32, #tpu.memory_space<hbm>> -> memref<128x128xf32, #tpu.memory_space<hbm>>
      tpu.wait_dma2 semaphore(%arg19 : memref<!tpu.dma_semaphore, #tpu.memory_space<semaphore_mem>>) src(%dma_wait3A_298 : memref<128x128xf32, #tpu.memory_space<hbm>>) dst(%arg10 : memref<128x128xf32, #tpu.memory_space<vmem>>)
      %dma_start3A_299 = arith.constant 0 : i32
      %dma_start3A_300 = arith.constant 0 : i32
      %dma_start3A_301 = tpu.memref_slice %arg8[%dma_start3A_299, %dma_start3A_300] : memref<2x128xi32, #tpu.memory_space<vmem>> -> memref<1x128xi32, #tpu.memory_space<vmem>>
      %dma_start3A_302 = tpu.memref_squeeze %dma_start3A_301 : memref<1x128xi32, #tpu.memory_space<vmem>> -> memref<128xi32, #tpu.memory_space<vmem>>
      %dma_start3A_303 = arith.constant 0 : i32
      %dma_start3A_304 = arith.constant 0 : i32
      %dma_start3A_305 = tpu.memref_slice %arg2[%dma_start3A_303, %dma_start3A_304] : memref<10000x128xf32, #tpu.memory_space<hbm>> -> memref<10000x128xf32, #tpu.memory_space<hbm>>
      tpu.enqueue_indirect_dma source(%dma_start3A_305 : memref<10000x128xf32, #tpu.memory_space<hbm>>) target(%arg10 : memref<128x128xf32, #tpu.memory_space<vmem>>) offsets(%dma_start3A_302 : memref<128xi32, #tpu.memory_space<vmem>>) semaphore(%arg17 : memref<!tpu.dma_semaphore, #tpu.memory_space<semaphore_mem>>)
      %dma_wait3A_306 = arith.constant 0 : i32
      %dma_wait3A_307 = arith.constant 0 : i32
      %dma_wait3A_308 = tpu.memref_slice %arg2[%dma_wait3A_306, %dma_wait3A_307] : memref<10000x128xf32, #tpu.memory_space<hbm>> -> memref<128x128xf32, #tpu.memory_space<hbm>>
      %dma_wait3A_309 = arith.constant 0 : i32
      %dma_wait3A_310 = arith.constant 0 : i32
      %dma_wait3A_311 = tpu.memref_slice %arg2[%dma_wait3A_309, %dma_wait3A_310] : memref<10000x128xf32, #tpu.memory_space<hbm>> -> memref<128x128xf32, #tpu.memory_space<hbm>>
      tpu.wait_dma2 semaphore(%arg18 : memref<!tpu.dma_semaphore, #tpu.memory_space<semaphore_mem>>) src(%dma_wait3A_311 : memref<128x128xf32, #tpu.memory_space<hbm>>) dst(%arg11 : memref<128x128xf32, #tpu.memory_space<vmem>>)
      %dma_start3A_312 = arith.constant 1 : i32
      %dma_start3A_313 = arith.constant 0 : i32
      %dma_start3A_314 = tpu.memref_slice %arg7[%dma_start3A_312, %dma_start3A_313] : memref<2x128xi32, #tpu.memory_space<vmem>> -> memref<1x128xi32, #tpu.memory_space<vmem>>
      %dma_start3A_315 = tpu.memref_squeeze %dma_start3A_314 : memref<1x128xi32, #tpu.memory_space<vmem>> -> memref<128xi32, #tpu.memory_space<vmem>>
      %dma_start3A_316 = arith.constant 0 : i32
      %dma_start3A_317 = arith.constant 0 : i32
      %dma_start3A_318 = tpu.memref_slice %arg12[%dma_start3A_316, %dma_start3A_317] : memref<10112x128xf32, #tpu.memory_space<vmem_shared>> -> memref<10112x128xf32, #tpu.memory_space<vmem_shared>>
      tpu.enqueue_indirect_dma source(%arg11 : memref<128x128xf32, #tpu.memory_space<vmem>>) target(%dma_start3A_318 : memref<10112x128xf32, #tpu.memory_space<vmem_shared>>) offsets(%dma_start3A_315 : memref<128xi32, #tpu.memory_space<vmem>>) semaphore(%arg20 : memref<!tpu.dma_semaphore, #tpu.memory_space<semaphore_mem>>) {add = true}
      %add3A_319 = arith.constant 2 : i32
      %add3A_320 = arith.addi %add3A_284, %add3A_319 : i32
      %min3A_321 = arith.constant 159 : i32
      %min3A_322 = arith.minsi %add3A_320, %min3A_321 : i32
      %add3A_323 = arith.addi %mul3A_6, %min3A_322 : i32
      %dma_start3A_324 = arith.constant 0 : i32
      %dma_start3A_325 = arith.constant 0 : i32
      %dma_start3A_326 = tpu.memref_slice %arg3[%add3A_323, %dma_start3A_324, %dma_start3A_325] : memref<5120x2x128xi32, #tpu.memory_space<hbm>> -> memref<1x2x128xi32, #tpu.memory_space<hbm>>
      %dma_start3A_327 = tpu.memref_squeeze %dma_start3A_326 : memref<1x2x128xi32, #tpu.memory_space<hbm>> -> memref<2x128xi32, #tpu.memory_space<hbm>>
      %dma_start3A_328 = arith.constant 0 : i32
      %dma_start3A_329 = arith.constant 0 : i32
      %dma_start3A_330 = tpu.memref_slice %arg3[%add3A_323, %dma_start3A_328, %dma_start3A_329] : memref<5120x2x128xi32, #tpu.memory_space<hbm>> -> memref<1x2x128xi32, #tpu.memory_space<hbm>>
      %dma_start3A_331 = tpu.memref_squeeze %dma_start3A_330 : memref<1x2x128xi32, #tpu.memory_space<hbm>> -> memref<2x128xi32, #tpu.memory_space<hbm>>
      tpu.enqueue_dma source(%dma_start3A_331 : memref<2x128xi32, #tpu.memory_space<hbm>>) target(%arg9 : memref<2x128xi32, #tpu.memory_space<vmem>>) target_semaphore(%arg16 : memref<!tpu.dma_semaphore, #tpu.memory_space<semaphore_mem>>)
      %mul3A_332 = arith.constant 4 : i32
      %mul3A_333 = arith.muli %mul3A_332, %scan3A_229 : i32
      %add3A_334 = arith.constant 2 : i32
      %add3A_335 = arith.addi %mul3A_333, %add3A_334 : i32
      %dma_wait3A_336 = arith.constant 0 : i32
      %dma_wait3A_337 = arith.constant 0 : i32
      %dma_wait3A_338 = tpu.memref_slice %arg3[%mul3A_6, %dma_wait3A_336, %dma_wait3A_337] : memref<5120x2x128xi32, #tpu.memory_space<hbm>> -> memref<1x2x128xi32, #tpu.memory_space<hbm>>
      %dma_wait3A_339 = tpu.memref_squeeze %dma_wait3A_338 : memref<1x2x128xi32, #tpu.memory_space<hbm>> -> memref<2x128xi32, #tpu.memory_space<hbm>>
      %dma_wait3A_340 = arith.constant 0 : i32
      %dma_wait3A_341 = arith.constant 0 : i32
      %dma_wait3A_342 = tpu.memref_slice %arg3[%mul3A_6, %dma_wait3A_340, %dma_wait3A_341] : memref<5120x2x128xi32, #tpu.memory_space<hbm>> -> memref<1x2x128xi32, #tpu.memory_space<hbm>>
      %dma_wait3A_343 = tpu.memref_squeeze %dma_wait3A_342 : memref<1x2x128xi32, #tpu.memory_space<hbm>> -> memref<2x128xi32, #tpu.memory_space<hbm>>
      tpu.wait_dma2 semaphore(%arg16 : memref<!tpu.dma_semaphore, #tpu.memory_space<semaphore_mem>>) src(%dma_wait3A_343 : memref<2x128xi32, #tpu.memory_space<hbm>>) dst(%arg9 : memref<2x128xi32, #tpu.memory_space<vmem>>)
      %dma_wait3A_344 = arith.constant 0 : i32
      %dma_wait3A_345 = arith.constant 0 : i32
      %dma_wait3A_346 = tpu.memref_slice %arg2[%dma_wait3A_344, %dma_wait3A_345] : memref<10000x128xf32, #tpu.memory_space<hbm>> -> memref<128x128xf32, #tpu.memory_space<hbm>>
      %dma_wait3A_347 = arith.constant 0 : i32
      %dma_wait3A_348 = arith.constant 0 : i32
      %dma_wait3A_349 = tpu.memref_slice %arg2[%dma_wait3A_347, %dma_wait3A_348] : memref<10000x128xf32, #tpu.memory_space<hbm>> -> memref<128x128xf32, #tpu.memory_space<hbm>>
      tpu.wait_dma2 semaphore(%arg20 : memref<!tpu.dma_semaphore, #tpu.memory_space<semaphore_mem>>) src(%dma_wait3A_349 : memref<128x128xf32, #tpu.memory_space<hbm>>) dst(%arg11 : memref<128x128xf32, #tpu.memory_space<vmem>>)
      %dma_start3A_350 = arith.constant 0 : i32
      %dma_start3A_351 = arith.constant 0 : i32
      %dma_start3A_352 = tpu.memref_slice %arg9[%dma_start3A_350, %dma_start3A_351] : memref<2x128xi32, #tpu.memory_space<vmem>> -> memref<1x128xi32, #tpu.memory_space<vmem>>
      %dma_start3A_353 = tpu.memref_squeeze %dma_start3A_352 : memref<1x128xi32, #tpu.memory_space<vmem>> -> memref<128xi32, #tpu.memory_space<vmem>>
      %dma_start3A_354 = arith.constant 0 : i32
      %dma_start3A_355 = arith.constant 0 : i32
      %dma_start3A_356 = tpu.memref_slice %arg2[%dma_start3A_354, %dma_start3A_355] : memref<10000x128xf32, #tpu.memory_space<hbm>> -> memref<10000x128xf32, #tpu.memory_space<hbm>>
      tpu.enqueue_indirect_dma source(%dma_start3A_356 : memref<10000x128xf32, #tpu.memory_space<hbm>>) target(%arg11 : memref<128x128xf32, #tpu.memory_space<vmem>>) offsets(%dma_start3A_353 : memref<128xi32, #tpu.memory_space<vmem>>) semaphore(%arg18 : memref<!tpu.dma_semaphore, #tpu.memory_space<semaphore_mem>>)
      %dma_wait3A_357 = arith.constant 0 : i32
      %dma_wait3A_358 = arith.constant 0 : i32
      %dma_wait3A_359 = tpu.memref_slice %arg2[%dma_wait3A_357, %dma_wait3A_358] : memref<10000x128xf32, #tpu.memory_space<hbm>> -> memref<128x128xf32, #tpu.memory_space<hbm>>
      %dma_wait3A_360 = arith.constant 0 : i32
      %dma_wait3A_361 = arith.constant 0 : i32
      %dma_wait3A_362 = tpu.memref_slice %arg2[%dma_wait3A_360, %dma_wait3A_361] : memref<10000x128xf32, #tpu.memory_space<hbm>> -> memref<128x128xf32, #tpu.memory_space<hbm>>
      tpu.wait_dma2 semaphore(%arg17 : memref<!tpu.dma_semaphore, #tpu.memory_space<semaphore_mem>>) src(%dma_wait3A_362 : memref<128x128xf32, #tpu.memory_space<hbm>>) dst(%arg10 : memref<128x128xf32, #tpu.memory_space<vmem>>)
      %dma_start3A_363 = arith.constant 1 : i32
      %dma_start3A_364 = arith.constant 0 : i32
      %dma_start3A_365 = tpu.memref_slice %arg8[%dma_start3A_363, %dma_start3A_364] : memref<2x128xi32, #tpu.memory_space<vmem>> -> memref<1x128xi32, #tpu.memory_space<vmem>>
      %dma_start3A_366 = tpu.memref_squeeze %dma_start3A_365 : memref<1x128xi32, #tpu.memory_space<vmem>> -> memref<128xi32, #tpu.memory_space<vmem>>
      %dma_start3A_367 = arith.constant 0 : i32
      %dma_start3A_368 = arith.constant 0 : i32
      %dma_start3A_369 = tpu.memref_slice %arg12[%dma_start3A_367, %dma_start3A_368] : memref<10112x128xf32, #tpu.memory_space<vmem_shared>> -> memref<10112x128xf32, #tpu.memory_space<vmem_shared>>
      tpu.enqueue_indirect_dma source(%arg10 : memref<128x128xf32, #tpu.memory_space<vmem>>) target(%dma_start3A_369 : memref<10112x128xf32, #tpu.memory_space<vmem_shared>>) offsets(%dma_start3A_366 : memref<128xi32, #tpu.memory_space<vmem>>) semaphore(%arg19 : memref<!tpu.dma_semaphore, #tpu.memory_space<semaphore_mem>>) {add = true}
      %add3A_370 = arith.constant 2 : i32
      %add3A_371 = arith.addi %add3A_335, %add3A_370 : i32
      %min3A_372 = arith.constant 159 : i32
      %min3A_373 = arith.minsi %add3A_371, %min3A_372 : i32
      %add3A_374 = arith.addi %mul3A_6, %min3A_373 : i32
      %dma_start3A_375 = arith.constant 0 : i32
      %dma_start3A_376 = arith.constant 0 : i32
      %dma_start3A_377 = tpu.memref_slice %arg3[%add3A_374, %dma_start3A_375, %dma_start3A_376] : memref<5120x2x128xi32, #tpu.memory_space<hbm>> -> memref<1x2x128xi32, #tpu.memory_space<hbm>>
      %dma_start3A_378 = tpu.memref_squeeze %dma_start3A_377 : memref<1x2x128xi32, #tpu.memory_space<hbm>> -> memref<2x128xi32, #tpu.memory_space<hbm>>
      %dma_start3A_379 = arith.constant 0 : i32
      %dma_start3A_380 = arith.constant 0 : i32
      %dma_start3A_381 = tpu.memref_slice %arg3[%add3A_374, %dma_start3A_379, %dma_start3A_380] : memref<5120x2x128xi32, #tpu.memory_space<hbm>> -> memref<1x2x128xi32, #tpu.memory_space<hbm>>
      %dma_start3A_382 = tpu.memref_squeeze %dma_start3A_381 : memref<1x2x128xi32, #tpu.memory_space<hbm>> -> memref<2x128xi32, #tpu.memory_space<hbm>>
      tpu.enqueue_dma source(%dma_start3A_382 : memref<2x128xi32, #tpu.memory_space<hbm>>) target(%arg6 : memref<2x128xi32, #tpu.memory_space<vmem>>) target_semaphore(%arg13 : memref<!tpu.dma_semaphore, #tpu.memory_space<semaphore_mem>>)
      %mul3A_383 = arith.constant 4 : i32
      %mul3A_384 = arith.muli %mul3A_383, %scan3A_229 : i32
      %add3A_385 = arith.constant 3 : i32
      %add3A_386 = arith.addi %mul3A_384, %add3A_385 : i32
      %dma_wait3A_387 = arith.constant 0 : i32
      %dma_wait3A_388 = arith.constant 0 : i32
      %dma_wait3A_389 = tpu.memref_slice %arg3[%mul3A_6, %dma_wait3A_387, %dma_wait3A_388] : memref<5120x2x128xi32, #tpu.memory_space<hbm>> -> memref<1x2x128xi32, #tpu.memory_space<hbm>>
      %dma_wait3A_390 = tpu.memref_squeeze %dma_wait3A_389 : memref<1x2x128xi32, #tpu.memory_space<hbm>> -> memref<2x128xi32, #tpu.memory_space<hbm>>
      %dma_wait3A_391 = arith.constant 0 : i32
      %dma_wait3A_392 = arith.constant 0 : i32
      %dma_wait3A_393 = tpu.memref_slice %arg3[%mul3A_6, %dma_wait3A_391, %dma_wait3A_392] : memref<5120x2x128xi32, #tpu.memory_space<hbm>> -> memref<1x2x128xi32, #tpu.memory_space<hbm>>
      %dma_wait3A_394 = tpu.memref_squeeze %dma_wait3A_393 : memref<1x2x128xi32, #tpu.memory_space<hbm>> -> memref<2x128xi32, #tpu.memory_space<hbm>>
      tpu.wait_dma2 semaphore(%arg13 : memref<!tpu.dma_semaphore, #tpu.memory_space<semaphore_mem>>) src(%dma_wait3A_394 : memref<2x128xi32, #tpu.memory_space<hbm>>) dst(%arg6 : memref<2x128xi32, #tpu.memory_space<vmem>>)
      %dma_wait3A_395 = arith.constant 0 : i32
      %dma_wait3A_396 = arith.constant 0 : i32
      %dma_wait3A_397 = tpu.memref_slice %arg2[%dma_wait3A_395, %dma_wait3A_396] : memref<10000x128xf32, #tpu.memory_space<hbm>> -> memref<128x128xf32, #tpu.memory_space<hbm>>
      %dma_wait3A_398 = arith.constant 0 : i32
      %dma_wait3A_399 = arith.constant 0 : i32
      %dma_wait3A_400 = tpu.memref_slice %arg2[%dma_wait3A_398, %dma_wait3A_399] : memref<10000x128xf32, #tpu.memory_space<hbm>> -> memref<128x128xf32, #tpu.memory_space<hbm>>
      tpu.wait_dma2 semaphore(%arg19 : memref<!tpu.dma_semaphore, #tpu.memory_space<semaphore_mem>>) src(%dma_wait3A_400 : memref<128x128xf32, #tpu.memory_space<hbm>>) dst(%arg10 : memref<128x128xf32, #tpu.memory_space<vmem>>)
      %dma_start3A_401 = arith.constant 0 : i32
      %dma_start3A_402 = arith.constant 0 : i32
      %dma_start3A_403 = tpu.memref_slice %arg6[%dma_start3A_401, %dma_start3A_402] : memref<2x128xi32, #tpu.memory_space<vmem>> -> memref<1x128xi32, #tpu.memory_space<vmem>>
      %dma_start3A_404 = tpu.memref_squeeze %dma_start3A_403 : memref<1x128xi32, #tpu.memory_space<vmem>> -> memref<128xi32, #tpu.memory_space<vmem>>
      %dma_start3A_405 = arith.constant 0 : i32
      %dma_start3A_406 = arith.constant 0 : i32
      %dma_start3A_407 = tpu.memref_slice %arg2[%dma_start3A_405, %dma_start3A_406] : memref<10000x128xf32, #tpu.memory_space<hbm>> -> memref<10000x128xf32, #tpu.memory_space<hbm>>
      tpu.enqueue_indirect_dma source(%dma_start3A_407 : memref<10000x128xf32, #tpu.memory_space<hbm>>) target(%arg10 : memref<128x128xf32, #tpu.memory_space<vmem>>) offsets(%dma_start3A_404 : memref<128xi32, #tpu.memory_space<vmem>>) semaphore(%arg17 : memref<!tpu.dma_semaphore, #tpu.memory_space<semaphore_mem>>)
      %dma_wait3A_408 = arith.constant 0 : i32
      %dma_wait3A_409 = arith.constant 0 : i32
      %dma_wait3A_410 = tpu.memref_slice %arg2[%dma_wait3A_408, %dma_wait3A_409] : memref<10000x128xf32, #tpu.memory_space<hbm>> -> memref<128x128xf32, #tpu.memory_space<hbm>>
      %dma_wait3A_411 = arith.constant 0 : i32
      %dma_wait3A_412 = arith.constant 0 : i32
      %dma_wait3A_413 = tpu.memref_slice %arg2[%dma_wait3A_411, %dma_wait3A_412] : memref<10000x128xf32, #tpu.memory_space<hbm>> -> memref<128x128xf32, #tpu.memory_space<hbm>>
      tpu.wait_dma2 semaphore(%arg18 : memref<!tpu.dma_semaphore, #tpu.memory_space<semaphore_mem>>) src(%dma_wait3A_413 : memref<128x128xf32, #tpu.memory_space<hbm>>) dst(%arg11 : memref<128x128xf32, #tpu.memory_space<vmem>>)
      %dma_start3A_414 = arith.constant 1 : i32
      %dma_start3A_415 = arith.constant 0 : i32
      %dma_start3A_416 = tpu.memref_slice %arg9[%dma_start3A_414, %dma_start3A_415] : memref<2x128xi32, #tpu.memory_space<vmem>> -> memref<1x128xi32, #tpu.memory_space<vmem>>
      %dma_start3A_417 = tpu.memref_squeeze %dma_start3A_416 : memref<1x128xi32, #tpu.memory_space<vmem>> -> memref<128xi32, #tpu.memory_space<vmem>>
      %dma_start3A_418 = arith.constant 0 : i32
      %dma_start3A_419 = arith.constant 0 : i32
      %dma_start3A_420 = tpu.memref_slice %arg12[%dma_start3A_418, %dma_start3A_419] : memref<10112x128xf32, #tpu.memory_space<vmem_shared>> -> memref<10112x128xf32, #tpu.memory_space<vmem_shared>>
      tpu.enqueue_indirect_dma source(%arg11 : memref<128x128xf32, #tpu.memory_space<vmem>>) target(%dma_start3A_420 : memref<10112x128xf32, #tpu.memory_space<vmem_shared>>) offsets(%dma_start3A_417 : memref<128xi32, #tpu.memory_space<vmem>>) semaphore(%arg20 : memref<!tpu.dma_semaphore, #tpu.memory_space<semaphore_mem>>) {add = true}
      %add3A_421 = arith.constant 2 : i32
      %add3A_422 = arith.addi %add3A_386, %add3A_421 : i32
      %min3A_423 = arith.constant 159 : i32
      %min3A_424 = arith.minsi %add3A_422, %min3A_423 : i32
      %add3A_425 = arith.addi %mul3A_6, %min3A_424 : i32
      %dma_start3A_426 = arith.constant 0 : i32
      %dma_start3A_427 = arith.constant 0 : i32
      %dma_start3A_428 = tpu.memref_slice %arg3[%add3A_425, %dma_start3A_426, %dma_start3A_427] : memref<5120x2x128xi32, #tpu.memory_space<hbm>> -> memref<1x2x128xi32, #tpu.memory_space<hbm>>
      %dma_start3A_429 = tpu.memref_squeeze %dma_start3A_428 : memref<1x2x128xi32, #tpu.memory_space<hbm>> -> memref<2x128xi32, #tpu.memory_space<hbm>>
      %dma_start3A_430 = arith.constant 0 : i32
      %dma_start3A_431 = arith.constant 0 : i32
      %dma_start3A_432 = tpu.memref_slice %arg3[%add3A_425, %dma_start3A_430, %dma_start3A_431] : memref<5120x2x128xi32, #tpu.memory_space<hbm>> -> memref<1x2x128xi32, #tpu.memory_space<hbm>>
      %dma_start3A_433 = tpu.memref_squeeze %dma_start3A_432 : memref<1x2x128xi32, #tpu.memory_space<hbm>> -> memref<2x128xi32, #tpu.memory_space<hbm>>
      tpu.enqueue_dma source(%dma_start3A_433 : memref<2x128xi32, #tpu.memory_space<hbm>>) target(%arg7 : memref<2x128xi32, #tpu.memory_space<vmem>>) target_semaphore(%arg14 : memref<!tpu.dma_semaphore, #tpu.memory_space<semaphore_mem>>)
    }
    %scan3A_203 = arith.constant 39 : i32
    %dma_wait3A_204 = arith.constant 0 : i32
    %dma_wait3A_205 = arith.constant 0 : i32
    %dma_wait3A_206 = tpu.memref_slice %arg2[%dma_wait3A_204, %dma_wait3A_205] : memref<10000x128xf32, #tpu.memory_space<hbm>> -> memref<128x128xf32, #tpu.memory_space<hbm>>
    %dma_wait3A_207 = arith.constant 0 : i32
    %dma_wait3A_208 = arith.constant 0 : i32
    %dma_wait3A_209 = tpu.memref_slice %arg2[%dma_wait3A_207, %dma_wait3A_208] : memref<10000x128xf32, #tpu.memory_space<hbm>> -> memref<128x128xf32, #tpu.memory_space<hbm>>
    tpu.wait_dma2 semaphore(%arg17 : memref<!tpu.dma_semaphore, #tpu.memory_space<semaphore_mem>>) src(%dma_wait3A_209 : memref<128x128xf32, #tpu.memory_space<hbm>>) dst(%arg10 : memref<128x128xf32, #tpu.memory_space<vmem>>)
    %dma_wait3A_210 = arith.constant 0 : i32
    %dma_wait3A_211 = arith.constant 0 : i32
    %dma_wait3A_212 = tpu.memref_slice %arg2[%dma_wait3A_210, %dma_wait3A_211] : memref<10000x128xf32, #tpu.memory_space<hbm>> -> memref<128x128xf32, #tpu.memory_space<hbm>>
    %dma_wait3A_213 = arith.constant 0 : i32
    %dma_wait3A_214 = arith.constant 0 : i32
    %dma_wait3A_215 = tpu.memref_slice %arg2[%dma_wait3A_213, %dma_wait3A_214] : memref<10000x128xf32, #tpu.memory_space<hbm>> -> memref<128x128xf32, #tpu.memory_space<hbm>>
    tpu.wait_dma2 semaphore(%arg20 : memref<!tpu.dma_semaphore, #tpu.memory_space<semaphore_mem>>) src(%dma_wait3A_215 : memref<128x128xf32, #tpu.memory_space<hbm>>) dst(%arg11 : memref<128x128xf32, #tpu.memory_space<vmem>>)
    %dma_wait3A_216 = arith.constant 0 : i32
    %dma_wait3A_217 = arith.constant 0 : i32
    %dma_wait3A_218 = tpu.memref_slice %arg3[%mul3A_6, %dma_wait3A_216, %dma_wait3A_217] : memref<5120x2x128xi32, #tpu.memory_space<hbm>> -> memref<1x2x128xi32, #tpu.memory_space<hbm>>
    %dma_wait3A_219 = tpu.memref_squeeze %dma_wait3A_218 : memref<1x2x128xi32, #tpu.memory_space<hbm>> -> memref<2x128xi32, #tpu.memory_space<hbm>>
    %dma_wait3A_220 = arith.constant 0 : i32
    %dma_wait3A_221 = arith.constant 0 : i32
    %dma_wait3A_222 = tpu.memref_slice %arg3[%mul3A_6, %dma_wait3A_220, %dma_wait3A_221] : memref<5120x2x128xi32, #tpu.memory_space<hbm>> -> memref<1x2x128xi32, #tpu.memory_space<hbm>>
    %dma_wait3A_223 = tpu.memref_squeeze %dma_wait3A_222 : memref<1x2x128xi32, #tpu.memory_space<hbm>> -> memref<2x128xi32, #tpu.memory_space<hbm>>
    tpu.wait_dma2 semaphore(%arg14 : memref<!tpu.dma_semaphore, #tpu.memory_space<semaphore_mem>>) src(%dma_wait3A_223 : memref<2x128xi32, #tpu.memory_space<hbm>>) dst(%arg7 : memref<2x128xi32, #tpu.memory_space<vmem>>)
    %barrier3A_224 = arith.constant 0 : index
    tpu.barrier barrier_id(%barrier3A_224)
    %mul3A_225 = arith.constant 632 : i32
    %mul3A_226 = arith.muli %arg1, %mul3A_225 : i32
    %mul3A_227 = arith.constant 632 : i32
    %mul3A_228 = arith.muli %arg1, %mul3A_227 : i32
    "tpu.region"() ({
      %run_scoped3A = tpu.sem_alloc : memref<!tpu.dma_semaphore, #tpu.memory_space<semaphore_mem>>
      %dma_start3A_229 = arith.constant 0 : i32
      %dma_start3A_230 = arith.constant 0 : i32
      %dma_start3A_231 = tpu.memref_slice %arg5[%arg0, %dma_start3A_229, %dma_start3A_230] : memref<2x10112x128xf32, #tpu.memory_space<hbm>> -> memref<1x10112x128xf32, #tpu.memory_space<hbm>>
      %dma_start3A_232 = tpu.memref_squeeze %dma_start3A_231 : memref<1x10112x128xf32, #tpu.memory_space<hbm>> -> memref<10112x128xf32, #tpu.memory_space<hbm>>
      %dma_start3A_233 = arith.constant 0 : i32
      %dma_start3A_234 = tpu.memref_slice %dma_start3A_232[%mul3A_228, %dma_start3A_233] : memref<10112x128xf32, #tpu.memory_space<hbm>> -> memref<632x128xf32, #tpu.memory_space<hbm>>
      %dma_start3A_235 = arith.constant 0 : i32
      %dma_start3A_236 = tpu.memref_slice %arg12[%mul3A_226, %dma_start3A_235] : memref<10112x128xf32, #tpu.memory_space<vmem_shared>> -> memref<632x128xf32, #tpu.memory_space<vmem_shared>>
      tpu.enqueue_dma source(%dma_start3A_236 : memref<632x128xf32, #tpu.memory_space<vmem_shared>>) target(%dma_start3A_234 : memref<632x128xf32, #tpu.memory_space<hbm>>) target_semaphore(%run_scoped3A : memref<!tpu.dma_semaphore, #tpu.memory_space<semaphore_mem>>)
      %dma_wait3A_237 = arith.constant 0 : i32
      %dma_wait3A_238 = arith.constant 0 : i32
      %dma_wait3A_239 = tpu.memref_slice %arg5[%arg0, %dma_wait3A_237, %dma_wait3A_238] : memref<2x10112x128xf32, #tpu.memory_space<hbm>> -> memref<1x10112x128xf32, #tpu.memory_space<hbm>>
      %dma_wait3A_240 = tpu.memref_squeeze %dma_wait3A_239 : memref<1x10112x128xf32, #tpu.memory_space<hbm>> -> memref<10112x128xf32, #tpu.memory_space<hbm>>
      %dma_wait3A_241 = arith.constant 0 : i32
      %dma_wait3A_242 = tpu.memref_slice %dma_wait3A_240[%mul3A_228, %dma_wait3A_241] : memref<10112x128xf32, #tpu.memory_space<hbm>> -> memref<632x128xf32, #tpu.memory_space<hbm>>
      %dma_wait3A_243 = arith.constant 0 : i32
      %dma_wait3A_244 = tpu.memref_slice %arg12[%mul3A_226, %dma_wait3A_243] : memref<10112x128xf32, #tpu.memory_space<vmem_shared>> -> memref<632x128xf32, #tpu.memory_space<vmem_shared>>
      tpu.wait_dma2 semaphore(%run_scoped3A : memref<!tpu.dma_semaphore, #tpu.memory_space<semaphore_mem>>) src(%dma_wait3A_244 : memref<632x128xf32, #tpu.memory_space<vmem_shared>>) dst(%dma_wait3A_242 : memref<632x128xf32, #tpu.memory_space<hbm>>)
      tpu.yield
    }) : () -> ()
    return
  }
}

#map = affine_map<(d0, d1) -> (0, 0)>
#map1 = affine_map<(d0, d1) -> (0, 0, 0)>
module attributes {stable_mosaic.version = 14 : i64} {
  func.func @_edge_agg_body(%arg0: i32, %arg1: i32, %arg2: memref<10000x128xf32, #tpu.memory_space<hbm>>, %arg3: memref<5120x2x128xi32, #tpu.memory_space<hbm>>, %arg4: memref<10112x128xf32, #tpu.memory_space<hbm>>, %arg5: memref<2x10112x128xf32, #tpu.memory_space<hbm>>, %arg6: memref<2x128xi32, #tpu.memory_space<vmem>>, %arg7: memref<2x128xi32, #tpu.memory_space<vmem>>, %arg8: memref<2x128xi32, #tpu.memory_space<vmem>>, %arg9: memref<2x128xi32, #tpu.memory_space<vmem>>, %arg10: memref<128x128xf32, #tpu.memory_space<vmem>>, %arg11: memref<128x128xf32, #tpu.memory_space<vmem>>, %arg12: memref<10112x128xf32, #tpu.memory_space<vmem_shared>>, %arg13: memref<!tpu.dma_semaphore, #tpu.memory_space<semaphore_mem>>, %arg14: memref<!tpu.dma_semaphore, #tpu.memory_space<semaphore_mem>>, %arg15: memref<!tpu.dma_semaphore, #tpu.memory_space<semaphore_mem>>, %arg16: memref<!tpu.dma_semaphore, #tpu.memory_space<semaphore_mem>>, %arg17: memref<!tpu.dma_semaphore, #tpu.memory_space<semaphore_mem>>, %arg18: memref<!tpu.dma_semaphore, #tpu.memory_space<semaphore_mem>>, %arg19: memref<!tpu.dma_semaphore, #tpu.memory_space<semaphore_mem>>, %arg20: memref<!tpu.dma_semaphore, #tpu.memory_space<semaphore_mem>>) attributes {dimension_semantics = [#tpu.dimension_semantics<core_parallel>, #tpu.dimension_semantics<subcore_parallel>], iteration_bounds = array<i64: 2, 16>, scalar_prefetch = 0 : i64, scratch_operands = 15 : i64, tpu.core_type = #tpu.core_type<sc_vector_subcore>, window_params = [{transform_indices = #map}, {transform_indices = #map1}, {transform_indices = #map}, {transform_indices = #map1}]} {
    %mul3A = arith.constant 16 : i32
    %mul3A_0 = arith.muli %arg0, %mul3A : i32
    %add3A = arith.addi %mul3A_0, %arg1 : i32
    %mul3A_1 = arith.constant 632 : i32
    %mul3A_2 = arith.muli %arg1, %mul3A_1 : i32
    %mul3A_3 = arith.constant 632 : i32
    %mul3A_4 = arith.muli %arg1, %mul3A_3 : i32
    "tpu.region"() ({
      %run_scoped3A = tpu.sem_alloc : memref<!tpu.dma_semaphore, #tpu.memory_space<semaphore_mem>>
      %dma_start3A_229 = arith.constant 0 : i32
      %dma_start3A_230 = tpu.memref_slice %arg12[%mul3A_4, %dma_start3A_229] : memref<10112x128xf32, #tpu.memory_space<vmem_shared>> -> memref<632x128xf32, #tpu.memory_space<vmem_shared>>
      %dma_start3A_231 = arith.constant 0 : i32
      %dma_start3A_232 = tpu.memref_slice %arg4[%mul3A_2, %dma_start3A_231] : memref<10112x128xf32, #tpu.memory_space<hbm>> -> memref<632x128xf32, #tpu.memory_space<hbm>>
      tpu.enqueue_dma source(%dma_start3A_232 : memref<632x128xf32, #tpu.memory_space<hbm>>) target(%dma_start3A_230 : memref<632x128xf32, #tpu.memory_space<vmem_shared>>) target_semaphore(%run_scoped3A : memref<!tpu.dma_semaphore, #tpu.memory_space<semaphore_mem>>)
      %dma_wait3A_233 = arith.constant 0 : i32
      %dma_wait3A_234 = tpu.memref_slice %arg12[%mul3A_4, %dma_wait3A_233] : memref<10112x128xf32, #tpu.memory_space<vmem_shared>> -> memref<632x128xf32, #tpu.memory_space<vmem_shared>>
      %dma_wait3A_235 = arith.constant 0 : i32
      %dma_wait3A_236 = tpu.memref_slice %arg4[%mul3A_2, %dma_wait3A_235] : memref<10112x128xf32, #tpu.memory_space<hbm>> -> memref<632x128xf32, #tpu.memory_space<hbm>>
      tpu.wait_dma2 semaphore(%run_scoped3A : memref<!tpu.dma_semaphore, #tpu.memory_space<semaphore_mem>>) src(%dma_wait3A_236 : memref<632x128xf32, #tpu.memory_space<hbm>>) dst(%dma_wait3A_234 : memref<632x128xf32, #tpu.memory_space<vmem_shared>>)
      tpu.yield
    }) : () -> ()
    %barrier3A = arith.constant 0 : index
    tpu.barrier barrier_id(%barrier3A)
    %mul3A_5 = arith.constant 160 : i32
    %mul3A_6 = arith.muli %add3A, %mul3A_5 : i32
    "tpu.region"() ({
      %run_scoped3A = tpu.sem_alloc : memref<!tpu.dma_semaphore, #tpu.memory_space<semaphore_mem>>
      %dma_start3A_229 = arith.constant 0 : i32
      %dma_start3A_230 = arith.constant 0 : i32
      %dma_start3A_231 = tpu.memref_slice %arg3[%mul3A_6, %dma_start3A_229, %dma_start3A_230] : memref<5120x2x128xi32, #tpu.memory_space<hbm>> -> memref<1x2x128xi32, #tpu.memory_space<hbm>>
      %dma_start3A_232 = tpu.memref_squeeze %dma_start3A_231 : memref<1x2x128xi32, #tpu.memory_space<hbm>> -> memref<2x128xi32, #tpu.memory_space<hbm>>
      %dma_start3A_233 = arith.constant 0 : i32
      %dma_start3A_234 = arith.constant 0 : i32
      %dma_start3A_235 = tpu.memref_slice %arg3[%mul3A_6, %dma_start3A_233, %dma_start3A_234] : memref<5120x2x128xi32, #tpu.memory_space<hbm>> -> memref<1x2x128xi32, #tpu.memory_space<hbm>>
      %dma_start3A_236 = tpu.memref_squeeze %dma_start3A_235 : memref<1x2x128xi32, #tpu.memory_space<hbm>> -> memref<2x128xi32, #tpu.memory_space<hbm>>
      tpu.enqueue_dma source(%dma_start3A_236 : memref<2x128xi32, #tpu.memory_space<hbm>>) target(%arg6 : memref<2x128xi32, #tpu.memory_space<vmem>>) target_semaphore(%run_scoped3A : memref<!tpu.dma_semaphore, #tpu.memory_space<semaphore_mem>>)
      %dma_wait3A_237 = arith.constant 0 : i32
      %dma_wait3A_238 = arith.constant 0 : i32
      %dma_wait3A_239 = tpu.memref_slice %arg3[%mul3A_6, %dma_wait3A_237, %dma_wait3A_238] : memref<5120x2x128xi32, #tpu.memory_space<hbm>> -> memref<1x2x128xi32, #tpu.memory_space<hbm>>
      %dma_wait3A_240 = tpu.memref_squeeze %dma_wait3A_239 : memref<1x2x128xi32, #tpu.memory_space<hbm>> -> memref<2x128xi32, #tpu.memory_space<hbm>>
      %dma_wait3A_241 = arith.constant 0 : i32
      %dma_wait3A_242 = arith.constant 0 : i32
      %dma_wait3A_243 = tpu.memref_slice %arg3[%mul3A_6, %dma_wait3A_241, %dma_wait3A_242] : memref<5120x2x128xi32, #tpu.memory_space<hbm>> -> memref<1x2x128xi32, #tpu.memory_space<hbm>>
      %dma_wait3A_244 = tpu.memref_squeeze %dma_wait3A_243 : memref<1x2x128xi32, #tpu.memory_space<hbm>> -> memref<2x128xi32, #tpu.memory_space<hbm>>
      tpu.wait_dma2 semaphore(%run_scoped3A : memref<!tpu.dma_semaphore, #tpu.memory_space<semaphore_mem>>) src(%dma_wait3A_244 : memref<2x128xi32, #tpu.memory_space<hbm>>) dst(%arg6 : memref<2x128xi32, #tpu.memory_space<vmem>>)
      tpu.yield
    }) : () -> ()
    %add3A_7 = arith.constant 1 : i32
    %add3A_8 = arith.addi %mul3A_6, %add3A_7 : i32
    %dma_start3A = arith.constant 0 : i32
    %dma_start3A_9 = arith.constant 0 : i32
    %dma_start3A_10 = tpu.memref_slice %arg3[%add3A_8, %dma_start3A, %dma_start3A_9] : memref<5120x2x128xi32, #tpu.memory_space<hbm>> -> memref<1x2x128xi32, #tpu.memory_space<hbm>>
    %dma_start3A_11 = tpu.memref_squeeze %dma_start3A_10 : memref<1x2x128xi32, #tpu.memory_space<hbm>> -> memref<2x128xi32, #tpu.memory_space<hbm>>
    %dma_start3A_12 = arith.constant 0 : i32
    %dma_start3A_13 = arith.constant 0 : i32
    %dma_start3A_14 = tpu.memref_slice %arg3[%add3A_8, %dma_start3A_12, %dma_start3A_13] : memref<5120x2x128xi32, #tpu.memory_space<hbm>> -> memref<1x2x128xi32, #tpu.memory_space<hbm>>
    %dma_start3A_15 = tpu.memref_squeeze %dma_start3A_14 : memref<1x2x128xi32, #tpu.memory_space<hbm>> -> memref<2x128xi32, #tpu.memory_space<hbm>>
    tpu.enqueue_dma source(%dma_start3A_15 : memref<2x128xi32, #tpu.memory_space<hbm>>) target(%arg7 : memref<2x128xi32, #tpu.memory_space<vmem>>) target_semaphore(%arg14 : memref<!tpu.dma_semaphore, #tpu.memory_space<semaphore_mem>>)
    %dma_start3A_16 = arith.constant 0 : i32
    %dma_start3A_17 = arith.constant 0 : i32
    %dma_start3A_18 = tpu.memref_slice %arg6[%dma_start3A_16, %dma_start3A_17] : memref<2x128xi32, #tpu.memory_space<vmem>> -> memref<1x128xi32, #tpu.memory_space<vmem>>
    %dma_start3A_19 = tpu.memref_squeeze %dma_start3A_18 : memref<1x128xi32, #tpu.memory_space<vmem>> -> memref<128xi32, #tpu.memory_space<vmem>>
    %dma_start3A_20 = arith.constant 0 : i32
    %dma_start3A_21 = arith.constant 0 : i32
    %dma_start3A_22 = tpu.memref_slice %arg2[%dma_start3A_20, %dma_start3A_21] : memref<10000x128xf32, #tpu.memory_space<hbm>> -> memref<10000x128xf32, #tpu.memory_space<hbm>>
    tpu.enqueue_indirect_dma source(%dma_start3A_22 : memref<10000x128xf32, #tpu.memory_space<hbm>>) target(%arg10 : memref<128x128xf32, #tpu.memory_space<vmem>>) offsets(%dma_start3A_19 : memref<128xi32, #tpu.memory_space<vmem>>) semaphore(%arg17 : memref<!tpu.dma_semaphore, #tpu.memory_space<semaphore_mem>>)
    %dma_wait3A = arith.constant 0 : i32
    %dma_wait3A_23 = arith.constant 0 : i32
    %dma_wait3A_24 = tpu.memref_slice %arg3[%mul3A_6, %dma_wait3A, %dma_wait3A_23] : memref<5120x2x128xi32, #tpu.memory_space<hbm>> -> memref<1x2x128xi32, #tpu.memory_space<hbm>>
    %dma_wait3A_25 = tpu.memref_squeeze %dma_wait3A_24 : memref<1x2x128xi32, #tpu.memory_space<hbm>> -> memref<2x128xi32, #tpu.memory_space<hbm>>
    %dma_wait3A_26 = arith.constant 0 : i32
    %dma_wait3A_27 = arith.constant 0 : i32
    %dma_wait3A_28 = tpu.memref_slice %arg3[%mul3A_6, %dma_wait3A_26, %dma_wait3A_27] : memref<5120x2x128xi32, #tpu.memory_space<hbm>> -> memref<1x2x128xi32, #tpu.memory_space<hbm>>
    %dma_wait3A_29 = tpu.memref_squeeze %dma_wait3A_28 : memref<1x2x128xi32, #tpu.memory_space<hbm>> -> memref<2x128xi32, #tpu.memory_space<hbm>>
    tpu.wait_dma2 semaphore(%arg14 : memref<!tpu.dma_semaphore, #tpu.memory_space<semaphore_mem>>) src(%dma_wait3A_29 : memref<2x128xi32, #tpu.memory_space<hbm>>) dst(%arg7 : memref<2x128xi32, #tpu.memory_space<vmem>>)
    %dma_start3A_30 = arith.constant 0 : i32
    %dma_start3A_31 = arith.constant 0 : i32
    %dma_start3A_32 = tpu.memref_slice %arg7[%dma_start3A_30, %dma_start3A_31] : memref<2x128xi32, #tpu.memory_space<vmem>> -> memref<1x128xi32, #tpu.memory_space<vmem>>
    %dma_start3A_33 = tpu.memref_squeeze %dma_start3A_32 : memref<1x128xi32, #tpu.memory_space<vmem>> -> memref<128xi32, #tpu.memory_space<vmem>>
    %dma_start3A_34 = arith.constant 0 : i32
    %dma_start3A_35 = arith.constant 0 : i32
    %dma_start3A_36 = tpu.memref_slice %arg2[%dma_start3A_34, %dma_start3A_35] : memref<10000x128xf32, #tpu.memory_space<hbm>> -> memref<10000x128xf32, #tpu.memory_space<hbm>>
    tpu.enqueue_indirect_dma source(%dma_start3A_36 : memref<10000x128xf32, #tpu.memory_space<hbm>>) target(%arg11 : memref<128x128xf32, #tpu.memory_space<vmem>>) offsets(%dma_start3A_33 : memref<128xi32, #tpu.memory_space<vmem>>) semaphore(%arg18 : memref<!tpu.dma_semaphore, #tpu.memory_space<semaphore_mem>>)
    %dma_wait3A_37 = arith.constant 0 : i32
    %dma_wait3A_38 = arith.constant 0 : i32
    %dma_wait3A_39 = tpu.memref_slice %arg2[%dma_wait3A_37, %dma_wait3A_38] : memref<10000x128xf32, #tpu.memory_space<hbm>> -> memref<128x128xf32, #tpu.memory_space<hbm>>
    %dma_wait3A_40 = arith.constant 0 : i32
    %dma_wait3A_41 = arith.constant 0 : i32
    %dma_wait3A_42 = tpu.memref_slice %arg2[%dma_wait3A_40, %dma_wait3A_41] : memref<10000x128xf32, #tpu.memory_space<hbm>> -> memref<128x128xf32, #tpu.memory_space<hbm>>
    tpu.wait_dma2 semaphore(%arg17 : memref<!tpu.dma_semaphore, #tpu.memory_space<semaphore_mem>>) src(%dma_wait3A_42 : memref<128x128xf32, #tpu.memory_space<hbm>>) dst(%arg10 : memref<128x128xf32, #tpu.memory_space<vmem>>)
    %dma_start3A_43 = arith.constant 1 : i32
    %dma_start3A_44 = arith.constant 0 : i32
    %dma_start3A_45 = tpu.memref_slice %arg6[%dma_start3A_43, %dma_start3A_44] : memref<2x128xi32, #tpu.memory_space<vmem>> -> memref<1x128xi32, #tpu.memory_space<vmem>>
    %dma_start3A_46 = tpu.memref_squeeze %dma_start3A_45 : memref<1x128xi32, #tpu.memory_space<vmem>> -> memref<128xi32, #tpu.memory_space<vmem>>
    %dma_start3A_47 = arith.constant 0 : i32
    %dma_start3A_48 = arith.constant 0 : i32
    %dma_start3A_49 = tpu.memref_slice %arg12[%dma_start3A_47, %dma_start3A_48] : memref<10112x128xf32, #tpu.memory_space<vmem_shared>> -> memref<10112x128xf32, #tpu.memory_space<vmem_shared>>
    tpu.enqueue_indirect_dma source(%arg10 : memref<128x128xf32, #tpu.memory_space<vmem>>) target(%dma_start3A_49 : memref<10112x128xf32, #tpu.memory_space<vmem_shared>>) offsets(%dma_start3A_46 : memref<128xi32, #tpu.memory_space<vmem>>) semaphore(%arg19 : memref<!tpu.dma_semaphore, #tpu.memory_space<semaphore_mem>>) {add = true}
    %min3A = arith.constant 2 : i32
    %min3A_50 = arith.constant 159 : i32
    %min3A_51 = arith.minsi %min3A, %min3A_50 : i32
    %add3A_52 = arith.addi %mul3A_6, %min3A_51 : i32
    %dma_start3A_53 = arith.constant 0 : i32
    %dma_start3A_54 = arith.constant 0 : i32
    %dma_start3A_55 = tpu.memref_slice %arg3[%add3A_52, %dma_start3A_53, %dma_start3A_54] : memref<5120x2x128xi32, #tpu.memory_space<hbm>> -> memref<1x2x128xi32, #tpu.memory_space<hbm>>
    %dma_start3A_56 = tpu.memref_squeeze %dma_start3A_55 : memref<1x2x128xi32, #tpu.memory_space<hbm>> -> memref<2x128xi32, #tpu.memory_space<hbm>>
    %dma_start3A_57 = arith.constant 0 : i32
    %dma_start3A_58 = arith.constant 0 : i32
    %dma_start3A_59 = tpu.memref_slice %arg3[%add3A_52, %dma_start3A_57, %dma_start3A_58] : memref<5120x2x128xi32, #tpu.memory_space<hbm>> -> memref<1x2x128xi32, #tpu.memory_space<hbm>>
    %dma_start3A_60 = tpu.memref_squeeze %dma_start3A_59 : memref<1x2x128xi32, #tpu.memory_space<hbm>> -> memref<2x128xi32, #tpu.memory_space<hbm>>
    tpu.enqueue_dma source(%dma_start3A_60 : memref<2x128xi32, #tpu.memory_space<hbm>>) target(%arg8 : memref<2x128xi32, #tpu.memory_space<vmem>>) target_semaphore(%arg15 : memref<!tpu.dma_semaphore, #tpu.memory_space<semaphore_mem>>)
    %dma_wait3A_61 = arith.constant 0 : i32
    %dma_wait3A_62 = arith.constant 0 : i32
    %dma_wait3A_63 = tpu.memref_slice %arg3[%mul3A_6, %dma_wait3A_61, %dma_wait3A_62] : memref<5120x2x128xi32, #tpu.memory_space<hbm>> -> memref<1x2x128xi32, #tpu.memory_space<hbm>>
    %dma_wait3A_64 = tpu.memref_squeeze %dma_wait3A_63 : memref<1x2x128xi32, #tpu.memory_space<hbm>> -> memref<2x128xi32, #tpu.memory_space<hbm>>
    %dma_wait3A_65 = arith.constant 0 : i32
    %dma_wait3A_66 = arith.constant 0 : i32
    %dma_wait3A_67 = tpu.memref_slice %arg3[%mul3A_6, %dma_wait3A_65, %dma_wait3A_66] : memref<5120x2x128xi32, #tpu.memory_space<hbm>> -> memref<1x2x128xi32, #tpu.memory_space<hbm>>
    %dma_wait3A_68 = tpu.memref_squeeze %dma_wait3A_67 : memref<1x2x128xi32, #tpu.memory_space<hbm>> -> memref<2x128xi32, #tpu.memory_space<hbm>>
    tpu.wait_dma2 semaphore(%arg15 : memref<!tpu.dma_semaphore, #tpu.memory_space<semaphore_mem>>) src(%dma_wait3A_68 : memref<2x128xi32, #tpu.memory_space<hbm>>) dst(%arg8 : memref<2x128xi32, #tpu.memory_space<vmem>>)
    %dma_wait3A_69 = arith.constant 0 : i32
    %dma_wait3A_70 = arith.constant 0 : i32
    %dma_wait3A_71 = tpu.memref_slice %arg2[%dma_wait3A_69, %dma_wait3A_70] : memref<10000x128xf32, #tpu.memory_space<hbm>> -> memref<128x128xf32, #tpu.memory_space<hbm>>
    %dma_wait3A_72 = arith.constant 0 : i32
    %dma_wait3A_73 = arith.constant 0 : i32
    %dma_wait3A_74 = tpu.memref_slice %arg2[%dma_wait3A_72, %dma_wait3A_73] : memref<10000x128xf32, #tpu.memory_space<hbm>> -> memref<128x128xf32, #tpu.memory_space<hbm>>
    tpu.wait_dma2 semaphore(%arg19 : memref<!tpu.dma_semaphore, #tpu.memory_space<semaphore_mem>>) src(%dma_wait3A_74 : memref<128x128xf32, #tpu.memory_space<hbm>>) dst(%arg10 : memref<128x128xf32, #tpu.memory_space<vmem>>)
    %dma_start3A_75 = arith.constant 0 : i32
    %dma_start3A_76 = arith.constant 0 : i32
    %dma_start3A_77 = tpu.memref_slice %arg8[%dma_start3A_75, %dma_start3A_76] : memref<2x128xi32, #tpu.memory_space<vmem>> -> memref<1x128xi32, #tpu.memory_space<vmem>>
    %dma_start3A_78 = tpu.memref_squeeze %dma_start3A_77 : memref<1x128xi32, #tpu.memory_space<vmem>> -> memref<128xi32, #tpu.memory_space<vmem>>
    %dma_start3A_79 = arith.constant 0 : i32
    %dma_start3A_80 = arith.constant 0 : i32
    %dma_start3A_81 = tpu.memref_slice %arg2[%dma_start3A_79, %dma_start3A_80] : memref<10000x128xf32, #tpu.memory_space<hbm>> -> memref<10000x128xf32, #tpu.memory_space<hbm>>
    tpu.enqueue_indirect_dma source(%dma_start3A_81 : memref<10000x128xf32, #tpu.memory_space<hbm>>) target(%arg10 : memref<128x128xf32, #tpu.memory_space<vmem>>) offsets(%dma_start3A_78 : memref<128xi32, #tpu.memory_space<vmem>>) semaphore(%arg17 : memref<!tpu.dma_semaphore, #tpu.memory_space<semaphore_mem>>)
    %dma_wait3A_82 = arith.constant 0 : i32
    %dma_wait3A_83 = arith.constant 0 : i32
    %dma_wait3A_84 = tpu.memref_slice %arg2[%dma_wait3A_82, %dma_wait3A_83] : memref<10000x128xf32, #tpu.memory_space<hbm>> -> memref<128x128xf32, #tpu.memory_space<hbm>>
    %dma_wait3A_85 = arith.constant 0 : i32
    %dma_wait3A_86 = arith.constant 0 : i32
    %dma_wait3A_87 = tpu.memref_slice %arg2[%dma_wait3A_85, %dma_wait3A_86] : memref<10000x128xf32, #tpu.memory_space<hbm>> -> memref<128x128xf32, #tpu.memory_space<hbm>>
    tpu.wait_dma2 semaphore(%arg18 : memref<!tpu.dma_semaphore, #tpu.memory_space<semaphore_mem>>) src(%dma_wait3A_87 : memref<128x128xf32, #tpu.memory_space<hbm>>) dst(%arg11 : memref<128x128xf32, #tpu.memory_space<vmem>>)
    %dma_start3A_88 = arith.constant 1 : i32
    %dma_start3A_89 = arith.constant 0 : i32
    %dma_start3A_90 = tpu.memref_slice %arg7[%dma_start3A_88, %dma_start3A_89] : memref<2x128xi32, #tpu.memory_space<vmem>> -> memref<1x128xi32, #tpu.memory_space<vmem>>
    %dma_start3A_91 = tpu.memref_squeeze %dma_start3A_90 : memref<1x128xi32, #tpu.memory_space<vmem>> -> memref<128xi32, #tpu.memory_space<vmem>>
    %dma_start3A_92 = arith.constant 0 : i32
    %dma_start3A_93 = arith.constant 0 : i32
    %dma_start3A_94 = tpu.memref_slice %arg12[%dma_start3A_92, %dma_start3A_93] : memref<10112x128xf32, #tpu.memory_space<vmem_shared>> -> memref<10112x128xf32, #tpu.memory_space<vmem_shared>>
    tpu.enqueue_indirect_dma source(%arg11 : memref<128x128xf32, #tpu.memory_space<vmem>>) target(%dma_start3A_94 : memref<10112x128xf32, #tpu.memory_space<vmem_shared>>) offsets(%dma_start3A_91 : memref<128xi32, #tpu.memory_space<vmem>>) semaphore(%arg20 : memref<!tpu.dma_semaphore, #tpu.memory_space<semaphore_mem>>) {add = true}
    %min3A_95 = arith.constant 3 : i32
    %min3A_96 = arith.constant 159 : i32
    %min3A_97 = arith.minsi %min3A_95, %min3A_96 : i32
    %add3A_98 = arith.addi %mul3A_6, %min3A_97 : i32
    %dma_start3A_99 = arith.constant 0 : i32
    %dma_start3A_100 = arith.constant 0 : i32
    %dma_start3A_101 = tpu.memref_slice %arg3[%add3A_98, %dma_start3A_99, %dma_start3A_100] : memref<5120x2x128xi32, #tpu.memory_space<hbm>> -> memref<1x2x128xi32, #tpu.memory_space<hbm>>
    %dma_start3A_102 = tpu.memref_squeeze %dma_start3A_101 : memref<1x2x128xi32, #tpu.memory_space<hbm>> -> memref<2x128xi32, #tpu.memory_space<hbm>>
    %dma_start3A_103 = arith.constant 0 : i32
    %dma_start3A_104 = arith.constant 0 : i32
    %dma_start3A_105 = tpu.memref_slice %arg3[%add3A_98, %dma_start3A_103, %dma_start3A_104] : memref<5120x2x128xi32, #tpu.memory_space<hbm>> -> memref<1x2x128xi32, #tpu.memory_space<hbm>>
    %dma_start3A_106 = tpu.memref_squeeze %dma_start3A_105 : memref<1x2x128xi32, #tpu.memory_space<hbm>> -> memref<2x128xi32, #tpu.memory_space<hbm>>
    tpu.enqueue_dma source(%dma_start3A_106 : memref<2x128xi32, #tpu.memory_space<hbm>>) target(%arg9 : memref<2x128xi32, #tpu.memory_space<vmem>>) target_semaphore(%arg16 : memref<!tpu.dma_semaphore, #tpu.memory_space<semaphore_mem>>)
    %dma_wait3A_107 = arith.constant 0 : i32
    %dma_wait3A_108 = arith.constant 0 : i32
    %dma_wait3A_109 = tpu.memref_slice %arg3[%mul3A_6, %dma_wait3A_107, %dma_wait3A_108] : memref<5120x2x128xi32, #tpu.memory_space<hbm>> -> memref<1x2x128xi32, #tpu.memory_space<hbm>>
    %dma_wait3A_110 = tpu.memref_squeeze %dma_wait3A_109 : memref<1x2x128xi32, #tpu.memory_space<hbm>> -> memref<2x128xi32, #tpu.memory_space<hbm>>
    %dma_wait3A_111 = arith.constant 0 : i32
    %dma_wait3A_112 = arith.constant 0 : i32
    %dma_wait3A_113 = tpu.memref_slice %arg3[%mul3A_6, %dma_wait3A_111, %dma_wait3A_112] : memref<5120x2x128xi32, #tpu.memory_space<hbm>> -> memref<1x2x128xi32, #tpu.memory_space<hbm>>
    %dma_wait3A_114 = tpu.memref_squeeze %dma_wait3A_113 : memref<1x2x128xi32, #tpu.memory_space<hbm>> -> memref<2x128xi32, #tpu.memory_space<hbm>>
    tpu.wait_dma2 semaphore(%arg16 : memref<!tpu.dma_semaphore, #tpu.memory_space<semaphore_mem>>) src(%dma_wait3A_114 : memref<2x128xi32, #tpu.memory_space<hbm>>) dst(%arg9 : memref<2x128xi32, #tpu.memory_space<vmem>>)
    %dma_wait3A_115 = arith.constant 0 : i32
    %dma_wait3A_116 = arith.constant 0 : i32
    %dma_wait3A_117 = tpu.memref_slice %arg2[%dma_wait3A_115, %dma_wait3A_116] : memref<10000x128xf32, #tpu.memory_space<hbm>> -> memref<128x128xf32, #tpu.memory_space<hbm>>
    %dma_wait3A_118 = arith.constant 0 : i32
    %dma_wait3A_119 = arith.constant 0 : i32
    %dma_wait3A_120 = tpu.memref_slice %arg2[%dma_wait3A_118, %dma_wait3A_119] : memref<10000x128xf32, #tpu.memory_space<hbm>> -> memref<128x128xf32, #tpu.memory_space<hbm>>
    tpu.wait_dma2 semaphore(%arg20 : memref<!tpu.dma_semaphore, #tpu.memory_space<semaphore_mem>>) src(%dma_wait3A_120 : memref<128x128xf32, #tpu.memory_space<hbm>>) dst(%arg11 : memref<128x128xf32, #tpu.memory_space<vmem>>)
    %dma_start3A_121 = arith.constant 0 : i32
    %dma_start3A_122 = arith.constant 0 : i32
    %dma_start3A_123 = tpu.memref_slice %arg9[%dma_start3A_121, %dma_start3A_122] : memref<2x128xi32, #tpu.memory_space<vmem>> -> memref<1x128xi32, #tpu.memory_space<vmem>>
    %dma_start3A_124 = tpu.memref_squeeze %dma_start3A_123 : memref<1x128xi32, #tpu.memory_space<vmem>> -> memref<128xi32, #tpu.memory_space<vmem>>
    %dma_start3A_125 = arith.constant 0 : i32
    %dma_start3A_126 = arith.constant 0 : i32
    %dma_start3A_127 = tpu.memref_slice %arg2[%dma_start3A_125, %dma_start3A_126] : memref<10000x128xf32, #tpu.memory_space<hbm>> -> memref<10000x128xf32, #tpu.memory_space<hbm>>
    tpu.enqueue_indirect_dma source(%dma_start3A_127 : memref<10000x128xf32, #tpu.memory_space<hbm>>) target(%arg11 : memref<128x128xf32, #tpu.memory_space<vmem>>) offsets(%dma_start3A_124 : memref<128xi32, #tpu.memory_space<vmem>>) semaphore(%arg18 : memref<!tpu.dma_semaphore, #tpu.memory_space<semaphore_mem>>)
    %dma_wait3A_128 = arith.constant 0 : i32
    %dma_wait3A_129 = arith.constant 0 : i32
    %dma_wait3A_130 = tpu.memref_slice %arg2[%dma_wait3A_128, %dma_wait3A_129] : memref<10000x128xf32, #tpu.memory_space<hbm>> -> memref<128x128xf32, #tpu.memory_space<hbm>>
    %dma_wait3A_131 = arith.constant 0 : i32
    %dma_wait3A_132 = arith.constant 0 : i32
    %dma_wait3A_133 = tpu.memref_slice %arg2[%dma_wait3A_131, %dma_wait3A_132] : memref<10000x128xf32, #tpu.memory_space<hbm>> -> memref<128x128xf32, #tpu.memory_space<hbm>>
    tpu.wait_dma2 semaphore(%arg17 : memref<!tpu.dma_semaphore, #tpu.memory_space<semaphore_mem>>) src(%dma_wait3A_133 : memref<128x128xf32, #tpu.memory_space<hbm>>) dst(%arg10 : memref<128x128xf32, #tpu.memory_space<vmem>>)
    %dma_start3A_134 = arith.constant 1 : i32
    %dma_start3A_135 = arith.constant 0 : i32
    %dma_start3A_136 = tpu.memref_slice %arg8[%dma_start3A_134, %dma_start3A_135] : memref<2x128xi32, #tpu.memory_space<vmem>> -> memref<1x128xi32, #tpu.memory_space<vmem>>
    %dma_start3A_137 = tpu.memref_squeeze %dma_start3A_136 : memref<1x128xi32, #tpu.memory_space<vmem>> -> memref<128xi32, #tpu.memory_space<vmem>>
    %dma_start3A_138 = arith.constant 0 : i32
    %dma_start3A_139 = arith.constant 0 : i32
    %dma_start3A_140 = tpu.memref_slice %arg12[%dma_start3A_138, %dma_start3A_139] : memref<10112x128xf32, #tpu.memory_space<vmem_shared>> -> memref<10112x128xf32, #tpu.memory_space<vmem_shared>>
    tpu.enqueue_indirect_dma source(%arg10 : memref<128x128xf32, #tpu.memory_space<vmem>>) target(%dma_start3A_140 : memref<10112x128xf32, #tpu.memory_space<vmem_shared>>) offsets(%dma_start3A_137 : memref<128xi32, #tpu.memory_space<vmem>>) semaphore(%arg19 : memref<!tpu.dma_semaphore, #tpu.memory_space<semaphore_mem>>) {add = true}
    %min3A_141 = arith.constant 4 : i32
    %min3A_142 = arith.constant 159 : i32
    %min3A_143 = arith.minsi %min3A_141, %min3A_142 : i32
    %add3A_144 = arith.addi %mul3A_6, %min3A_143 : i32
    %dma_start3A_145 = arith.constant 0 : i32
    %dma_start3A_146 = arith.constant 0 : i32
    %dma_start3A_147 = tpu.memref_slice %arg3[%add3A_144, %dma_start3A_145, %dma_start3A_146] : memref<5120x2x128xi32, #tpu.memory_space<hbm>> -> memref<1x2x128xi32, #tpu.memory_space<hbm>>
    %dma_start3A_148 = tpu.memref_squeeze %dma_start3A_147 : memref<1x2x128xi32, #tpu.memory_space<hbm>> -> memref<2x128xi32, #tpu.memory_space<hbm>>
    %dma_start3A_149 = arith.constant 0 : i32
    %dma_start3A_150 = arith.constant 0 : i32
    %dma_start3A_151 = tpu.memref_slice %arg3[%add3A_144, %dma_start3A_149, %dma_start3A_150] : memref<5120x2x128xi32, #tpu.memory_space<hbm>> -> memref<1x2x128xi32, #tpu.memory_space<hbm>>
    %dma_start3A_152 = tpu.memref_squeeze %dma_start3A_151 : memref<1x2x128xi32, #tpu.memory_space<hbm>> -> memref<2x128xi32, #tpu.memory_space<hbm>>
    tpu.enqueue_dma source(%dma_start3A_152 : memref<2x128xi32, #tpu.memory_space<hbm>>) target(%arg6 : memref<2x128xi32, #tpu.memory_space<vmem>>) target_semaphore(%arg13 : memref<!tpu.dma_semaphore, #tpu.memory_space<semaphore_mem>>)
    %dma_wait3A_153 = arith.constant 0 : i32
    %dma_wait3A_154 = arith.constant 0 : i32
    %dma_wait3A_155 = tpu.memref_slice %arg3[%mul3A_6, %dma_wait3A_153, %dma_wait3A_154] : memref<5120x2x128xi32, #tpu.memory_space<hbm>> -> memref<1x2x128xi32, #tpu.memory_space<hbm>>
    %dma_wait3A_156 = tpu.memref_squeeze %dma_wait3A_155 : memref<1x2x128xi32, #tpu.memory_space<hbm>> -> memref<2x128xi32, #tpu.memory_space<hbm>>
    %dma_wait3A_157 = arith.constant 0 : i32
    %dma_wait3A_158 = arith.constant 0 : i32
    %dma_wait3A_159 = tpu.memref_slice %arg3[%mul3A_6, %dma_wait3A_157, %dma_wait3A_158] : memref<5120x2x128xi32, #tpu.memory_space<hbm>> -> memref<1x2x128xi32, #tpu.memory_space<hbm>>
    %dma_wait3A_160 = tpu.memref_squeeze %dma_wait3A_159 : memref<1x2x128xi32, #tpu.memory_space<hbm>> -> memref<2x128xi32, #tpu.memory_space<hbm>>
    tpu.wait_dma2 semaphore(%arg13 : memref<!tpu.dma_semaphore, #tpu.memory_space<semaphore_mem>>) src(%dma_wait3A_160 : memref<2x128xi32, #tpu.memory_space<hbm>>) dst(%arg6 : memref<2x128xi32, #tpu.memory_space<vmem>>)
    %dma_wait3A_161 = arith.constant 0 : i32
    %dma_wait3A_162 = arith.constant 0 : i32
    %dma_wait3A_163 = tpu.memref_slice %arg2[%dma_wait3A_161, %dma_wait3A_162] : memref<10000x128xf32, #tpu.memory_space<hbm>> -> memref<128x128xf32, #tpu.memory_space<hbm>>
    %dma_wait3A_164 = arith.constant 0 : i32
    %dma_wait3A_165 = arith.constant 0 : i32
    %dma_wait3A_166 = tpu.memref_slice %arg2[%dma_wait3A_164, %dma_wait3A_165] : memref<10000x128xf32, #tpu.memory_space<hbm>> -> memref<128x128xf32, #tpu.memory_space<hbm>>
    tpu.wait_dma2 semaphore(%arg19 : memref<!tpu.dma_semaphore, #tpu.memory_space<semaphore_mem>>) src(%dma_wait3A_166 : memref<128x128xf32, #tpu.memory_space<hbm>>) dst(%arg10 : memref<128x128xf32, #tpu.memory_space<vmem>>)
    %dma_start3A_167 = arith.constant 0 : i32
    %dma_start3A_168 = arith.constant 0 : i32
    %dma_start3A_169 = tpu.memref_slice %arg6[%dma_start3A_167, %dma_start3A_168] : memref<2x128xi32, #tpu.memory_space<vmem>> -> memref<1x128xi32, #tpu.memory_space<vmem>>
    %dma_start3A_170 = tpu.memref_squeeze %dma_start3A_169 : memref<1x128xi32, #tpu.memory_space<vmem>> -> memref<128xi32, #tpu.memory_space<vmem>>
    %dma_start3A_171 = arith.constant 0 : i32
    %dma_start3A_172 = arith.constant 0 : i32
    %dma_start3A_173 = tpu.memref_slice %arg2[%dma_start3A_171, %dma_start3A_172] : memref<10000x128xf32, #tpu.memory_space<hbm>> -> memref<10000x128xf32, #tpu.memory_space<hbm>>
    tpu.enqueue_indirect_dma source(%dma_start3A_173 : memref<10000x128xf32, #tpu.memory_space<hbm>>) target(%arg10 : memref<128x128xf32, #tpu.memory_space<vmem>>) offsets(%dma_start3A_170 : memref<128xi32, #tpu.memory_space<vmem>>) semaphore(%arg17 : memref<!tpu.dma_semaphore, #tpu.memory_space<semaphore_mem>>)
    %dma_wait3A_174 = arith.constant 0 : i32
    %dma_wait3A_175 = arith.constant 0 : i32
    %dma_wait3A_176 = tpu.memref_slice %arg2[%dma_wait3A_174, %dma_wait3A_175] : memref<10000x128xf32, #tpu.memory_space<hbm>> -> memref<128x128xf32, #tpu.memory_space<hbm>>
    %dma_wait3A_177 = arith.constant 0 : i32
    %dma_wait3A_178 = arith.constant 0 : i32
    %dma_wait3A_179 = tpu.memref_slice %arg2[%dma_wait3A_177, %dma_wait3A_178] : memref<10000x128xf32, #tpu.memory_space<hbm>> -> memref<128x128xf32, #tpu.memory_space<hbm>>
    tpu.wait_dma2 semaphore(%arg18 : memref<!tpu.dma_semaphore, #tpu.memory_space<semaphore_mem>>) src(%dma_wait3A_179 : memref<128x128xf32, #tpu.memory_space<hbm>>) dst(%arg11 : memref<128x128xf32, #tpu.memory_space<vmem>>)
    %dma_start3A_180 = arith.constant 1 : i32
    %dma_start3A_181 = arith.constant 0 : i32
    %dma_start3A_182 = tpu.memref_slice %arg9[%dma_start3A_180, %dma_start3A_181] : memref<2x128xi32, #tpu.memory_space<vmem>> -> memref<1x128xi32, #tpu.memory_space<vmem>>
    %dma_start3A_183 = tpu.memref_squeeze %dma_start3A_182 : memref<1x128xi32, #tpu.memory_space<vmem>> -> memref<128xi32, #tpu.memory_space<vmem>>
    %dma_start3A_184 = arith.constant 0 : i32
    %dma_start3A_185 = arith.constant 0 : i32
    %dma_start3A_186 = tpu.memref_slice %arg12[%dma_start3A_184, %dma_start3A_185] : memref<10112x128xf32, #tpu.memory_space<vmem_shared>> -> memref<10112x128xf32, #tpu.memory_space<vmem_shared>>
    tpu.enqueue_indirect_dma source(%arg11 : memref<128x128xf32, #tpu.memory_space<vmem>>) target(%dma_start3A_186 : memref<10112x128xf32, #tpu.memory_space<vmem_shared>>) offsets(%dma_start3A_183 : memref<128xi32, #tpu.memory_space<vmem>>) semaphore(%arg20 : memref<!tpu.dma_semaphore, #tpu.memory_space<semaphore_mem>>) {add = true}
    %min3A_187 = arith.constant 5 : i32
    %min3A_188 = arith.constant 159 : i32
    %min3A_189 = arith.minsi %min3A_187, %min3A_188 : i32
    %add3A_190 = arith.addi %mul3A_6, %min3A_189 : i32
    %dma_start3A_191 = arith.constant 0 : i32
    %dma_start3A_192 = arith.constant 0 : i32
    %dma_start3A_193 = tpu.memref_slice %arg3[%add3A_190, %dma_start3A_191, %dma_start3A_192] : memref<5120x2x128xi32, #tpu.memory_space<hbm>> -> memref<1x2x128xi32, #tpu.memory_space<hbm>>
    %dma_start3A_194 = tpu.memref_squeeze %dma_start3A_193 : memref<1x2x128xi32, #tpu.memory_space<hbm>> -> memref<2x128xi32, #tpu.memory_space<hbm>>
    %dma_start3A_195 = arith.constant 0 : i32
    %dma_start3A_196 = arith.constant 0 : i32
    %dma_start3A_197 = tpu.memref_slice %arg3[%add3A_190, %dma_start3A_195, %dma_start3A_196] : memref<5120x2x128xi32, #tpu.memory_space<hbm>> -> memref<1x2x128xi32, #tpu.memory_space<hbm>>
    %dma_start3A_198 = tpu.memref_squeeze %dma_start3A_197 : memref<1x2x128xi32, #tpu.memory_space<hbm>> -> memref<2x128xi32, #tpu.memory_space<hbm>>
    tpu.enqueue_dma source(%dma_start3A_198 : memref<2x128xi32, #tpu.memory_space<hbm>>) target(%arg7 : memref<2x128xi32, #tpu.memory_space<vmem>>) target_semaphore(%arg14 : memref<!tpu.dma_semaphore, #tpu.memory_space<semaphore_mem>>)
    %scan3A = arith.constant 0 : i32
    %scan3A_199 = arith.constant 1 : i32
    %scan3A_200 = arith.constant 39 : i32
    %scan3A_201 = arith.addi %scan3A_199, %scan3A_200 : i32
    %scan3A_202 = arith.constant 1 : i32
    scf.for %scan3A_229 = %scan3A_199 to %scan3A_201 step %scan3A_202  : i32 {
      %mul3A_230 = arith.constant 4 : i32
      %mul3A_231 = arith.muli %mul3A_230, %scan3A_229 : i32
      %add3A_232 = arith.constant 0 : i32
      %add3A_233 = arith.addi %mul3A_231, %add3A_232 : i32
      %dma_wait3A_234 = arith.constant 0 : i32
      %dma_wait3A_235 = arith.constant 0 : i32
      %dma_wait3A_236 = tpu.memref_slice %arg3[%mul3A_6, %dma_wait3A_234, %dma_wait3A_235] : memref<5120x2x128xi32, #tpu.memory_space<hbm>> -> memref<1x2x128xi32, #tpu.memory_space<hbm>>
      %dma_wait3A_237 = tpu.memref_squeeze %dma_wait3A_236 : memref<1x2x128xi32, #tpu.memory_space<hbm>> -> memref<2x128xi32, #tpu.memory_space<hbm>>
      %dma_wait3A_238 = arith.constant 0 : i32
      %dma_wait3A_239 = arith.constant 0 : i32
      %dma_wait3A_240 = tpu.memref_slice %arg3[%mul3A_6, %dma_wait3A_238, %dma_wait3A_239] : memref<5120x2x128xi32, #tpu.memory_space<hbm>> -> memref<1x2x128xi32, #tpu.memory_space<hbm>>
      %dma_wait3A_241 = tpu.memref_squeeze %dma_wait3A_240 : memref<1x2x128xi32, #tpu.memory_space<hbm>> -> memref<2x128xi32, #tpu.memory_space<hbm>>
      tpu.wait_dma2 semaphore(%arg14 : memref<!tpu.dma_semaphore, #tpu.memory_space<semaphore_mem>>) src(%dma_wait3A_241 : memref<2x128xi32, #tpu.memory_space<hbm>>) dst(%arg7 : memref<2x128xi32, #tpu.memory_space<vmem>>)
      %dma_wait3A_242 = arith.constant 0 : i32
      %dma_wait3A_243 = arith.constant 0 : i32
      %dma_wait3A_244 = tpu.memref_slice %arg2[%dma_wait3A_242, %dma_wait3A_243] : memref<10000x128xf32, #tpu.memory_space<hbm>> -> memref<128x128xf32, #tpu.memory_space<hbm>>
      %dma_wait3A_245 = arith.constant 0 : i32
      %dma_wait3A_246 = arith.constant 0 : i32
      %dma_wait3A_247 = tpu.memref_slice %arg2[%dma_wait3A_245, %dma_wait3A_246] : memref<10000x128xf32, #tpu.memory_space<hbm>> -> memref<128x128xf32, #tpu.memory_space<hbm>>
      tpu.wait_dma2 semaphore(%arg20 : memref<!tpu.dma_semaphore, #tpu.memory_space<semaphore_mem>>) src(%dma_wait3A_247 : memref<128x128xf32, #tpu.memory_space<hbm>>) dst(%arg11 : memref<128x128xf32, #tpu.memory_space<vmem>>)
      %dma_start3A_248 = arith.constant 0 : i32
      %dma_start3A_249 = arith.constant 0 : i32
      %dma_start3A_250 = tpu.memref_slice %arg7[%dma_start3A_248, %dma_start3A_249] : memref<2x128xi32, #tpu.memory_space<vmem>> -> memref<1x128xi32, #tpu.memory_space<vmem>>
      %dma_start3A_251 = tpu.memref_squeeze %dma_start3A_250 : memref<1x128xi32, #tpu.memory_space<vmem>> -> memref<128xi32, #tpu.memory_space<vmem>>
      %dma_start3A_252 = arith.constant 0 : i32
      %dma_start3A_253 = arith.constant 0 : i32
      %dma_start3A_254 = tpu.memref_slice %arg2[%dma_start3A_252, %dma_start3A_253] : memref<10000x128xf32, #tpu.memory_space<hbm>> -> memref<10000x128xf32, #tpu.memory_space<hbm>>
      tpu.enqueue_indirect_dma source(%dma_start3A_254 : memref<10000x128xf32, #tpu.memory_space<hbm>>) target(%arg11 : memref<128x128xf32, #tpu.memory_space<vmem>>) offsets(%dma_start3A_251 : memref<128xi32, #tpu.memory_space<vmem>>) semaphore(%arg18 : memref<!tpu.dma_semaphore, #tpu.memory_space<semaphore_mem>>)
      %dma_wait3A_255 = arith.constant 0 : i32
      %dma_wait3A_256 = arith.constant 0 : i32
      %dma_wait3A_257 = tpu.memref_slice %arg2[%dma_wait3A_255, %dma_wait3A_256] : memref<10000x128xf32, #tpu.memory_space<hbm>> -> memref<128x128xf32, #tpu.memory_space<hbm>>
      %dma_wait3A_258 = arith.constant 0 : i32
      %dma_wait3A_259 = arith.constant 0 : i32
      %dma_wait3A_260 = tpu.memref_slice %arg2[%dma_wait3A_258, %dma_wait3A_259] : memref<10000x128xf32, #tpu.memory_space<hbm>> -> memref<128x128xf32, #tpu.memory_space<hbm>>
      tpu.wait_dma2 semaphore(%arg17 : memref<!tpu.dma_semaphore, #tpu.memory_space<semaphore_mem>>) src(%dma_wait3A_260 : memref<128x128xf32, #tpu.memory_space<hbm>>) dst(%arg10 : memref<128x128xf32, #tpu.memory_space<vmem>>)
      %dma_start3A_261 = arith.constant 1 : i32
      %dma_start3A_262 = arith.constant 0 : i32
      %dma_start3A_263 = tpu.memref_slice %arg6[%dma_start3A_261, %dma_start3A_262] : memref<2x128xi32, #tpu.memory_space<vmem>> -> memref<1x128xi32, #tpu.memory_space<vmem>>
      %dma_start3A_264 = tpu.memref_squeeze %dma_start3A_263 : memref<1x128xi32, #tpu.memory_space<vmem>> -> memref<128xi32, #tpu.memory_space<vmem>>
      %dma_start3A_265 = arith.constant 0 : i32
      %dma_start3A_266 = arith.constant 0 : i32
      %dma_start3A_267 = tpu.memref_slice %arg12[%dma_start3A_265, %dma_start3A_266] : memref<10112x128xf32, #tpu.memory_space<vmem_shared>> -> memref<10112x128xf32, #tpu.memory_space<vmem_shared>>
      tpu.enqueue_indirect_dma source(%arg10 : memref<128x128xf32, #tpu.memory_space<vmem>>) target(%dma_start3A_267 : memref<10112x128xf32, #tpu.memory_space<vmem_shared>>) offsets(%dma_start3A_264 : memref<128xi32, #tpu.memory_space<vmem>>) semaphore(%arg19 : memref<!tpu.dma_semaphore, #tpu.memory_space<semaphore_mem>>) {add = true}
      %add3A_268 = arith.constant 2 : i32
      %add3A_269 = arith.addi %add3A_233, %add3A_268 : i32
      %min3A_270 = arith.constant 159 : i32
      %min3A_271 = arith.minsi %add3A_269, %min3A_270 : i32
      %add3A_272 = arith.addi %mul3A_6, %min3A_271 : i32
      %dma_start3A_273 = arith.constant 0 : i32
      %dma_start3A_274 = arith.constant 0 : i32
      %dma_start3A_275 = tpu.memref_slice %arg3[%add3A_272, %dma_start3A_273, %dma_start3A_274] : memref<5120x2x128xi32, #tpu.memory_space<hbm>> -> memref<1x2x128xi32, #tpu.memory_space<hbm>>
      %dma_start3A_276 = tpu.memref_squeeze %dma_start3A_275 : memref<1x2x128xi32, #tpu.memory_space<hbm>> -> memref<2x128xi32, #tpu.memory_space<hbm>>
      %dma_start3A_277 = arith.constant 0 : i32
      %dma_start3A_278 = arith.constant 0 : i32
      %dma_start3A_279 = tpu.memref_slice %arg3[%add3A_272, %dma_start3A_277, %dma_start3A_278] : memref<5120x2x128xi32, #tpu.memory_space<hbm>> -> memref<1x2x128xi32, #tpu.memory_space<hbm>>
      %dma_start3A_280 = tpu.memref_squeeze %dma_start3A_279 : memref<1x2x128xi32, #tpu.memory_space<hbm>> -> memref<2x128xi32, #tpu.memory_space<hbm>>
      tpu.enqueue_dma source(%dma_start3A_280 : memref<2x128xi32, #tpu.memory_space<hbm>>) target(%arg8 : memref<2x128xi32, #tpu.memory_space<vmem>>) target_semaphore(%arg15 : memref<!tpu.dma_semaphore, #tpu.memory_space<semaphore_mem>>)
      %mul3A_281 = arith.constant 4 : i32
      %mul3A_282 = arith.muli %mul3A_281, %scan3A_229 : i32
      %add3A_283 = arith.constant 1 : i32
      %add3A_284 = arith.addi %mul3A_282, %add3A_283 : i32
      %dma_wait3A_285 = arith.constant 0 : i32
      %dma_wait3A_286 = arith.constant 0 : i32
      %dma_wait3A_287 = tpu.memref_slice %arg3[%mul3A_6, %dma_wait3A_285, %dma_wait3A_286] : memref<5120x2x128xi32, #tpu.memory_space<hbm>> -> memref<1x2x128xi32, #tpu.memory_space<hbm>>
      %dma_wait3A_288 = tpu.memref_squeeze %dma_wait3A_287 : memref<1x2x128xi32, #tpu.memory_space<hbm>> -> memref<2x128xi32, #tpu.memory_space<hbm>>
      %dma_wait3A_289 = arith.constant 0 : i32
      %dma_wait3A_290 = arith.constant 0 : i32
      %dma_wait3A_291 = tpu.memref_slice %arg3[%mul3A_6, %dma_wait3A_289, %dma_wait3A_290] : memref<5120x2x128xi32, #tpu.memory_space<hbm>> -> memref<1x2x128xi32, #tpu.memory_space<hbm>>
      %dma_wait3A_292 = tpu.memref_squeeze %dma_wait3A_291 : memref<1x2x128xi32, #tpu.memory_space<hbm>> -> memref<2x128xi32, #tpu.memory_space<hbm>>
      tpu.wait_dma2 semaphore(%arg15 : memref<!tpu.dma_semaphore, #tpu.memory_space<semaphore_mem>>) src(%dma_wait3A_292 : memref<2x128xi32, #tpu.memory_space<hbm>>) dst(%arg8 : memref<2x128xi32, #tpu.memory_space<vmem>>)
      %dma_wait3A_293 = arith.constant 0 : i32
      %dma_wait3A_294 = arith.constant 0 : i32
      %dma_wait3A_295 = tpu.memref_slice %arg2[%dma_wait3A_293, %dma_wait3A_294] : memref<10000x128xf32, #tpu.memory_space<hbm>> -> memref<128x128xf32, #tpu.memory_space<hbm>>
      %dma_wait3A_296 = arith.constant 0 : i32
      %dma_wait3A_297 = arith.constant 0 : i32
      %dma_wait3A_298 = tpu.memref_slice %arg2[%dma_wait3A_296, %dma_wait3A_297] : memref<10000x128xf32, #tpu.memory_space<hbm>> -> memref<128x128xf32, #tpu.memory_space<hbm>>
      tpu.wait_dma2 semaphore(%arg19 : memref<!tpu.dma_semaphore, #tpu.memory_space<semaphore_mem>>) src(%dma_wait3A_298 : memref<128x128xf32, #tpu.memory_space<hbm>>) dst(%arg10 : memref<128x128xf32, #tpu.memory_space<vmem>>)
      %dma_start3A_299 = arith.constant 0 : i32
      %dma_start3A_300 = arith.constant 0 : i32
      %dma_start3A_301 = tpu.memref_slice %arg8[%dma_start3A_299, %dma_start3A_300] : memref<2x128xi32, #tpu.memory_space<vmem>> -> memref<1x128xi32, #tpu.memory_space<vmem>>
      %dma_start3A_302 = tpu.memref_squeeze %dma_start3A_301 : memref<1x128xi32, #tpu.memory_space<vmem>> -> memref<128xi32, #tpu.memory_space<vmem>>
      %dma_start3A_303 = arith.constant 0 : i32
      %dma_start3A_304 = arith.constant 0 : i32
      %dma_start3A_305 = tpu.memref_slice %arg2[%dma_start3A_303, %dma_start3A_304] : memref<10000x128xf32, #tpu.memory_space<hbm>> -> memref<10000x128xf32, #tpu.memory_space<hbm>>
      tpu.enqueue_indirect_dma source(%dma_start3A_305 : memref<10000x128xf32, #tpu.memory_space<hbm>>) target(%arg10 : memref<128x128xf32, #tpu.memory_space<vmem>>) offsets(%dma_start3A_302 : memref<128xi32, #tpu.memory_space<vmem>>) semaphore(%arg17 : memref<!tpu.dma_semaphore, #tpu.memory_space<semaphore_mem>>)
      %dma_wait3A_306 = arith.constant 0 : i32
      %dma_wait3A_307 = arith.constant 0 : i32
      %dma_wait3A_308 = tpu.memref_slice %arg2[%dma_wait3A_306, %dma_wait3A_307] : memref<10000x128xf32, #tpu.memory_space<hbm>> -> memref<128x128xf32, #tpu.memory_space<hbm>>
      %dma_wait3A_309 = arith.constant 0 : i32
      %dma_wait3A_310 = arith.constant 0 : i32
      %dma_wait3A_311 = tpu.memref_slice %arg2[%dma_wait3A_309, %dma_wait3A_310] : memref<10000x128xf32, #tpu.memory_space<hbm>> -> memref<128x128xf32, #tpu.memory_space<hbm>>
      tpu.wait_dma2 semaphore(%arg18 : memref<!tpu.dma_semaphore, #tpu.memory_space<semaphore_mem>>) src(%dma_wait3A_311 : memref<128x128xf32, #tpu.memory_space<hbm>>) dst(%arg11 : memref<128x128xf32, #tpu.memory_space<vmem>>)
      %dma_start3A_312 = arith.constant 1 : i32
      %dma_start3A_313 = arith.constant 0 : i32
      %dma_start3A_314 = tpu.memref_slice %arg7[%dma_start3A_312, %dma_start3A_313] : memref<2x128xi32, #tpu.memory_space<vmem>> -> memref<1x128xi32, #tpu.memory_space<vmem>>
      %dma_start3A_315 = tpu.memref_squeeze %dma_start3A_314 : memref<1x128xi32, #tpu.memory_space<vmem>> -> memref<128xi32, #tpu.memory_space<vmem>>
      %dma_start3A_316 = arith.constant 0 : i32
      %dma_start3A_317 = arith.constant 0 : i32
      %dma_start3A_318 = tpu.memref_slice %arg12[%dma_start3A_316, %dma_start3A_317] : memref<10112x128xf32, #tpu.memory_space<vmem_shared>> -> memref<10112x128xf32, #tpu.memory_space<vmem_shared>>
      tpu.enqueue_indirect_dma source(%arg11 : memref<128x128xf32, #tpu.memory_space<vmem>>) target(%dma_start3A_318 : memref<10112x128xf32, #tpu.memory_space<vmem_shared>>) offsets(%dma_start3A_315 : memref<128xi32, #tpu.memory_space<vmem>>) semaphore(%arg20 : memref<!tpu.dma_semaphore, #tpu.memory_space<semaphore_mem>>) {add = true}
      %add3A_319 = arith.constant 2 : i32
      %add3A_320 = arith.addi %add3A_284, %add3A_319 : i32
      %min3A_321 = arith.constant 159 : i32
      %min3A_322 = arith.minsi %add3A_320, %min3A_321 : i32
      %add3A_323 = arith.addi %mul3A_6, %min3A_322 : i32
      %dma_start3A_324 = arith.constant 0 : i32
      %dma_start3A_325 = arith.constant 0 : i32
      %dma_start3A_326 = tpu.memref_slice %arg3[%add3A_323, %dma_start3A_324, %dma_start3A_325] : memref<5120x2x128xi32, #tpu.memory_space<hbm>> -> memref<1x2x128xi32, #tpu.memory_space<hbm>>
      %dma_start3A_327 = tpu.memref_squeeze %dma_start3A_326 : memref<1x2x128xi32, #tpu.memory_space<hbm>> -> memref<2x128xi32, #tpu.memory_space<hbm>>
      %dma_start3A_328 = arith.constant 0 : i32
      %dma_start3A_329 = arith.constant 0 : i32
      %dma_start3A_330 = tpu.memref_slice %arg3[%add3A_323, %dma_start3A_328, %dma_start3A_329] : memref<5120x2x128xi32, #tpu.memory_space<hbm>> -> memref<1x2x128xi32, #tpu.memory_space<hbm>>
      %dma_start3A_331 = tpu.memref_squeeze %dma_start3A_330 : memref<1x2x128xi32, #tpu.memory_space<hbm>> -> memref<2x128xi32, #tpu.memory_space<hbm>>
      tpu.enqueue_dma source(%dma_start3A_331 : memref<2x128xi32, #tpu.memory_space<hbm>>) target(%arg9 : memref<2x128xi32, #tpu.memory_space<vmem>>) target_semaphore(%arg16 : memref<!tpu.dma_semaphore, #tpu.memory_space<semaphore_mem>>)
      %mul3A_332 = arith.constant 4 : i32
      %mul3A_333 = arith.muli %mul3A_332, %scan3A_229 : i32
      %add3A_334 = arith.constant 2 : i32
      %add3A_335 = arith.addi %mul3A_333, %add3A_334 : i32
      %dma_wait3A_336 = arith.constant 0 : i32
      %dma_wait3A_337 = arith.constant 0 : i32
      %dma_wait3A_338 = tpu.memref_slice %arg3[%mul3A_6, %dma_wait3A_336, %dma_wait3A_337] : memref<5120x2x128xi32, #tpu.memory_space<hbm>> -> memref<1x2x128xi32, #tpu.memory_space<hbm>>
      %dma_wait3A_339 = tpu.memref_squeeze %dma_wait3A_338 : memref<1x2x128xi32, #tpu.memory_space<hbm>> -> memref<2x128xi32, #tpu.memory_space<hbm>>
      %dma_wait3A_340 = arith.constant 0 : i32
      %dma_wait3A_341 = arith.constant 0 : i32
      %dma_wait3A_342 = tpu.memref_slice %arg3[%mul3A_6, %dma_wait3A_340, %dma_wait3A_341] : memref<5120x2x128xi32, #tpu.memory_space<hbm>> -> memref<1x2x128xi32, #tpu.memory_space<hbm>>
      %dma_wait3A_343 = tpu.memref_squeeze %dma_wait3A_342 : memref<1x2x128xi32, #tpu.memory_space<hbm>> -> memref<2x128xi32, #tpu.memory_space<hbm>>
      tpu.wait_dma2 semaphore(%arg16 : memref<!tpu.dma_semaphore, #tpu.memory_space<semaphore_mem>>) src(%dma_wait3A_343 : memref<2x128xi32, #tpu.memory_space<hbm>>) dst(%arg9 : memref<2x128xi32, #tpu.memory_space<vmem>>)
      %dma_wait3A_344 = arith.constant 0 : i32
      %dma_wait3A_345 = arith.constant 0 : i32
      %dma_wait3A_346 = tpu.memref_slice %arg2[%dma_wait3A_344, %dma_wait3A_345] : memref<10000x128xf32, #tpu.memory_space<hbm>> -> memref<128x128xf32, #tpu.memory_space<hbm>>
      %dma_wait3A_347 = arith.constant 0 : i32
      %dma_wait3A_348 = arith.constant 0 : i32
      %dma_wait3A_349 = tpu.memref_slice %arg2[%dma_wait3A_347, %dma_wait3A_348] : memref<10000x128xf32, #tpu.memory_space<hbm>> -> memref<128x128xf32, #tpu.memory_space<hbm>>
      tpu.wait_dma2 semaphore(%arg20 : memref<!tpu.dma_semaphore, #tpu.memory_space<semaphore_mem>>) src(%dma_wait3A_349 : memref<128x128xf32, #tpu.memory_space<hbm>>) dst(%arg11 : memref<128x128xf32, #tpu.memory_space<vmem>>)
      %dma_start3A_350 = arith.constant 0 : i32
      %dma_start3A_351 = arith.constant 0 : i32
      %dma_start3A_352 = tpu.memref_slice %arg9[%dma_start3A_350, %dma_start3A_351] : memref<2x128xi32, #tpu.memory_space<vmem>> -> memref<1x128xi32, #tpu.memory_space<vmem>>
      %dma_start3A_353 = tpu.memref_squeeze %dma_start3A_352 : memref<1x128xi32, #tpu.memory_space<vmem>> -> memref<128xi32, #tpu.memory_space<vmem>>
      %dma_start3A_354 = arith.constant 0 : i32
      %dma_start3A_355 = arith.constant 0 : i32
      %dma_start3A_356 = tpu.memref_slice %arg2[%dma_start3A_354, %dma_start3A_355] : memref<10000x128xf32, #tpu.memory_space<hbm>> -> memref<10000x128xf32, #tpu.memory_space<hbm>>
      tpu.enqueue_indirect_dma source(%dma_start3A_356 : memref<10000x128xf32, #tpu.memory_space<hbm>>) target(%arg11 : memref<128x128xf32, #tpu.memory_space<vmem>>) offsets(%dma_start3A_353 : memref<128xi32, #tpu.memory_space<vmem>>) semaphore(%arg18 : memref<!tpu.dma_semaphore, #tpu.memory_space<semaphore_mem>>)
      %dma_wait3A_357 = arith.constant 0 : i32
      %dma_wait3A_358 = arith.constant 0 : i32
      %dma_wait3A_359 = tpu.memref_slice %arg2[%dma_wait3A_357, %dma_wait3A_358] : memref<10000x128xf32, #tpu.memory_space<hbm>> -> memref<128x128xf32, #tpu.memory_space<hbm>>
      %dma_wait3A_360 = arith.constant 0 : i32
      %dma_wait3A_361 = arith.constant 0 : i32
      %dma_wait3A_362 = tpu.memref_slice %arg2[%dma_wait3A_360, %dma_wait3A_361] : memref<10000x128xf32, #tpu.memory_space<hbm>> -> memref<128x128xf32, #tpu.memory_space<hbm>>
      tpu.wait_dma2 semaphore(%arg17 : memref<!tpu.dma_semaphore, #tpu.memory_space<semaphore_mem>>) src(%dma_wait3A_362 : memref<128x128xf32, #tpu.memory_space<hbm>>) dst(%arg10 : memref<128x128xf32, #tpu.memory_space<vmem>>)
      %dma_start3A_363 = arith.constant 1 : i32
      %dma_start3A_364 = arith.constant 0 : i32
      %dma_start3A_365 = tpu.memref_slice %arg8[%dma_start3A_363, %dma_start3A_364] : memref<2x128xi32, #tpu.memory_space<vmem>> -> memref<1x128xi32, #tpu.memory_space<vmem>>
      %dma_start3A_366 = tpu.memref_squeeze %dma_start3A_365 : memref<1x128xi32, #tpu.memory_space<vmem>> -> memref<128xi32, #tpu.memory_space<vmem>>
      %dma_start3A_367 = arith.constant 0 : i32
      %dma_start3A_368 = arith.constant 0 : i32
      %dma_start3A_369 = tpu.memref_slice %arg12[%dma_start3A_367, %dma_start3A_368] : memref<10112x128xf32, #tpu.memory_space<vmem_shared>> -> memref<10112x128xf32, #tpu.memory_space<vmem_shared>>
      tpu.enqueue_indirect_dma source(%arg10 : memref<128x128xf32, #tpu.memory_space<vmem>>) target(%dma_start3A_369 : memref<10112x128xf32, #tpu.memory_space<vmem_shared>>) offsets(%dma_start3A_366 : memref<128xi32, #tpu.memory_space<vmem>>) semaphore(%arg19 : memref<!tpu.dma_semaphore, #tpu.memory_space<semaphore_mem>>) {add = true}
      %add3A_370 = arith.constant 2 : i32
      %add3A_371 = arith.addi %add3A_335, %add3A_370 : i32
      %min3A_372 = arith.constant 159 : i32
      %min3A_373 = arith.minsi %add3A_371, %min3A_372 : i32
      %add3A_374 = arith.addi %mul3A_6, %min3A_373 : i32
      %dma_start3A_375 = arith.constant 0 : i32
      %dma_start3A_376 = arith.constant 0 : i32
      %dma_start3A_377 = tpu.memref_slice %arg3[%add3A_374, %dma_start3A_375, %dma_start3A_376] : memref<5120x2x128xi32, #tpu.memory_space<hbm>> -> memref<1x2x128xi32, #tpu.memory_space<hbm>>
      %dma_start3A_378 = tpu.memref_squeeze %dma_start3A_377 : memref<1x2x128xi32, #tpu.memory_space<hbm>> -> memref<2x128xi32, #tpu.memory_space<hbm>>
      %dma_start3A_379 = arith.constant 0 : i32
      %dma_start3A_380 = arith.constant 0 : i32
      %dma_start3A_381 = tpu.memref_slice %arg3[%add3A_374, %dma_start3A_379, %dma_start3A_380] : memref<5120x2x128xi32, #tpu.memory_space<hbm>> -> memref<1x2x128xi32, #tpu.memory_space<hbm>>
      %dma_start3A_382 = tpu.memref_squeeze %dma_start3A_381 : memref<1x2x128xi32, #tpu.memory_space<hbm>> -> memref<2x128xi32, #tpu.memory_space<hbm>>
      tpu.enqueue_dma source(%dma_start3A_382 : memref<2x128xi32, #tpu.memory_space<hbm>>) target(%arg6 : memref<2x128xi32, #tpu.memory_space<vmem>>) target_semaphore(%arg13 : memref<!tpu.dma_semaphore, #tpu.memory_space<semaphore_mem>>)
      %mul3A_383 = arith.constant 4 : i32
      %mul3A_384 = arith.muli %mul3A_383, %scan3A_229 : i32
      %add3A_385 = arith.constant 3 : i32
      %add3A_386 = arith.addi %mul3A_384, %add3A_385 : i32
      %dma_wait3A_387 = arith.constant 0 : i32
      %dma_wait3A_388 = arith.constant 0 : i32
      %dma_wait3A_389 = tpu.memref_slice %arg3[%mul3A_6, %dma_wait3A_387, %dma_wait3A_388] : memref<5120x2x128xi32, #tpu.memory_space<hbm>> -> memref<1x2x128xi32, #tpu.memory_space<hbm>>
      %dma_wait3A_390 = tpu.memref_squeeze %dma_wait3A_389 : memref<1x2x128xi32, #tpu.memory_space<hbm>> -> memref<2x128xi32, #tpu.memory_space<hbm>>
      %dma_wait3A_391 = arith.constant 0 : i32
      %dma_wait3A_392 = arith.constant 0 : i32
      %dma_wait3A_393 = tpu.memref_slice %arg3[%mul3A_6, %dma_wait3A_391, %dma_wait3A_392] : memref<5120x2x128xi32, #tpu.memory_space<hbm>> -> memref<1x2x128xi32, #tpu.memory_space<hbm>>
      %dma_wait3A_394 = tpu.memref_squeeze %dma_wait3A_393 : memref<1x2x128xi32, #tpu.memory_space<hbm>> -> memref<2x128xi32, #tpu.memory_space<hbm>>
      tpu.wait_dma2 semaphore(%arg13 : memref<!tpu.dma_semaphore, #tpu.memory_space<semaphore_mem>>) src(%dma_wait3A_394 : memref<2x128xi32, #tpu.memory_space<hbm>>) dst(%arg6 : memref<2x128xi32, #tpu.memory_space<vmem>>)
      %dma_wait3A_395 = arith.constant 0 : i32
      %dma_wait3A_396 = arith.constant 0 : i32
      %dma_wait3A_397 = tpu.memref_slice %arg2[%dma_wait3A_395, %dma_wait3A_396] : memref<10000x128xf32, #tpu.memory_space<hbm>> -> memref<128x128xf32, #tpu.memory_space<hbm>>
      %dma_wait3A_398 = arith.constant 0 : i32
      %dma_wait3A_399 = arith.constant 0 : i32
      %dma_wait3A_400 = tpu.memref_slice %arg2[%dma_wait3A_398, %dma_wait3A_399] : memref<10000x128xf32, #tpu.memory_space<hbm>> -> memref<128x128xf32, #tpu.memory_space<hbm>>
      tpu.wait_dma2 semaphore(%arg19 : memref<!tpu.dma_semaphore, #tpu.memory_space<semaphore_mem>>) src(%dma_wait3A_400 : memref<128x128xf32, #tpu.memory_space<hbm>>) dst(%arg10 : memref<128x128xf32, #tpu.memory_space<vmem>>)
      %dma_start3A_401 = arith.constant 0 : i32
      %dma_start3A_402 = arith.constant 0 : i32
      %dma_start3A_403 = tpu.memref_slice %arg6[%dma_start3A_401, %dma_start3A_402] : memref<2x128xi32, #tpu.memory_space<vmem>> -> memref<1x128xi32, #tpu.memory_space<vmem>>
      %dma_start3A_404 = tpu.memref_squeeze %dma_start3A_403 : memref<1x128xi32, #tpu.memory_space<vmem>> -> memref<128xi32, #tpu.memory_space<vmem>>
      %dma_start3A_405 = arith.constant 0 : i32
      %dma_start3A_406 = arith.constant 0 : i32
      %dma_start3A_407 = tpu.memref_slice %arg2[%dma_start3A_405, %dma_start3A_406] : memref<10000x128xf32, #tpu.memory_space<hbm>> -> memref<10000x128xf32, #tpu.memory_space<hbm>>
      tpu.enqueue_indirect_dma source(%dma_start3A_407 : memref<10000x128xf32, #tpu.memory_space<hbm>>) target(%arg10 : memref<128x128xf32, #tpu.memory_space<vmem>>) offsets(%dma_start3A_404 : memref<128xi32, #tpu.memory_space<vmem>>) semaphore(%arg17 : memref<!tpu.dma_semaphore, #tpu.memory_space<semaphore_mem>>)
      %dma_wait3A_408 = arith.constant 0 : i32
      %dma_wait3A_409 = arith.constant 0 : i32
      %dma_wait3A_410 = tpu.memref_slice %arg2[%dma_wait3A_408, %dma_wait3A_409] : memref<10000x128xf32, #tpu.memory_space<hbm>> -> memref<128x128xf32, #tpu.memory_space<hbm>>
      %dma_wait3A_411 = arith.constant 0 : i32
      %dma_wait3A_412 = arith.constant 0 : i32
      %dma_wait3A_413 = tpu.memref_slice %arg2[%dma_wait3A_411, %dma_wait3A_412] : memref<10000x128xf32, #tpu.memory_space<hbm>> -> memref<128x128xf32, #tpu.memory_space<hbm>>
      tpu.wait_dma2 semaphore(%arg18 : memref<!tpu.dma_semaphore, #tpu.memory_space<semaphore_mem>>) src(%dma_wait3A_413 : memref<128x128xf32, #tpu.memory_space<hbm>>) dst(%arg11 : memref<128x128xf32, #tpu.memory_space<vmem>>)
      %dma_start3A_414 = arith.constant 1 : i32
      %dma_start3A_415 = arith.constant 0 : i32
      %dma_start3A_416 = tpu.memref_slice %arg9[%dma_start3A_414, %dma_start3A_415] : memref<2x128xi32, #tpu.memory_space<vmem>> -> memref<1x128xi32, #tpu.memory_space<vmem>>
      %dma_start3A_417 = tpu.memref_squeeze %dma_start3A_416 : memref<1x128xi32, #tpu.memory_space<vmem>> -> memref<128xi32, #tpu.memory_space<vmem>>
      %dma_start3A_418 = arith.constant 0 : i32
      %dma_start3A_419 = arith.constant 0 : i32
      %dma_start3A_420 = tpu.memref_slice %arg12[%dma_start3A_418, %dma_start3A_419] : memref<10112x128xf32, #tpu.memory_space<vmem_shared>> -> memref<10112x128xf32, #tpu.memory_space<vmem_shared>>
      tpu.enqueue_indirect_dma source(%arg11 : memref<128x128xf32, #tpu.memory_space<vmem>>) target(%dma_start3A_420 : memref<10112x128xf32, #tpu.memory_space<vmem_shared>>) offsets(%dma_start3A_417 : memref<128xi32, #tpu.memory_space<vmem>>) semaphore(%arg20 : memref<!tpu.dma_semaphore, #tpu.memory_space<semaphore_mem>>) {add = true}
      %add3A_421 = arith.constant 2 : i32
      %add3A_422 = arith.addi %add3A_386, %add3A_421 : i32
      %min3A_423 = arith.constant 159 : i32
      %min3A_424 = arith.minsi %add3A_422, %min3A_423 : i32
      %add3A_425 = arith.addi %mul3A_6, %min3A_424 : i32
      %dma_start3A_426 = arith.constant 0 : i32
      %dma_start3A_427 = arith.constant 0 : i32
      %dma_start3A_428 = tpu.memref_slice %arg3[%add3A_425, %dma_start3A_426, %dma_start3A_427] : memref<5120x2x128xi32, #tpu.memory_space<hbm>> -> memref<1x2x128xi32, #tpu.memory_space<hbm>>
      %dma_start3A_429 = tpu.memref_squeeze %dma_start3A_428 : memref<1x2x128xi32, #tpu.memory_space<hbm>> -> memref<2x128xi32, #tpu.memory_space<hbm>>
      %dma_start3A_430 = arith.constant 0 : i32
      %dma_start3A_431 = arith.constant 0 : i32
      %dma_start3A_432 = tpu.memref_slice %arg3[%add3A_425, %dma_start3A_430, %dma_start3A_431] : memref<5120x2x128xi32, #tpu.memory_space<hbm>> -> memref<1x2x128xi32, #tpu.memory_space<hbm>>
      %dma_start3A_433 = tpu.memref_squeeze %dma_start3A_432 : memref<1x2x128xi32, #tpu.memory_space<hbm>> -> memref<2x128xi32, #tpu.memory_space<hbm>>
      tpu.enqueue_dma source(%dma_start3A_433 : memref<2x128xi32, #tpu.memory_space<hbm>>) target(%arg7 : memref<2x128xi32, #tpu.memory_space<vmem>>) target_semaphore(%arg14 : memref<!tpu.dma_semaphore, #tpu.memory_space<semaphore_mem>>)
    }
    %scan3A_203 = arith.constant 39 : i32
    %dma_wait3A_204 = arith.constant 0 : i32
    %dma_wait3A_205 = arith.constant 0 : i32
    %dma_wait3A_206 = tpu.memref_slice %arg2[%dma_wait3A_204, %dma_wait3A_205] : memref<10000x128xf32, #tpu.memory_space<hbm>> -> memref<128x128xf32, #tpu.memory_space<hbm>>
    %dma_wait3A_207 = arith.constant 0 : i32
    %dma_wait3A_208 = arith.constant 0 : i32
    %dma_wait3A_209 = tpu.memref_slice %arg2[%dma_wait3A_207, %dma_wait3A_208] : memref<10000x128xf32, #tpu.memory_space<hbm>> -> memref<128x128xf32, #tpu.memory_space<hbm>>
    tpu.wait_dma2 semaphore(%arg17 : memref<!tpu.dma_semaphore, #tpu.memory_space<semaphore_mem>>) src(%dma_wait3A_209 : memref<128x128xf32, #tpu.memory_space<hbm>>) dst(%arg10 : memref<128x128xf32, #tpu.memory_space<vmem>>)
    %dma_wait3A_210 = arith.constant 0 : i32
    %dma_wait3A_211 = arith.constant 0 : i32
    %dma_wait3A_212 = tpu.memref_slice %arg2[%dma_wait3A_210, %dma_wait3A_211] : memref<10000x128xf32, #tpu.memory_space<hbm>> -> memref<128x128xf32, #tpu.memory_space<hbm>>
    %dma_wait3A_213 = arith.constant 0 : i32
    %dma_wait3A_214 = arith.constant 0 : i32
    %dma_wait3A_215 = tpu.memref_slice %arg2[%dma_wait3A_213, %dma_wait3A_214] : memref<10000x128xf32, #tpu.memory_space<hbm>> -> memref<128x128xf32, #tpu.memory_space<hbm>>
    tpu.wait_dma2 semaphore(%arg20 : memref<!tpu.dma_semaphore, #tpu.memory_space<semaphore_mem>>) src(%dma_wait3A_215 : memref<128x128xf32, #tpu.memory_space<hbm>>) dst(%arg11 : memref<128x128xf32, #tpu.memory_space<vmem>>)
    %dma_wait3A_216 = arith.constant 0 : i32
    %dma_wait3A_217 = arith.constant 0 : i32
    %dma_wait3A_218 = tpu.memref_slice %arg3[%mul3A_6, %dma_wait3A_216, %dma_wait3A_217] : memref<5120x2x128xi32, #tpu.memory_space<hbm>> -> memref<1x2x128xi32, #tpu.memory_space<hbm>>
    %dma_wait3A_219 = tpu.memref_squeeze %dma_wait3A_218 : memref<1x2x128xi32, #tpu.memory_space<hbm>> -> memref<2x128xi32, #tpu.memory_space<hbm>>
    %dma_wait3A_220 = arith.constant 0 : i32
    %dma_wait3A_221 = arith.constant 0 : i32
    %dma_wait3A_222 = tpu.memref_slice %arg3[%mul3A_6, %dma_wait3A_220, %dma_wait3A_221] : memref<5120x2x128xi32, #tpu.memory_space<hbm>> -> memref<1x2x128xi32, #tpu.memory_space<hbm>>
    %dma_wait3A_223 = tpu.memref_squeeze %dma_wait3A_222 : memref<1x2x128xi32, #tpu.memory_space<hbm>> -> memref<2x128xi32, #tpu.memory_space<hbm>>
    tpu.wait_dma2 semaphore(%arg14 : memref<!tpu.dma_semaphore, #tpu.memory_space<semaphore_mem>>) src(%dma_wait3A_223 : memref<2x128xi32, #tpu.memory_space<hbm>>) dst(%arg7 : memref<2x128xi32, #tpu.memory_space<vmem>>)
    %barrier3A_224 = arith.constant 0 : index
    tpu.barrier barrier_id(%barrier3A_224)
    %mul3A_225 = arith.constant 632 : i32
    %mul3A_226 = arith.muli %arg1, %mul3A_225 : i32
    %mul3A_227 = arith.constant 632 : i32
    %mul3A_228 = arith.muli %arg1, %mul3A_227 : i32
    "tpu.region"() ({
      %run_scoped3A = tpu.sem_alloc : memref<!tpu.dma_semaphore, #tpu.memory_space<semaphore_mem>>
      %dma_start3A_229 = arith.constant 0 : i32
      %dma_start3A_230 = arith.constant 0 : i32
      %dma_start3A_231 = tpu.memref_slice %arg5[%arg0, %dma_start3A_229, %dma_start3A_230] : memref<2x10112x128xf32, #tpu.memory_space<hbm>> -> memref<1x10112x128xf32, #tpu.memory_space<hbm>>
      %dma_start3A_232 = tpu.memref_squeeze %dma_start3A_231 : memref<1x10112x128xf32, #tpu.memory_space<hbm>> -> memref<10112x128xf32, #tpu.memory_space<hbm>>
      %dma_start3A_233 = arith.constant 0 : i32
      %dma_start3A_234 = tpu.memref_slice %dma_start3A_232[%mul3A_228, %dma_start3A_233] : memref<10112x128xf32, #tpu.memory_space<hbm>> -> memref<632x128xf32, #tpu.memory_space<hbm>>
      %dma_start3A_235 = arith.constant 0 : i32
      %dma_start3A_236 = tpu.memref_slice %arg12[%mul3A_226, %dma_start3A_235] : memref<10112x128xf32, #tpu.memory_space<vmem_shared>> -> memref<632x128xf32, #tpu.memory_space<vmem_shared>>
      tpu.enqueue_dma source(%dma_start3A_236 : memref<632x128xf32, #tpu.memory_space<vmem_shared>>) target(%dma_start3A_234 : memref<632x128xf32, #tpu.memory_space<hbm>>) target_semaphore(%run_scoped3A : memref<!tpu.dma_semaphore, #tpu.memory_space<semaphore_mem>>)
      %dma_wait3A_237 = arith.constant 0 : i32
      %dma_wait3A_238 = arith.constant 0 : i32
      %dma_wait3A_239 = tpu.memref_slice %arg5[%arg0, %dma_wait3A_237, %dma_wait3A_238] : memref<2x10112x128xf32, #tpu.memory_space<hbm>> -> memref<1x10112x128xf32, #tpu.memory_space<hbm>>
      %dma_wait3A_240 = tpu.memref_squeeze %dma_wait3A_239 : memref<1x10112x128xf32, #tpu.memory_space<hbm>> -> memref<10112x128xf32, #tpu.memory_space<hbm>>
      %dma_wait3A_241 = arith.constant 0 : i32
      %dma_wait3A_242 = tpu.memref_slice %dma_wait3A_240[%mul3A_228, %dma_wait3A_241] : memref<10112x128xf32, #tpu.memory_space<hbm>> -> memref<632x128xf32, #tpu.memory_space<hbm>>
      %dma_wait3A_243 = arith.constant 0 : i32
      %dma_wait3A_244 = tpu.memref_slice %arg12[%mul3A_226, %dma_wait3A_243] : memref<10112x128xf32, #tpu.memory_space<vmem_shared>> -> memref<632x128xf32, #tpu.memory_space<vmem_shared>>
      tpu.wait_dma2 semaphore(%run_scoped3A : memref<!tpu.dma_semaphore, #tpu.memory_space<semaphore_mem>>) src(%dma_wait3A_244 : memref<632x128xf32, #tpu.memory_space<vmem_shared>>) dst(%dma_wait3A_242 : memref<632x128xf32, #tpu.memory_space<hbm>>)
      tpu.yield
    }) : () -> ()
    return
  }
}

module attributes {stable_mosaic.version = 14 : i64} {
  func.func @_lin2_body(%arg0: i32, %arg1: memref<2000x128xf32, #tpu.memory_space<vmem>>, %arg2: memref<128x128xf32, #tpu.memory_space<vmem>>, %arg3: memref<1x128xf32, #tpu.memory_space<vmem>>, %arg4: memref<128x128xf32, #tpu.memory_space<vmem>>, %arg5: memref<1x128xf32, #tpu.memory_space<vmem>>, %arg6: memref<2000x128xf32, #tpu.memory_space<vmem>>, %arg7: memref<2000x128xf32, #tpu.memory_space<vmem>>) attributes {dimension_semantics = [#tpu.dimension_semantics<arbitrary>], iteration_bounds = array<i64: 5>, scalar_prefetch = 0 : i64, scratch_operands = 0 : i64, tpu.core_type = #tpu.core_type<tc>, window_params = [{transform_indices = @transform_0, window_bounds = array<i64: 2000, 128>}, {pipeline_mode = #tpu.pipeline_mode<synchronous>, transform_indices = @transform_1, window_bounds = array<i64: 128, 128>}, {pipeline_mode = #tpu.pipeline_mode<synchronous>, transform_indices = @transform_2, window_bounds = array<i64: 1, 128>}, {pipeline_mode = #tpu.pipeline_mode<synchronous>, transform_indices = @transform_3, window_bounds = array<i64: 128, 128>}, {pipeline_mode = #tpu.pipeline_mode<synchronous>, transform_indices = @transform_4, window_bounds = array<i64: 1, 128>}, {transform_indices = @transform_5, window_bounds = array<i64: 2000, 128>}, {transform_indices = @transform_6, window_bounds = array<i64: 2000, 128>}]} {
    %get3A = arith.constant 0 : index
    %get3A_0 = arith.constant 0 : index
    %get3A_1 = vector.load %arg1[%get3A, %get3A_0] : memref<2000x128xf32, #tpu.memory_space<vmem>>, vector<2000x128xf32>
    %get3A_2 = arith.constant 0 : index
    %get3A_3 = arith.constant 0 : index
    %get3A_4 = vector.load %arg2[%get3A_2, %get3A_3] : memref<128x128xf32, #tpu.memory_space<vmem>>, vector<128x128xf32>
    %dot_general3A = arith.constant dense<0.000000e+00> : vector<2000x128xf32>
    %dot_general3A_5 = tpu.matmul %get3A_1, %get3A_4, %dot_general3A {dimension_numbers = #tpu.dot_dimension_numbers<[1], [0], [0], [1], [0, 0, 1, 1], [], []>, transpose_lhs_hint = false} : vector<2000x128xf32>, vector<128x128xf32>, vector<2000x128xf32> -> vector<2000x128xf32>
    %get3A_6 = arith.constant 0 : index
    %get3A_7 = arith.constant 0 : index
    %get3A_8 = vector.load %arg3[%get3A_6, %get3A_7] : memref<1x128xf32, #tpu.memory_space<vmem>>, vector<1x128xf32>
    %add3A = vector.broadcast %get3A_8 : vector<1x128xf32> to vector<2000x128xf32>
    %add3A_9 = arith.addf %dot_general3A_5, %add3A : vector<2000x128xf32>
    %swap3A = arith.constant 0 : index
    %swap3A_10 = arith.constant 0 : index
    %swap3A_11 = vector.load %arg6[%swap3A, %swap3A_10] : memref<2000x128xf32, #tpu.memory_space<vmem>>, vector<2000x128xf32>
    tpu.vector_store %arg6[%swap3A, %swap3A_10], %add3A_9 {strides = array<i32>} : memref<2000x128xf32, #tpu.memory_space<vmem>>, vector<2000x128xf32>,
    %get3A_12 = arith.constant 0 : index
    %get3A_13 = arith.constant 0 : index
    %get3A_14 = vector.load %arg4[%get3A_12, %get3A_13] : memref<128x128xf32, #tpu.memory_space<vmem>>, vector<128x128xf32>
    %dot_general3A_15 = arith.constant dense<0.000000e+00> : vector<2000x128xf32>
    %dot_general3A_16 = tpu.matmul %get3A_1, %get3A_14, %dot_general3A_15 {dimension_numbers = #tpu.dot_dimension_numbers<[1], [0], [0], [1], [0, 0, 1, 1], [], []>, transpose_lhs_hint = false} : vector<2000x128xf32>, vector<128x128xf32>, vector<2000x128xf32> -> vector<2000x128xf32>
    %get3A_17 = arith.constant 0 : index
    %get3A_18 = arith.constant 0 : index
    %get3A_19 = vector.load %arg5[%get3A_17, %get3A_18] : memref<1x128xf32, #tpu.memory_space<vmem>>, vector<1x128xf32>
    %add3A_20 = vector.broadcast %get3A_19 : vector<1x128xf32> to vector<2000x128xf32>
    %add3A_21 = arith.addf %dot_general3A_16, %add3A_20 : vector<2000x128xf32>
    %swap3A_22 = arith.constant 0 : index
    %swap3A_23 = arith.constant 0 : index
    %swap3A_24 = vector.load %arg7[%swap3A_22, %swap3A_23] : memref<2000x128xf32, #tpu.memory_space<vmem>>, vector<2000x128xf32>
    tpu.vector_store %arg7[%swap3A_22, %swap3A_23], %add3A_21 {strides = array<i32>} : memref<2000x128xf32, #tpu.memory_space<vmem>>, vector<2000x128xf32>,
    return
  }
  func.func @transform_0(%arg0: i32) -> (i32, i32) {
    %c0_i32 = arith.constant 0 : i32
    %c0_i32_0 = arith.constant 0 : i32
    return %arg0, %c0_i32 : i32, i32
  }
  func.func @transform_1(%arg0: i32) -> (i32, i32) {
    %c0_i32 = arith.constant 0 : i32
    %c0_i32_0 = arith.constant 0 : i32
    %c0_i32_1 = arith.constant 0 : i32
    return %c0_i32, %c0_i32_0 : i32, i32
  }
  func.func @transform_2(%arg0: i32) -> (i32, i32) {
    %c0_i32 = arith.constant 0 : i32
    %c0_i32_0 = arith.constant 0 : i32
    %c0_i32_1 = arith.constant 0 : i32
    return %c0_i32, %c0_i32_0 : i32, i32
  }
  func.func @transform_3(%arg0: i32) -> (i32, i32) {
    %c0_i32 = arith.constant 0 : i32
    %c0_i32_0 = arith.constant 0 : i32
    %c0_i32_1 = arith.constant 0 : i32
    return %c0_i32, %c0_i32_0 : i32, i32
  }
  func.func @transform_4(%arg0: i32) -> (i32, i32) {
    %c0_i32 = arith.constant 0 : i32
    %c0_i32_0 = arith.constant 0 : i32
    %c0_i32_1 = arith.constant 0 : i32
    return %c0_i32, %c0_i32_0 : i32, i32
  }
  func.func @transform_5(%arg0: i32) -> (i32, i32) {
    %c0_i32 = arith.constant 0 : i32
    %c0_i32_0 = arith.constant 0 : i32
    return %arg0, %c0_i32 : i32, i32
  }
  func.func @transform_6(%arg0: i32) -> (i32, i32) {
    %c0_i32 = arith.constant 0 : i32
    %c0_i32_0 = arith.constant 0 : i32
    return %arg0, %c0_i32 : i32, i32
  }
}

module attributes {stable_mosaic.version = 14 : i64} {
  func.func @_layer2_body(%arg0: i32, %arg1: memref<2000x128xf32, #tpu.memory_space<vmem>>, %arg2: memref<2x2000x128xf32, #tpu.memory_space<vmem>>, %arg3: memref<128x128xf32, #tpu.memory_space<vmem>>, %arg4: memref<1x128xf32, #tpu.memory_space<vmem>>, %arg5: memref<128x128xf32, #tpu.memory_space<vmem>>, %arg6: memref<1x128xf32, #tpu.memory_space<vmem>>, %arg7: memref<2000x128xf32, #tpu.memory_space<vmem>>, %arg8: memref<2000x128xf32, #tpu.memory_space<vmem>>) attributes {dimension_semantics = [#tpu.dimension_semantics<arbitrary>], iteration_bounds = array<i64: 5>, scalar_prefetch = 0 : i64, scratch_operands = 0 : i64, tpu.core_type = #tpu.core_type<tc>, window_params = [{transform_indices = @transform_0, window_bounds = array<i64: 2000, 128>}, {transform_indices = @transform_1, window_bounds = array<i64: 2, 2000, 128>}, {pipeline_mode = #tpu.pipeline_mode<synchronous>, transform_indices = @transform_2, window_bounds = array<i64: 128, 128>}, {pipeline_mode = #tpu.pipeline_mode<synchronous>, transform_indices = @transform_3, window_bounds = array<i64: 1, 128>}, {pipeline_mode = #tpu.pipeline_mode<synchronous>, transform_indices = @transform_4, window_bounds = array<i64: 128, 128>}, {pipeline_mode = #tpu.pipeline_mode<synchronous>, transform_indices = @transform_5, window_bounds = array<i64: 1, 128>}, {transform_indices = @transform_6, window_bounds = array<i64: 2000, 128>}, {transform_indices = @transform_7, window_bounds = array<i64: 2000, 128>}]} {
    %get3A = arith.constant 0 : index
    %get3A_0 = arith.constant 0 : index
    %get3A_1 = vector.load %arg1[%get3A, %get3A_0] : memref<2000x128xf32, #tpu.memory_space<vmem>>, vector<2000x128xf32>
    %get3A_2 = arith.constant 0 : index
    %get3A_3 = arith.constant 0 : index
    %get3A_4 = arith.constant 0 : index
    %get3A_5 = vector.load %arg2[%get3A_2, %get3A_3, %get3A_4] : memref<2x2000x128xf32, #tpu.memory_space<vmem>>, vector<1x2000x128xf32>
    %get3A_6 = vector.shape_cast %get3A_5 : vector<1x2000x128xf32> to vector<2000x128xf32>
    %add3A = arith.addf %get3A_1, %get3A_6 : vector<2000x128xf32>
    %get3A_7 = arith.constant 1 : index
    %get3A_8 = arith.constant 0 : index
    %get3A_9 = arith.constant 0 : index
    %get3A_10 = vector.load %arg2[%get3A_7, %get3A_8, %get3A_9] : memref<2x2000x128xf32, #tpu.memory_space<vmem>>, vector<1x2000x128xf32>
    %get3A_11 = vector.shape_cast %get3A_10 : vector<1x2000x128xf32> to vector<2000x128xf32>
    %add3A_12 = arith.addf %add3A, %get3A_11 : vector<2000x128xf32>
    %max3A = arith.constant 0.000000e+00 : f32
    %max3A_13 = vector.broadcast %max3A : f32 to vector<2000x128xf32>
    %max3A_14 = arith.maximumf %add3A_12, %max3A_13 : vector<2000x128xf32>
    %get3A_15 = arith.constant 0 : index
    %get3A_16 = arith.constant 0 : index
    %get3A_17 = vector.load %arg3[%get3A_15, %get3A_16] : memref<128x128xf32, #tpu.memory_space<vmem>>, vector<128x128xf32>
    %dot_general3A = arith.constant dense<0.000000e+00> : vector<2000x128xf32>
    %dot_general3A_18 = tpu.matmul %max3A_14, %get3A_17, %dot_general3A {dimension_numbers = #tpu.dot_dimension_numbers<[1], [0], [0], [1], [0, 0, 1, 1], [], []>, transpose_lhs_hint = false} : vector<2000x128xf32>, vector<128x128xf32>, vector<2000x128xf32> -> vector<2000x128xf32>
    %get3A_19 = arith.constant 0 : index
    %get3A_20 = arith.constant 0 : index
    %get3A_21 = vector.load %arg4[%get3A_19, %get3A_20] : memref<1x128xf32, #tpu.memory_space<vmem>>, vector<1x128xf32>
    %add3A_22 = vector.broadcast %get3A_21 : vector<1x128xf32> to vector<2000x128xf32>
    %add3A_23 = arith.addf %dot_general3A_18, %add3A_22 : vector<2000x128xf32>
    %swap3A = arith.constant 0 : index
    %swap3A_24 = arith.constant 0 : index
    %swap3A_25 = vector.load %arg7[%swap3A, %swap3A_24] : memref<2000x128xf32, #tpu.memory_space<vmem>>, vector<2000x128xf32>
    tpu.vector_store %arg7[%swap3A, %swap3A_24], %add3A_23 {strides = array<i32>} : memref<2000x128xf32, #tpu.memory_space<vmem>>, vector<2000x128xf32>,
    %get3A_26 = arith.constant 0 : index
    %get3A_27 = arith.constant 0 : index
    %get3A_28 = vector.load %arg5[%get3A_26, %get3A_27] : memref<128x128xf32, #tpu.memory_space<vmem>>, vector<128x128xf32>
    %dot_general3A_29 = arith.constant dense<0.000000e+00> : vector<2000x128xf32>
    %dot_general3A_30 = tpu.matmul %max3A_14, %get3A_28, %dot_general3A_29 {dimension_numbers = #tpu.dot_dimension_numbers<[1], [0], [0], [1], [0, 0, 1, 1], [], []>, transpose_lhs_hint = false} : vector<2000x128xf32>, vector<128x128xf32>, vector<2000x128xf32> -> vector<2000x128xf32>
    %get3A_31 = arith.constant 0 : index
    %get3A_32 = arith.constant 0 : index
    %get3A_33 = vector.load %arg6[%get3A_31, %get3A_32] : memref<1x128xf32, #tpu.memory_space<vmem>>, vector<1x128xf32>
    %add3A_34 = vector.broadcast %get3A_33 : vector<1x128xf32> to vector<2000x128xf32>
    %add3A_35 = arith.addf %dot_general3A_30, %add3A_34 : vector<2000x128xf32>
    %swap3A_36 = arith.constant 0 : index
    %swap3A_37 = arith.constant 0 : index
    %swap3A_38 = vector.load %arg8[%swap3A_36, %swap3A_37] : memref<2000x128xf32, #tpu.memory_space<vmem>>, vector<2000x128xf32>
    tpu.vector_store %arg8[%swap3A_36, %swap3A_37], %add3A_35 {strides = array<i32>} : memref<2000x128xf32, #tpu.memory_space<vmem>>, vector<2000x128xf32>,
    return
  }
  func.func @transform_0(%arg0: i32) -> (i32, i32) {
    %c0_i32 = arith.constant 0 : i32
    %c0_i32_0 = arith.constant 0 : i32
    return %arg0, %c0_i32 : i32, i32
  }
  func.func @transform_1(%arg0: i32) -> (i32, i32, i32) {
    %c0_i32 = arith.constant 0 : i32
    %c0_i32_0 = arith.constant 0 : i32
    %c0_i32_1 = arith.constant 0 : i32
    return %c0_i32, %arg0, %c0_i32_0 : i32, i32, i32
  }
  func.func @transform_2(%arg0: i32) -> (i32, i32) {
    %c0_i32 = arith.constant 0 : i32
    %c0_i32_0 = arith.constant 0 : i32
    %c0_i32_1 = arith.constant 0 : i32
    return %c0_i32, %c0_i32_0 : i32, i32
  }
  func.func @transform_3(%arg0: i32) -> (i32, i32) {
    %c0_i32 = arith.constant 0 : i32
    %c0_i32_0 = arith.constant 0 : i32
    %c0_i32_1 = arith.constant 0 : i32
    return %c0_i32, %c0_i32_0 : i32, i32
  }
  func.func @transform_4(%arg0: i32) -> (i32, i32) {
    %c0_i32 = arith.constant 0 : i32
    %c0_i32_0 = arith.constant 0 : i32
    %c0_i32_1 = arith.constant 0 : i32
    return %c0_i32, %c0_i32_0 : i32, i32
  }
  func.func @transform_5(%arg0: i32) -> (i32, i32) {
    %c0_i32 = arith.constant 0 : i32
    %c0_i32_0 = arith.constant 0 : i32
    %c0_i32_1 = arith.constant 0 : i32
    return %c0_i32, %c0_i32_0 : i32, i32
  }
  func.func @transform_6(%arg0: i32) -> (i32, i32) {
    %c0_i32 = arith.constant 0 : i32
    %c0_i32_0 = arith.constant 0 : i32
    return %arg0, %c0_i32 : i32, i32
  }
  func.func @transform_7(%arg0: i32) -> (i32, i32) {
    %c0_i32 = arith.constant 0 : i32
    %c0_i32_0 = arith.constant 0 : i32
    return %arg0, %c0_i32 : i32, i32
  }
}

module attributes {stable_mosaic.version = 14 : i64} {
  func.func @_pool_head_body(%arg0: memref<10000x128xf32, #tpu.memory_space<vmem>>, %arg1: memref<2x10112x128xf32, #tpu.memory_space<vmem>>, %arg2: memref<1x10000xi32, #tpu.memory_space<vmem>>, %arg3: memref<128x1024xf32, #tpu.memory_space<vmem>>, %arg4: memref<1x1024xf32, #tpu.memory_space<vmem>>, %arg5: memref<1024x128xf32, #tpu.memory_space<vmem>>, %arg6: memref<1x128xf32, #tpu.memory_space<vmem>>, %arg7: memref<16x128xf32, #tpu.memory_space<vmem>>) attributes {dimension_semantics = [], scalar_prefetch = 0 : i64, scratch_operands = 0 : i64, tpu.core_type = #tpu.core_type<tc>} {
    %get3A = arith.constant 0 : index
    %get3A_0 = arith.constant 0 : index
    %get3A_1 = vector.load %arg0[%get3A, %get3A_0] : memref<10000x128xf32, #tpu.memory_space<vmem>>, vector<10000x128xf32>
    %get3A_2 = arith.constant 0 : index
    %get3A_3 = arith.constant 0 : index
    %get3A_4 = arith.constant 0 : index
    %get3A_5 = vector.load %arg1[%get3A_2, %get3A_3, %get3A_4] : memref<2x10112x128xf32, #tpu.memory_space<vmem>>, vector<1x10000x128xf32>
    %get3A_6 = vector.shape_cast %get3A_5 : vector<1x10000x128xf32> to vector<10000x128xf32>
    %add3A = arith.addf %get3A_1, %get3A_6 : vector<10000x128xf32>
    %get3A_7 = arith.constant 1 : index
    %get3A_8 = arith.constant 0 : index
    %get3A_9 = arith.constant 0 : index
    %get3A_10 = vector.load %arg1[%get3A_7, %get3A_8, %get3A_9] : memref<2x10112x128xf32, #tpu.memory_space<vmem>>, vector<1x10000x128xf32>
    %get3A_11 = vector.shape_cast %get3A_10 : vector<1x10000x128xf32> to vector<10000x128xf32>
    %add3A_12 = arith.addf %add3A, %get3A_11 : vector<10000x128xf32>
    %max3A = arith.constant 0.000000e+00 : f32
    %max3A_13 = vector.broadcast %max3A : f32 to vector<10000x128xf32>
    %max3A_14 = arith.maximumf %add3A_12, %max3A_13 : vector<10000x128xf32>
    %get3A_15 = arith.constant 0 : index
    %get3A_16 = arith.constant 0 : index
    %get3A_17 = vector.load %arg2[%get3A_15, %get3A_16] : memref<1x10000xi32, #tpu.memory_space<vmem>>, vector<1x10000xi32>
    %iota3A = tpu.iota {dimensions = array<i32: 0>} : vector<16x10000xi32>
    %eq3A = vector.broadcast %get3A_17 : vector<1x10000xi32> to vector<16x10000xi32>
    %eq3A_18 = arith.cmpi eq, %iota3A, %eq3A : vector<16x10000xi32>
    %convert_element_type3A = arith.extui %eq3A_18 : vector<16x10000xi1> to vector<16x10000xi32>
    %convert_element_type3A_19 = arith.sitofp %convert_element_type3A : vector<16x10000xi32> to vector<16x10000xf32>
    %reduce_sum3A = arith.constant dense<0.000000e+00> : vector<16xf32>
    %reduce_sum3A_20 = vector.multi_reduction <add>, %convert_element_type3A_19, %reduce_sum3A [1] : vector<16x10000xf32> to vector<16xf32>
    %reduce_max3A = vector.shape_cast %reduce_sum3A_20 : vector<16xf32> to vector<1x16xf32>
    %reduce_max3A_21 = arith.constant dense<0xFF800000> : vector<1xf32>
    %reduce_max3A_22 = vector.multi_reduction <maximumf>, %reduce_max3A, %reduce_max3A_21 [1] : vector<1x16xf32> to vector<1xf32>
    %reduce_max3A_23 = vector.shape_cast %reduce_max3A_22 : vector<1xf32> to vector<1x1xf32>
    %reduce_max3A_24 = vector.extract %reduce_max3A_23[0, 0] : f32 from vector<1x1xf32>
    %dot_general3A = arith.constant dense<0.000000e+00> : vector<16x128xf32>
    %dot_general3A_25 = tpu.matmul %convert_element_type3A_19, %max3A_14, %dot_general3A {dimension_numbers = #tpu.dot_dimension_numbers<[1], [0], [0], [1], [0, 0, 1, 1], [], []>, precision = #tpu.contract_precision<fp32>, transpose_lhs_hint = false} : vector<16x10000xf32>, vector<10000x128xf32>, vector<16x128xf32> -> vector<16x128xf32>
    %div3A = vector.broadcast %reduce_max3A_24 : f32 to vector<16x128xf32>
    %div3A_26 = arith.divf %dot_general3A_25, %div3A : vector<16x128xf32>
    %get3A_27 = arith.constant 0 : index
    %get3A_28 = arith.constant 0 : index
    %get3A_29 = vector.load %arg3[%get3A_27, %get3A_28] : memref<128x1024xf32, #tpu.memory_space<vmem>>, vector<128x1024xf32>
    %dot_general3A_30 = arith.constant dense<0.000000e+00> : vector<16x1024xf32>
    %dot_general3A_31 = tpu.matmul %div3A_26, %get3A_29, %dot_general3A_30 {dimension_numbers = #tpu.dot_dimension_numbers<[1], [0], [0], [1], [0, 0, 1, 1], [], []>, transpose_lhs_hint = false} : vector<16x128xf32>, vector<128x1024xf32>, vector<16x1024xf32> -> vector<16x1024xf32>
    %get3A_32 = arith.constant 0 : index
    %get3A_33 = arith.constant 0 : index
    %get3A_34 = vector.load %arg4[%get3A_32, %get3A_33] : memref<1x1024xf32, #tpu.memory_space<vmem>>, vector<1x1024xf32>
    %add3A_35 = vector.broadcast %get3A_34 : vector<1x1024xf32> to vector<16x1024xf32>
    %add3A_36 = arith.addf %dot_general3A_31, %add3A_35 : vector<16x1024xf32>
    %max3A_37 = arith.constant 0.000000e+00 : f32
    %max3A_38 = vector.broadcast %max3A_37 : f32 to vector<16x1024xf32>
    %max3A_39 = arith.maximumf %add3A_36, %max3A_38 : vector<16x1024xf32>
    %get3A_40 = arith.constant 0 : index
    %get3A_41 = arith.constant 0 : index
    %get3A_42 = vector.load %arg5[%get3A_40, %get3A_41] : memref<1024x128xf32, #tpu.memory_space<vmem>>, vector<1024x128xf32>
    %dot_general3A_43 = arith.constant dense<0.000000e+00> : vector<16x128xf32>
    %dot_general3A_44 = tpu.matmul %max3A_39, %get3A_42, %dot_general3A_43 {dimension_numbers = #tpu.dot_dimension_numbers<[1], [0], [0], [1], [0, 0, 1, 1], [], []>, transpose_lhs_hint = false} : vector<16x1024xf32>, vector<1024x128xf32>, vector<16x128xf32> -> vector<16x128xf32>
    %get3A_45 = arith.constant 0 : index
    %get3A_46 = arith.constant 0 : index
    %get3A_47 = vector.load %arg6[%get3A_45, %get3A_46] : memref<1x128xf32, #tpu.memory_space<vmem>>, vector<1x128xf32>
    %add3A_48 = vector.broadcast %get3A_47 : vector<1x128xf32> to vector<16x128xf32>
    %add3A_49 = arith.addf %dot_general3A_44, %add3A_48 : vector<16x128xf32>
    %swap3A = arith.constant 0 : index
    %swap3A_50 = arith.constant 0 : index
    %swap3A_51 = vector.load %arg7[%swap3A, %swap3A_50] : memref<16x128xf32, #tpu.memory_space<vmem>>, vector<16x128xf32>
    tpu.vector_store %arg7[%swap3A, %swap3A_50], %add3A_49 {strides = array<i32>} : memref<16x128xf32, #tpu.memory_space<vmem>>, vector<16x128xf32>,
    return
  }
}

</mosaic_0001>

<sc_bundles>
// kernel: kernel.10.cloned.1.call-start
scs
__scs_entry_jumppad:
0x0: {  	(pc) =	sbr.rel $0x88, $3  }
0x1: {  	(tag) =	ssettag $0x0;
	lr =	simm.s32 $0x1  }
0x2: {  	[smem:$0x3F8C] =	sst lr;
	_ =	strace $0xD0000000  }
0x3: {  	_ = 	snop  }
0x4: {  	_ = 	snop  }
0x5: {  	_ = 	snop  }
0x6: {  	_ = 	snop  }
0x7: {  	_ = 	snop  }
__scs_overlays_trampoline_lowered:
0x8: {  	[smem:$0x3F9B] =	sst s0  }
0x9: {  	[smem:$0x3F9C] =	sst s1  }
0xa: {  	[smem:$0x3F9D] =	sst s2  }
0xb: {  	[smem:$0x3F9E] =	sst s3  }
0xc: {  	[smem:$0x3F9F] =	sst s4  }
0xd: {  	[smem:$0x3FA0] =	sst s5  }
0xe: {  	[smem:$0x3FA1] =	sst s6  }
0xf: {  	[smem:$0x3FA2] =	sst s7  }
0x10: {  	[smem:$0x3FA3] =	sst s8  }
0x11: {  	[smem:$0x3FA4] =	sst s9;
	s0 =	simm.s32 @!p0 $0x0  }
0x12: {  	s1 =	sld [smem:$0x3F8A];
	s0 =	simm.s32 @p0 $0x1  }
0x13: {  	[smem:$0x3FA5] =	sst s0;
	s0 =	simm.s32 @!p1 $0x0  }
0x14: {  	s2 =	sld [smem:$0x3F89];
	s0 =	simm.s32 @p1 $0x1  }
0x15: {  	[smem:$0x3FA6] =	sst s0;
	s0 =	simm.s32 @!p2 $0x0  }
0x16: {  	s3 =	sld [smem:$0x3FDB];
	s0 =	simm.s32 @p2 $0x1  }
0x17: {  	s4 =	simm.s32 $0x1BF5;
	[smem:$0x3FA8] =	sst s0  }
0x18: {  	s0 =	sld [smem:$0x3F8B];
	_ =	swait.ge [sflag:s4], $0x0  }
0x19: {  	s7 =	sld [smem:$0x3F8C]  }
0x1a: {  	s8 =	sadd.s32 $0xFFFFE003, lr  }
0x1b: {  	s9 =	sadd.s32 $0xFFFFFEF7, lr;
	s5 =	simm.s32 $0xFFFFFFFF;
	p2 =	slt.u32 s8, $0xFFFFF086  }
0x1c: {  	p1 =	slt.u32 s9, $0xF7A;
	s5 =	simm.s32 @!p2 $0x0  }
0x1d: {  	s5 =	simm.s32 @p1 $0x1;
	p0 =	seq.s32 s7, s2  }
0x1e: {  	s7 =	smul.u32 @!p0 $0xF7A, s2;
	p2 =	seq.s32 @!p0 s5, $0x0  }
0x1f: {  	s9 =	smul.u32 $0xF7A, s1;
	s8 =	simm.s32 @!p0 $0x1BF5;
	p2 =	por !p2, p0  }
0x20: {  	[sflag:s8] =	ssyncset.s32 @!p0 $0xFFFFF086;
	s6 =	sadd.s32 @!p0 s3, s7;
	s7 =	simm.s32 @!p0 $0x108  }
0x21: {  	s3 =	sadd.s32 s3, s9;
	s6 =	sadd.s32 @!p0 $0x88, s6;
	s7 =	simm.s32 @p2 $0x1082  }
0x22: {  	[simem:s7], [sflag:s8] =	dma.local @!p0 [hbm:s6], $0xF7A  }
0x23: {  	s9 =	sor.u32 $0xD0000000, s2;
	s6 =	simm.s32 $0x108;
	_ =	swait.ge @!p0 [sflag:s8], $0x0  }
0x24: {  	s3 =	sadd.s32 $0x88, s3;
	s6 =	simm.s32 @!p1 $0x1082;
	[sflag:s4] =	ssyncset.s32 $0xFFFFF086  }
0x25: {  	[simem:s6], [sflag:s4] =	dma.local [hbm:s3], $0xF7A  }
0x26: {  	[smem:$0x3F8C] =	sst s1;
	(tag) =	ssettag s2;
	_ =	strace s9  }
0x27: {  	s1 =	sld [smem:$0x3F9C]  }
0x28: {  	s2 =	sld [smem:$0x3F9D]  }
0x29: {  	s4 =	sld [smem:$0x3F9F]  }
0x2a: {  	p0 =	seq.s32 s5, $0x0;
	s5 =	sld [smem:$0x3FA0]  }
0x2b: {  	s6 =	sld [smem:$0x3FA1]  }
0x2c: {  	s7 =	sld [smem:$0x3FA2]  }
0x2d: {  	s3 =	simm.s32 $0x108;
	s8 =	sld [smem:$0x3FA3]  }
0x2e: {  	s3 =	simm.s32 @!p0 $0x1082;
	s9 =	sld [smem:$0x3FA4]  }
0x2f: {  	lr =	sadd.s32 s0, s3;
	s0 =	sld [smem:$0x3F9B]  }
0x30: {  	s3 =	sld [smem:$0x3F9E]  }
0x31: {  	[smem:$0x3FA7] =	sst s10  }
0x32: {  	s10 =	sld [smem:$0x3FA5];
	_ =	sdelay $0x3  }
0x33: {  	p0 =	seq.s32 s10, $0x1;
	s10 =	sld [smem:$0x3FA7];
	_ =	sdelay $0x3  }
0x34: {  	[smem:$0x3FA7] =	sst s10  }
0x35: {  	s10 =	sld [smem:$0x3FA6];
	_ =	sdelay $0x3  }
0x36: {  	p1 =	seq.s32 s10, $0x1;
	s10 =	sld [smem:$0x3FA7];
	_ =	sdelay $0x3  }
0x37: {  	[smem:$0x3FA7] =	sst s10  }
0x38: {  	s10 =	sld [smem:$0x3FA8]  }
0x39: {  	_ = 	snop;
	(pc) =	sbr.ind lr, $3  }
0x3a: {  	_ = 	snop  }
0x3b: {  	_ = 	snop  }
0x3c: {  	p2 =	seq.s32 s10, $0x1;
	s10 =	sld [smem:$0x3FA7]  }
0x3d: {  	_ =	shalt  }
0x3e: {  	_ =	shalt  }
0x3f: {  	_ =	shalt  }
0x40: {  	_ =	shalt  }
0x41: {  	_ =	shalt  }
0x42: {  	_ =	shalt  }
0x43: {  	_ =	shalt  }
0x44: {  	_ =	shalt  }
0x45: {  	_ =	shalt  }
0x46: {  	_ =	shalt  }
0x47: {  	_ =	shalt  }
0x48: {  	_ =	shalt  }
0x49: {  	_ =	shalt  }
0x4a: {  	_ =	shalt  }
0x4b: {  	_ =	shalt  }
0x4c: {  	_ =	shalt  }
0x4d: {  	_ =	shalt  }
0x4e: {  	_ =	shalt  }
0x4f: {  	_ =	shalt  }
0x50: {  	_ =	shalt  }
0x51: {  	_ =	shalt  }
0x52: {  	_ =	shalt  }
0x53: {  	_ =	shalt  }
0x54: {  	_ =	shalt  }
0x55: {  	_ =	shalt  }
0x56: {  	_ =	shalt  }
0x57: {  	_ =	shalt  }
0x58: {  	_ =	shalt  }
0x59: {  	_ =	shalt  }
0x5a: {  	_ =	shalt  }
0x5b: {  	_ =	shalt  }
0x5c: {  	_ =	shalt  }
0x5d: {  	_ =	shalt  }
0x5e: {  	_ =	shalt  }
0x5f: {  	_ =	shalt  }
0x60: {  	_ =	shalt  }
0x61: {  	_ =	shalt  }
0x62: {  	_ =	shalt  }
0x63: {  	_ =	shalt  }
0x64: {  	_ =	shalt  }
0x65: {  	_ =	shalt  }
0x66: {  	_ =	shalt  }
0x67: {  	_ =	shalt  }
0x68: {  	_ =	shalt  }
0x69: {  	_ =	shalt  }
0x6a: {  	_ =	shalt  }
0x6b: {  	_ =	shalt  }
0x6c: {  	_ =	shalt  }
0x6d: {  	_ =	shalt  }
0x6e: {  	_ =	shalt  }
0x6f: {  	_ =	shalt  }
0x70: {  	_ =	shalt  }
0x71: {  	_ =	shalt  }
0x72: {  	_ =	shalt  }
0x73: {  	_ =	shalt  }
0x74: {  	_ =	shalt  }
0x75: {  	_ =	shalt  }
0x76: {  	_ =	shalt  }
0x77: {  	_ =	shalt  }
0x78: {  	_ =	shalt  }
0x79: {  	_ =	shalt  }
0x7a: {  	_ =	shalt  }
0x7b: {  	_ =	shalt  }
0x7c: {  	_ =	shalt  }
0x7d: {  	_ =	shalt  }
0x7e: {  	_ =	shalt  }
0x7f: {  	_ =	shalt  }
0x80: {  	_ =	shalt  }
0x81: {  	_ =	shalt  }
0x82: {  	_ =	shalt  }
0x83: {  	_ =	shalt  }
0x84: {  	_ =	shalt  }
0x85: {  	_ =	shalt  }
0x86: {  	_ =	shalt  }
0x87: {  	_ =	shalt  }
.Lfunc_end0:
.L_simem_size_0:
called_computation.1_lowered:
.L_overlay_start_0:
0x88: {  	s2 =	sld [smem:$0x3FD9]  }
0x89: {  	s3 =	sld [smem:$0x3FFE];
	_ =	sdelay $0x1  }
0x8a: {  	s1 =	srdreg.scid  }
0x8b: {  	s0 =	sand.u32 $0x1, s1  }
0x8c: {  	s16 =	sshll.u32 s0, $0xA;
	s2 =	sadd.s32 s3, s2  }
0x8d: {  	s2 =	sadd.s32 s2, s16  }
0x8e: {  	[smem:$0x3FB3] =	sst s2  }
0x8f: {  	_ = 	snop  }
0x90: {  	(tm) =	ssettm $0x1  }
0x91: {  	s17 =	sld [smem:$0x3FFB];
	_ =	sdelay $0x3  }
0x92: {  	_ =	strace s17  }
0x93: {  	s2 =	sld [smem:$0x3FFC];
	_ =	sdelay $0x3  }
0x94: {  	_ =	strace s2  }
0x95: {  	s2 =	sld [smem:$0x3FFD];
	_ =	sdelay $0x3  }
0x96: {  	_ =	strace s2  }
0x97: {  	_ =	strace $0x8FFFFFFF  }
0x98: {  	s18 =	sld [smem:$0x3FDB];
	_ =	sdelay $0x1  }
0x99: {  	s19 =	simm.s32 $_scs_section_size  }
0x9a: {  	s4 =	simm.s32 $_size__tile_overlayer_lowered;
	s5 =	simm.s32 $_tile_overlayer_lowered  }
0x9b: {  	s22 =	simm.s32 $0x1BFF;
	s21 =	sshll.u32 s5, $0x1;
	s2 =	sadd.s32 s19, s18  }
0x9c: {  	s6 =	simm.s32 $0x0;
	s20 =	sshll.u32 s4, $0x1;
	s4 =	sadd.s32 s21, s2  }
0x9d: {  	[timem:s6], [sflag:s22] =	dma.local [hbm:s4], s20  }
0x9e: {  	_ =	swait.ge [sflag:s22], s20  }
0x9f: {  	s3 =	ssub.s32 $0x0, s20;
	[sflag:s22] =	ssyncset.done $0x0  }
0xa0: {  	[sflag:s22] =	ssyncadd.s32 s3;
	_ =	sdelay $0x1  }
0xa1: {  	s23 =	simm.s32 $0x1B8B  }
0xa2: {  	_ =	swait.ge [sflag:s23], $0x1  }
0xa3: {  	[sflag:s23] =	ssyncset.done $0x0  }
0xa4: {  	s25 =	simm.s32 $0x1B8E;
	s24 =	sld [smem:$0x3FFE];
	[sflag:s23] =	ssyncadd.s32 $0xFFFFFFFF  }
0xa5: {  	s26 =	simm.s32 $execute0_lowered;
	[smem:$0x3FD2] =	sst s25  }
0xa6: {  	s4 =	sshll.u32 s26, $0x1;
	_ =	strace $0x80000049;
	[dreg:$0x1] =	wrdreg $0xFFFFFFFF  }
0xa7: {  	s28 =	simm.s32 $_size_execute0_lowered;
	s2 =	sadd.s32 s2, s4;
	[dreg:$0x0] =	wrdreg $0x0  }
0xa8: {  	s4 =	sshll.u32 s28, $0x1;
	[dreg:$0x2] =	wrdreg s2  }
0xa9: {  	[dreg:$0x3] =	wrdreg s4  }
0xaa: {  	[dreg:$0x4] =	wrdreg $0xC0  }
0xab: {  	_ =	task [dreg:s6], $0x5FFFF  }
0xac: {  	[dreg:$0x1] =	wrdreg $0xFFFFFFFF  }
0xad: {  	[dreg:$0x0] =	wrdreg $0x60  }
0xae: {  	[dreg:$0x2] =	wrdreg s24  }
0xaf: {  	[dreg:$0x3] =	wrdreg $0x84000  }
0xb0: {  	[dreg:$0x4] =	wrdreg $0x9  }
0xb1: {  	_ =	task.clear_ibuf [dreg:s6], $0x5FFFF;
	_ =	strace $0x90000049  }
0xb2: {  	s29 =	simm.s32 $0x9;
	_ =	strace $0x8000004B  }
0xb3: {  	_ =	swait.ge [sflag:s29], $0x1  }
0xb4: {  	[sflag:s29] =	ssyncadd.s32 $0xFFFFFFFF  }
0xb5: {  	_ =	strace $0x9000004B  }
0xb6: {  	_ =	sfence  }
0xb7: {  	s30 =	sld [smem:$0x0];
	_ =	sdelay $0x2  }
0xb8: {  	s31 =	sshll.u32 s1, $0xD;
	s1 =	sshrl.u32 s1, $0x2  }
0xb9: {  	s3 =	sand.u32 $0x4000, s31;
	s1 =	sadd.s32 s1, s30  }
0xba: {  	s0 =	sor.u32 s3, s0;
	s1 =	sshll.u32 s1, $0x11  }
0xbb: {  	s0 =	sor.u32 s1, s0  }
0xbc: {  	s0 =	sadd.s32 $0x8F2B, s0  }
0xbd: {  	[sflag:s0] =	ssyncadd.remote.s32 $0x1  }
0xbe: {  	_ =	sfence.sel $0xFFFF  }
0xbf: {  	[dreg:$0x0] =	wrdreg $0xFFFFFFFF;
	(pc) =	sbr.abs _section_cstart, $3  }
0xc0: {  	[dreg:$0x1] =	wrdreg $0xFFFFFFFF  }
0xc1: {  	_ =	task.clear_ibuf [dreg:s6], $0x2FFFF;
	_ =	strace $0x9FFFFFFF  }
0xc2: {  	(tm) =	ssettm $0x7FFFFFFF  }
0xc3: {  	_ =	shalt  }
tec
execute0_lowered:
.L_overlay_start_1:
0x0: {  	(tag) =	ssettag $0x1  }
0x1: {  	s0 =	rddreg [dreg:$0x0]  }
0x2: {  	s2 =	rddreg [dreg:$0x1];
	s3 =	simm.s32 $0x0  }
0x3: {  	s13 =	stileid.u32;
	s5 =	srdreg.scid;
	s28 =	simm.s32 $0x3  }
0x4: {  	s29 =	simm.s32 $0x7;
	s30 =	simm.s32 $0x6;
	s31 =	simm.s32 $0x180  }
0x5: {  	[smem:$0x7FF] =	sst s3;
	s1 =	smul.u32 $0x2780, s13;
	s4 =	sadd.s32 $0x2BE00, s0  }
0x6: {  	s6 =	sand.u32 $0x1, s5;
	s5 =	sadd.s32 $0x3E00, s0;
	s11 =	smul.u32 $0x4F000, s13  }
0x7: {  	s18 =	sshll.u32 s13, $0x6;
	s20 =	smul.u32 $0xA0, s13;
	_ =	strace $0x8000004A  }
0x8: {  	s8 =	smul.u32 $0x27800, s6;
	s9 =	ssub.s32 $0x2, s6;
	s10 =	sshll.u32 s6, $0x4  }
0x9: {  	s6 =	smul.u32 $0xA00, s6;
	s7 =	sadd.s32 s1, s0;
	s14 =	sshrl.u32 s9, $0x1  }
0xa: {  	s10 =	sor.u32 s13, s10;
	s15 =	sshrl.u32 s11, $0x2;
	s0 =	sadd.s32 s8, s0  }
0xb: {  	s9 =	ssub.s32 s9, s14;
	s16 =	smul.u32 $0x1400, s10;
	s12 =	sadd.s32 s15, s2  }
0xc: {  	s7 =	sadd.s32 $0x53000, s7;
	s17 =	smul.u32 $0xA0, s10;
	s8 =	sor.u32 $0x1C09, s18  }
0xd: {  	s6 =	sadd.s32 s20, s6;
	[dreg:$0x5] =	wrdreg s7;
	s25 =	smax.u32 s9, $0x1  }
0xe: {  	s18 =	simm.s32 $0x9;
	s11 =	sadd.s32 s5, s16;
	[dreg:$0xc] =	wrdreg s25  }
0xf: {  	s20 =	simm.s32 $0x80;
	s24 =	sor.u32 $0x4, s17;
	[dreg:$0x6] =	wrdreg s11  }
0x10: {  	s0 =	sadd.s32 $0x7A800, s0;
	s7 =	sor.u32 $0x5, s17;
	[dreg:$0x3] =	wrdreg s24  }
0x11: {  	s10 =	simm.s32 $0x380;
	s0 =	sadd.s32 s1, s0;
	[dreg:$0x4] =	wrdreg s7  }
0x12: {  	s6 =	sshll.u32 s6, $0x5;
	s19 =	sadd.s32 $0x20, s11;
	[dreg:$0xf] =	wrdreg s0  }
0x13: {  	s13 =	sshrl.u32 s12, $0x3;
	s21 =	sadd.s32 $0x40, s11;
	[dreg:$0x7] =	wrdreg s19  }
0x14: {  	s9 =	simm.s32 $0x1;
	s22 =	sadd.s32 $0x60, s11;
	[dreg:$0x8] =	wrdreg s21  }
0x15: {  	s12 =	simm.s32 $0x0;
	s23 =	sadd.s32 $0x80, s11;
	[dreg:$0x9] =	wrdreg s22  }
0x16: {  	s6 =	sadd.s32 s6, s5;
	s11 =	sadd.s32 $0xA0, s11;
	[dreg:$0xa] =	wrdreg s23  }
0x17: {  	s25 =	simm.s32 $0x5;
	s26 =	sadd.s32 $0xE0, s6;
	[dreg:$0xb] =	wrdreg s11  }
0x18: {  	s1 =	simm.s32 $0x8;
	s6 =	sadd.s32 $0xC0, s6;
	[dreg:$0xd] =	wrdreg s26  }
0x19: {  	s0 =	simm.s32 $0x300;
	[dreg:$0xe] =	wrdreg s6;
	s19 =	simm.s32 $0x100  }
0x1a: {  	s21 =	simm.s32 $0x400;
	s22 =	simm.s32 $0x2;
	s23 =	simm.s32 $0x4400  }
0x1b: {  	s26 =	simm.s32 $0x200;
	s6 =	simm.s32 $0x280;
	s11 =	simm.s32 $0x4  }
.LBB2_1:
0x1c: {  	s7 =	rddreg [dreg:$0x5]  }
0x1d: {  	[spmem:s13], [sflag:s8] =	dma.local [hbm:s7], $0x2780  }
0x1e: {  	_ =	swait.ge [sflag:s18], $0x2780  }
0x1f: {  	[sflag:s18] =	ssyncset.done $0x0  }
0x20: {  	[sflag:s18] =	ssyncadd.s32 $0xFFFFD880  }
0x21: {  	[bflag:$0x0] =	sbarrier.arrive $0xFFFF  }
0x22: {  	s14 =	smov.u32 s8;
	s8 =	rddreg [dreg:$0x6]  }
0x23: {  	[tilespmem:s3], [sflag:$0x9] =	stream.linear.gather [hbm4b:s8+s3], $0x100, $0x38;
	[tilespmem:$0x1C000] =	vst v63  }
0x24: {  	_ =	swait.ge [sflag:s18], $0x100  }
0x25: {  	[sflag:s18] =	ssyncset.done $0x0  }
0x26: {  	s24 =	smov.u32 s13;
	s13 =	rddreg [dreg:$0x7];
	[sflag:s18] =	ssyncadd.s32 $0xFFFFFF00  }
0x27: {  	[tilespmem:s19], [sflag:$0x2] =	stream.linear.gather [hbm4b:s13+s3], $0x100, $0x38;
	[tilespmem:$0x1C000] =	vst v63  }
0x28: {  	_ = 	snop  }
0x29: {  	[tilespmem:s21], [sflag:$0x5] =	stream.indirect.gather [hbm4b:s4+s20], $0x80, s3, s20, $0xb8;
	[tilespmem:$0x1C000] =	vst v63  }
0x2a: {  	_ =	swait.ge [sflag:s22], $0x100  }
0x2b: {  	[sflag:s22] =	ssyncset.done $0x0  }
0x2c: {  	[sflag:s22] =	ssyncadd.s32 $0xFFFFFF00  }
0x2d: {  	[tilespmem:s23], [sflag:$0x6] =	stream.indirect.gather [hbm4b:s4+s20], $0x80, s19, s20, $0xb8;
	[tilespmem:$0x1C000] =	vst v63  }
0x2e: {  	_ =	swait.ge [sflag:s25], $0x4000  }
0x2f: {  	[sflag:s25] =	ssyncset.done $0x0  }
0x30: {  	[sflag:s25] =	ssyncadd.s32 $0xFFFFC000  }
0x31: {  	[spmem:s2] =	stream.indirect.scatter.add.f32 [tilespmem:s21], [sflag:$0x7], $0x80, s20, s20, $0xb8;
	[tilespmem:$0x1C000] =	vst v63  }
0x32: {  	s15 =	rddreg [dreg:$0x8]  }
0x33: {  	[tilespmem:s26], [sflag:$0x3] =	stream.linear.gather [hbm4b:s15+s3], $0x100, $0x38;
	[tilespmem:$0x1C000] =	vst v63  }
0x34: {  	_ =	swait.ge [sflag:s28], $0x100  }
0x35: {  	[sflag:s28] =	ssyncset.done $0x0  }
0x36: {  	[sflag:s28] =	ssyncadd.s32 $0xFFFFFF00  }
0x37: {  	_ =	swait.ge [sflag:s29], $0x4000  }
0x38: {  	[sflag:s29] =	ssyncset.done $0x0  }
0x39: {  	[sflag:s29] =	ssyncadd.s32 $0xFFFFC000  }
0x3a: {  	[tilespmem:s21], [sflag:$0x5] =	stream.indirect.gather [hbm4b:s4+s20], $0x80, s26, s20, $0xb8;
	[tilespmem:$0x1C000] =	vst v63  }
0x3b: {  	_ =	swait.ge [sflag:s30], $0x4000  }
0x3c: {  	[sflag:s30] =	ssyncset.done $0x0  }
0x3d: {  	[sflag:s30] =	ssyncadd.s32 $0xFFFFC000  }
0x3e: {  	[spmem:s2] =	stream.indirect.scatter.add.f32 [tilespmem:s23], [sflag:$0x8], $0x80, s31, s20, $0xb8;
	[tilespmem:$0x1C000] =	vst v63  }
0x3f: {  	s16 =	rddreg [dreg:$0x9]  }
0x40: {  	[tilespmem:s0], [sflag:$0x4] =	stream.linear.gather [hbm4b:s16+s3], $0x100, $0x38;
	[tilespmem:$0x1C000] =	vst v63  }
0x41: {  	_ =	swait.ge [sflag:s11], $0x100  }
0x42: {  	[sflag:s11] =	ssyncset.done $0x0  }
0x43: {  	[sflag:s11] =	ssyncadd.s32 $0xFFFFFF00  }
0x44: {  	_ =	swait.ge [sflag:s1], $0x4000  }
0x45: {  	[sflag:s1] =	ssyncset.done $0x0  }
0x46: {  	[sflag:s1] =	ssyncadd.s32 $0xFFFFC000  }
0x47: {  	[tilespmem:s23], [sflag:$0x6] =	stream.indirect.gather [hbm4b:s4+s20], $0x80, s0, s20, $0xb8;
	[tilespmem:$0x1C000] =	vst v63  }
0x48: {  	_ =	swait.ge [sflag:s25], $0x4000  }
0x49: {  	[sflag:s25] =	ssyncset.done $0x0  }
0x4a: {  	[sflag:s25] =	ssyncadd.s32 $0xFFFFC000  }
0x4b: {  	[spmem:s2] =	stream.indirect.scatter.add.f32 [tilespmem:s21], [sflag:$0x7], $0x80, s6, s20, $0xb8;
	[tilespmem:$0x1C000] =	vst v63  }
0x4c: {  	s17 =	rddreg [dreg:$0xa]  }
0x4d: {  	[tilespmem:s3], [sflag:$0x1] =	stream.linear.gather [hbm4b:s17+s3], $0x100, $0x38;
	[tilespmem:$0x1C000] =	vst v63  }
0x4e: {  	_ =	swait.ge [sflag:s9], $0x100  }
0x4f: {  	[sflag:s9] =	ssyncset.done $0x0  }
0x50: {  	[sflag:s9] =	ssyncadd.s32 $0xFFFFFF00  }
0x51: {  	_ =	swait.ge [sflag:s29], $0x4000  }
0x52: {  	[sflag:s29] =	ssyncset.done $0x0  }
0x53: {  	[sflag:s29] =	ssyncadd.s32 $0xFFFFC000  }
0x54: {  	[tilespmem:s21], [sflag:$0x5] =	stream.indirect.gather [hbm4b:s4+s20], $0x80, s3, s20, $0xb8;
	[tilespmem:$0x1C000] =	vst v63  }
0x55: {  	_ =	swait.ge [sflag:s30], $0x4000  }
0x56: {  	[sflag:s30] =	ssyncset.done $0x0  }
0x57: {  	[sflag:s30] =	ssyncadd.s32 $0xFFFFC000  }
0x58: {  	[spmem:s2] =	stream.indirect.scatter.add.f32 [tilespmem:s23], [sflag:$0x8], $0x80, s10, s20, $0xb8;
	[tilespmem:$0x1C000] =	vst v63  }
0x59: {  	s8 =	rddreg [dreg:$0xb]  }
0x5a: {  	[tilespmem:s19], [sflag:$0x2] =	stream.linear.gather [hbm4b:s8+s3], $0x100, $0x38;
	[tilespmem:$0x1C000] =	vst v63  }
0x5b: {  	_ =	swait.ge [sflag:s22], $0x100  }
0x5c: {  	[sflag:s22] =	ssyncset.done $0x0  }
0x5d: {  	[sflag:s22] =	ssyncadd.s32 $0xFFFFFF00  }
0x5e: {  	_ =	swait.ge [sflag:s1], $0x4000  }
0x5f: {  	[sflag:s1] =	ssyncset.done $0x0  }
0x60: {  	[sflag:s1] =	ssyncadd.s32 $0xFFFFC000  }
0x61: {  	[tilespmem:s23], [sflag:$0x6] =	stream.indirect.gather [hbm4b:s4+s20], $0x80, s19, s20, $0xb8;
	[tilespmem:$0x1C000] =	vst v63  }
0x62: {  	_ =	swait.ge [sflag:s25], $0x4000  }
0x63: {  	[sflag:s25] =	ssyncset.done $0x0  }
0x64: {  	[sflag:s25] =	ssyncadd.s32 $0xFFFFC000  }
0x65: {  	[spmem:s2] =	stream.indirect.scatter.add.f32 [tilespmem:s21], [sflag:$0x7], $0x80, s20, s20, $0xb8;
	[tilespmem:$0x1C000] =	vst v63  }
0x66: {  	s16 =	rddreg [dreg:$0xe]  }
0x67: {  	[tilespmem:s26], [sflag:$0x3] =	stream.linear.gather [hbm4b:s16+s3], $0x100, $0x38;
	[tilespmem:$0x1C000] =	vst v63  }
0x68: {  	_ =	swait.ge [sflag:s28], $0x100  }
0x69: {  	[sflag:s28] =	ssyncset.done $0x0  }
0x6a: {  	[sflag:s28] =	ssyncadd.s32 $0xFFFFFF00  }
0x6b: {  	_ =	swait.ge [sflag:s29], $0x4000  }
0x6c: {  	[sflag:s29] =	ssyncset.done $0x0  }
0x6d: {  	[sflag:s29] =	ssyncadd.s32 $0xFFFFC000  }
0x6e: {  	[tilespmem:s21], [sflag:$0x5] =	stream.indirect.gather [hbm4b:s4+s20], $0x80, s26, s20, $0xb8;
	[tilespmem:$0x1C000] =	vst v63  }
0x6f: {  	_ =	swait.ge [sflag:s30], $0x4000  }
0x70: {  	[sflag:s30] =	ssyncset.done $0x0  }
0x71: {  	[sflag:s30] =	ssyncadd.s32 $0xFFFFC000  }
0x72: {  	[spmem:s2] =	stream.indirect.scatter.add.f32 [tilespmem:s23], [sflag:$0x8], $0x80, s31, s20, $0xb8;
	[tilespmem:$0x1C000] =	vst v63  }
0x73: {  	s8 =	rddreg [dreg:$0xd]  }
0x74: {  	[tilespmem:s0], [sflag:$0x4] =	stream.linear.gather [hbm4b:s8+s3], $0x100, $0x38;
	[tilespmem:$0x1C000] =	vst v63  }
0x75: {  	_ =	swait.ge [sflag:s11], $0x100  }
0x76: {  	[sflag:s11] =	ssyncset.done $0x0  }
0x77: {  	[sflag:s11] =	ssyncadd.s32 $0xFFFFFF00  }
0x78: {  	_ =	swait.ge [sflag:s1], $0x4000  }
0x79: {  	[sflag:s1] =	ssyncset.done $0x0  }
0x7a: {  	[sflag:s1] =	ssyncadd.s32 $0xFFFFC000  }
0x7b: {  	[tilespmem:s23], [sflag:$0x6] =	stream.indirect.gather [hbm4b:s4+s20], $0x80, s0, s20, $0xb8;
	[tilespmem:$0x1C000] =	vst v63  }
0x7c: {  	_ =	swait.ge [sflag:s25], $0x4000  }
0x7d: {  	s15 =	smin.u32 s11, $0x9B;
	[sflag:s25] =	ssyncset.done $0x0;
	s13 =	rddreg [dreg:$0x3]  }
0x7e: {  	[sflag:s25] =	ssyncadd.s32 $0xFFFFC000;
	s7 =	sadd.s32 s15, s13  }
0x7f: {  	[spmem:s2] =	stream.indirect.scatter.add.f32 [tilespmem:s21], [sflag:$0x7], $0x80, s6, s20, $0xb8;
	[tilespmem:$0x1C000] =	vst v63  }
0x80: {  	s7 =	sshll.u32 s7, $0x5  }
0x81: {  	s7 =	sadd.s32 s5, s7  }
0x82: {  	[tilespmem:s3], [sflag:$0x1] =	stream.linear.gather [hbm4b:s7+s3], $0x100, $0x38;
	[tilespmem:$0x1C000] =	vst v63  }
0x83: {  	_ =	swait.ge [sflag:s9], $0x100  }
0x84: {  	[sflag:s9] =	ssyncset.done $0x0  }
0x85: {  	[sflag:s9] =	ssyncadd.s32 $0xFFFFFF00  }
0x86: {  	_ =	swait.ge [sflag:s29], $0x4000  }
0x87: {  	[sflag:s29] =	ssyncset.done $0x0  }
0x88: {  	[sflag:s29] =	ssyncadd.s32 $0xFFFFC000  }
0x89: {  	[tilespmem:s21], [sflag:$0x5] =	stream.indirect.gather [hbm4b:s4+s20], $0x80, s3, s20, $0xb8;
	[tilespmem:$0x1C000] =	vst v63  }
0x8a: {  	s15 =	smin.u32 s11, $0x9A;
	_ =	swait.ge [sflag:s30], $0x4000  }
0x8b: {  	s13 =	simm.s32 $0x8;
	[sflag:s30] =	ssyncset.done $0x0;
	s17 =	rddreg [dreg:$0x4]  }
0x8c: {  	[sflag:s30] =	ssyncadd.s32 $0xFFFFC000;
	s7 =	sadd.s32 s15, s17;
	s15 =	smov.u32 s8  }
0x8d: {  	[spmem:s2] =	stream.indirect.scatter.add.f32 [tilespmem:s23], [sflag:$0x8], $0x80, s10, s20, $0xb8;
	[tilespmem:$0x1C000] =	vst v63  }
.LBB2_2:
0x8e: {  	s8 =	sshll.u32 s7, $0x5  }
0x8f: {  	s8 =	sadd.s32 s5, s8  }
0x90: {  	[tilespmem:s19], [sflag:$0x2] =	stream.linear.gather [hbm4b:s8+s3], $0x100, $0x38;
	[tilespmem:$0x1C000] =	vst v63  }
0x91: {  	_ =	swait.ge [sflag:s22], $0x100  }
0x92: {  	[sflag:s22] =	ssyncset.done $0x0  }
0x93: {  	[sflag:s22] =	ssyncadd.s32 $0xFFFFFF00  }
0x94: {  	_ =	swait.ge [sflag:s1], $0x4000  }
0x95: {  	[sflag:s1] =	ssyncset.done $0x0  }
0x96: {  	[sflag:s1] =	ssyncadd.s32 $0xFFFFC000  }
0x97: {  	[tilespmem:s23], [sflag:$0x6] =	stream.indirect.gather [hbm4b:s4+s20], $0x80, s19, s20, $0xb8;
	[tilespmem:$0x1C000] =	vst v63  }
0x98: {  	_ =	swait.ge [sflag:s25], $0x4000  }
0x99: {  	[sflag:s25] =	ssyncset.done $0x0  }
0x9a: {  	[sflag:s25] =	ssyncadd.s32 $0xFFFFC000  }
0x9b: {  	[spmem:s2] =	stream.indirect.scatter.add.f32 [tilespmem:s21], [sflag:$0x7], $0x80, s20, s20, $0xb8;
	[tilespmem:$0x1C000] =	vst v63  }
0x9c: {  	s16 =	sadd.s32 $0x80, s16  }
0x9d: {  	[tilespmem:s26], [sflag:$0x3] =	stream.linear.gather [hbm4b:s16+s3], $0x100, $0x38;
	[tilespmem:$0x1C000] =	vst v63  }
0x9e: {  	_ =	swait.ge [sflag:s28], $0x100  }
0x9f: {  	[sflag:s28] =	ssyncset.done $0x0  }
0xa0: {  	[sflag:s28] =	ssyncadd.s32 $0xFFFFFF00  }
0xa1: {  	_ =	swait.ge [sflag:s29], $0x4000  }
0xa2: {  	[sflag:s29] =	ssyncset.done $0x0  }
0xa3: {  	[sflag:s29] =	ssyncadd.s32 $0xFFFFC000  }
0xa4: {  	[tilespmem:s21], [sflag:$0x5] =	stream.indirect.gather [hbm4b:s4+s20], $0x80, s26, s20, $0xb8;
	[tilespmem:$0x1C000] =	vst v63  }
0xa5: {  	_ =	swait.ge [sflag:s30], $0x4000  }
0xa6: {  	[sflag:s30] =	ssyncset.done $0x0  }
0xa7: {  	[sflag:s30] =	ssyncadd.s32 $0xFFFFC000  }
0xa8: {  	[spmem:s2] =	stream.indirect.scatter.add.f32 [tilespmem:s23], [sflag:$0x8], $0x80, s31, s20, $0xb8;
	[tilespmem:$0x1C000] =	vst v63  }
0xa9: {  	s15 =	sadd.s32 $0x80, s15  }
0xaa: {  	[tilespmem:s0], [sflag:$0x4] =	stream.linear.gather [hbm4b:s15+s3], $0x100, $0x38;
	[tilespmem:$0x1C000] =	vst v63  }
0xab: {  	_ =	swait.ge [sflag:s11], $0x100  }
0xac: {  	[sflag:s11] =	ssyncset.done $0x0  }
0xad: {  	[sflag:s11] =	ssyncadd.s32 $0xFFFFFF00  }
0xae: {  	_ =	swait.ge [sflag:s1], $0x4000  }
0xaf: {  	[sflag:s1] =	ssyncset.done $0x0  }
0xb0: {  	[sflag:s1] =	ssyncadd.s32 $0xFFFFC000  }
0xb1: {  	[tilespmem:s23], [sflag:$0x6] =	stream.indirect.gather [hbm4b:s4+s20], $0x80, s0, s20, $0xb8;
	[tilespmem:$0x1C000] =	vst v63  }
0xb2: {  	s7 =	smov.u32 s13;
	_ =	swait.ge [sflag:s25], $0x4000  }
0xb3: {  	s17 =	smin.u32 s7, $0x9B;
	[sflag:s25] =	ssyncset.done $0x0;
	s8 =	rddreg [dreg:$0x3]  }
0xb4: {  	[sflag:s25] =	ssyncadd.s32 $0xFFFFC000;
	s8 =	sadd.s32 s17, s8  }
0xb5: {  	[spmem:s2] =	stream.indirect.scatter.add.f32 [tilespmem:s21], [sflag:$0x7], $0x80, s6, s20, $0xb8;
	[tilespmem:$0x1C000] =	vst v63  }
0xb6: {  	s8 =	sshll.u32 s8, $0x5  }
0xb7: {  	s8 =	sadd.s32 s5, s8  }
0xb8: {  	[tilespmem:s3], [sflag:$0x1] =	stream.linear.gather [hbm4b:s8+s3], $0x100, $0x38;
	[tilespmem:$0x1C000] =	vst v63  }
0xb9: {  	_ =	swait.ge [sflag:s9], $0x100  }
0xba: {  	[sflag:s9] =	ssyncset.done $0x0  }
0xbb: {  	[sflag:s9] =	ssyncadd.s32 $0xFFFFFF00  }
0xbc: {  	_ =	swait.ge [sflag:s29], $0x4000  }
0xbd: {  	[sflag:s29] =	ssyncset.done $0x0  }
0xbe: {  	p0 =	sne.s32 s13, $0x9C;
	[sflag:s29] =	ssyncadd.s32 $0xFFFFC000  }
0xbf: {  	[tilespmem:s21], [sflag:$0x5] =	stream.indirect.gather [hbm4b:s4+s20], $0x80, s3, s20, $0xb8;
	[tilespmem:$0x1C000] =	vst v63  }
.Ltmp0:
0xc0: {  	_ = 	snop;
	(pc) =	sbr.rel @p0 .LBB2_2-.Ltmp0, $4  }
0xc1: {  	_ =	swait.ge [sflag:s30], $0x4000  }
0xc2: {  	s7 =	smin.u32 s7, $0x9A;
	[sflag:s30] =	ssyncset.done $0x0;
	s17 =	rddreg [dreg:$0x4]  }
0xc3: {  	s13 =	sadd.s32 $0x4, s13;
	[sflag:s30] =	ssyncadd.s32 $0xFFFFC000;
	s7 =	sadd.s32 s7, s17  }
0xc4: {  	[spmem:s2] =	stream.indirect.scatter.add.f32 [tilespmem:s23], [sflag:$0x8], $0x80, s10, s20, $0xb8;
	[tilespmem:$0x1C000] =	vst v63  }
0xc5: {  	s7 =	sshll.u32 s7, $0x5  }
0xc6: {  	s7 =	sadd.s32 s5, s7  }
0xc7: {  	[tilespmem:s19], [sflag:$0x2] =	stream.linear.gather [hbm4b:s7+s3], $0x100, $0x38;
	[tilespmem:$0x1C000] =	vst v63  }
0xc8: {  	_ =	swait.ge [sflag:s25], $0x4000  }
0xc9: {  	[sflag:s25] =	ssyncset.done $0x0  }
0xca: {  	[sflag:s25] =	ssyncadd.s32 $0xFFFFC000  }
0xcb: {  	_ =	swait.ge [sflag:s1], $0x4000  }
0xcc: {  	[sflag:s1] =	ssyncset.done $0x0  }
0xcd: {  	[sflag:s1] =	ssyncadd.s32 $0xFFFFC000  }
0xce: {  	_ =	swait.ge [sflag:s22], $0x100  }
0xcf: {  	[sflag:s22] =	ssyncset.done $0x0  }
0xd0: {  	[sflag:s22] =	ssyncadd.s32 $0xFFFFFF00  }
0xd1: {  	[bflag:$0x0] =	sbarrier.arrive $0xFFFF  }
0xd2: {  	s17 =	rddreg [dreg:$0xf]  }
0xd3: {  	[hbm:s17], [sflag:s14] =	dma.local [spmem:s24], $0x2780  }
0xd4: {  	_ =	swait.ge [sflag:s18], $0x2780  }
0xd5: {  	s13 =	smov.u32 s24;
	s12 =	sadd.s32 $0x1, s12;
	s24 =	rddreg [dreg:$0xc]  }
0xd6: {  	p0 =	sne.s32 s12, s24  }
.Ltmp1:
0xd7: {  	_ = 	snop;
	(pc) =	sbr.rel @p0 .LBB2_1-.Ltmp1, $3  }
0xd8: {  	_ =	sdelay $0x1  }
0xd9: {  	[sflag:s18] =	ssyncset.done $0x0  }
0xda: {  	s8 =	smov.u32 s14;
	[sflag:s18] =	ssyncadd.s32 $0xFFFFD880  }
0xdb: {  	_ =	sfence.sel $0x180000  }
0xdc: {  	[bflag:$0x0] =	sbarrier.arrive $0xFFFF  }
0xdd: {  	_ =	strace $0x9000004A  }
0xde: {  	s0 =	stileid.u32;
	[bflag:$0x2] =	sbarrier.arrive $0xFFFF  }
0xdf: {  	p0 =	sne.s32 s0, $0x0;
	s0 =	rddreg [dreg:$0x2]  }
0xe0: {  	s0 =	sadd.s32 @!p0 $0x100000, s0  }
0xe1: {  	[sflag:s0] =	ssyncadd.tile.s32 @!p0 $0x1;
	_ =	shalt  }
.Lfunc_end2:
_tile_overlayer_lowered:
.L_overlay_start_2:
0xe2: {  	(tag) =	ssettag $0x2  }
0xe3: {  	s0 =	rddreg [dreg:$0x0];
	s2 =	stileid.u32  }
0xe4: {  	s1 =	rddreg [dreg:$0x1];
	p0 =	sne.s32 s2, $0x0  }
0xe5: {  	s3 =	rddreg [dreg:$0x2];
	[bflag:$0x3] =	sbarrier.arrive $0xFFFF;
	s2 =	simm.s32 @!p0 $0x1C09  }
0xe6: {  	[timem:s3], [sflag:s2] =	dma.local @!p0 [hbm:s0], s1  }
0xe7: {  	s0 =	simm.s32 @!p0 $0x9  }
0xe8: {  	_ =	swait.ge @!p0 [sflag:s0], s1  }
0xe9: {  	s1 =	ssub.s32 @!p0 $0x0, s1;
	[sflag:s0] =	ssyncset.done @!p0 $0x0  }
0xea: {  	[sflag:s0] =	ssyncadd.s32 @!p0 s1  }
0xeb: {  	[bflag:$0x3] =	sbarrier.arrive $0xFFFF  }
0xec: {  	_ =	shalt  }

// kernel: kernel.7.cloned.1.call-start
scs
__scs_entry_jumppad:
0x0: {  	(pc) =	sbr.rel $0x88, $3  }
0x1: {  	(tag) =	ssettag $0x0;
	lr =	simm.s32 $0x1  }
0x2: {  	[smem:$0x3F8C] =	sst lr;
	_ =	strace $0xD0000000  }
0x3: {  	_ = 	snop  }
0x4: {  	_ = 	snop  }
0x5: {  	_ = 	snop  }
0x6: {  	_ = 	snop  }
0x7: {  	_ = 	snop  }
__scs_overlays_trampoline_lowered:
0x8: {  	[smem:$0x3F9B] =	sst s0  }
0x9: {  	[smem:$0x3F9C] =	sst s1  }
0xa: {  	[smem:$0x3F9D] =	sst s2  }
0xb: {  	[smem:$0x3F9E] =	sst s3  }
0xc: {  	[smem:$0x3F9F] =	sst s4  }
0xd: {  	[smem:$0x3FA0] =	sst s5  }
0xe: {  	[smem:$0x3FA1] =	sst s6  }
0xf: {  	[smem:$0x3FA2] =	sst s7  }
0x10: {  	[smem:$0x3FA3] =	sst s8  }
0x11: {  	[smem:$0x3FA4] =	sst s9;
	s0 =	simm.s32 @!p0 $0x0  }
0x12: {  	s1 =	sld [smem:$0x3F8A];
	s0 =	simm.s32 @p0 $0x1  }
0x13: {  	[smem:$0x3FA5] =	sst s0;
	s0 =	simm.s32 @!p1 $0x0  }
0x14: {  	s2 =	sld [smem:$0x3F89];
	s0 =	simm.s32 @p1 $0x1  }
0x15: {  	[smem:$0x3FA6] =	sst s0;
	s0 =	simm.s32 @!p2 $0x0  }
0x16: {  	s3 =	sld [smem:$0x3FDB];
	s0 =	simm.s32 @p2 $0x1  }
0x17: {  	s4 =	simm.s32 $0x1BF5;
	[smem:$0x3FA8] =	sst s0  }
0x18: {  	s0 =	sld [smem:$0x3F8B];
	_ =	swait.ge [sflag:s4], $0x0  }
0x19: {  	s7 =	sld [smem:$0x3F8C]  }
0x1a: {  	s8 =	sadd.s32 $0xFFFFE003, lr  }
0x1b: {  	s9 =	sadd.s32 $0xFFFFFEF7, lr;
	s5 =	simm.s32 $0xFFFFFFFF;
	p2 =	slt.u32 s8, $0xFFFFF086  }
0x1c: {  	p1 =	slt.u32 s9, $0xF7A;
	s5 =	simm.s32 @!p2 $0x0  }
0x1d: {  	s5 =	simm.s32 @p1 $0x1;
	p0 =	seq.s32 s7, s2  }
0x1e: {  	s7 =	smul.u32 @!p0 $0xF7A, s2;
	p2 =	seq.s32 @!p0 s5, $0x0  }
0x1f: {  	s9 =	smul.u32 $0xF7A, s1;
	s8 =	simm.s32 @!p0 $0x1BF5;
	p2 =	por !p2, p0  }
0x20: {  	[sflag:s8] =	ssyncset.s32 @!p0 $0xFFFFF086;
	s6 =	sadd.s32 @!p0 s3, s7;
	s7 =	simm.s32 @!p0 $0x108  }
0x21: {  	s3 =	sadd.s32 s3, s9;
	s6 =	sadd.s32 @!p0 $0x88, s6;
	s7 =	simm.s32 @p2 $0x1082  }
0x22: {  	[simem:s7], [sflag:s8] =	dma.local @!p0 [hbm:s6], $0xF7A  }
0x23: {  	s9 =	sor.u32 $0xD0000000, s2;
	s6 =	simm.s32 $0x108;
	_ =	swait.ge @!p0 [sflag:s8], $0x0  }
0x24: {  	s3 =	sadd.s32 $0x88, s3;
	s6 =	simm.s32 @!p1 $0x1082;
	[sflag:s4] =	ssyncset.s32 $0xFFFFF086  }
0x25: {  	[simem:s6], [sflag:s4] =	dma.local [hbm:s3], $0xF7A  }
0x26: {  	[smem:$0x3F8C] =	sst s1;
	(tag) =	ssettag s2;
	_ =	strace s9  }
0x27: {  	s1 =	sld [smem:$0x3F9C]  }
0x28: {  	s2 =	sld [smem:$0x3F9D]  }
0x29: {  	s4 =	sld [smem:$0x3F9F]  }
0x2a: {  	p0 =	seq.s32 s5, $0x0;
	s5 =	sld [smem:$0x3FA0]  }
0x2b: {  	s6 =	sld [smem:$0x3FA1]  }
0x2c: {  	s7 =	sld [smem:$0x3FA2]  }
0x2d: {  	s3 =	simm.s32 $0x108;
	s8 =	sld [smem:$0x3FA3]  }
0x2e: {  	s3 =	simm.s32 @!p0 $0x1082;
	s9 =	sld [smem:$0x3FA4]  }
0x2f: {  	lr =	sadd.s32 s0, s3;
	s0 =	sld [smem:$0x3F9B]  }
0x30: {  	s3 =	sld [smem:$0x3F9E]  }
0x31: {  	[smem:$0x3FA7] =	sst s10  }
0x32: {  	s10 =	sld [smem:$0x3FA5];
	_ =	sdelay $0x3  }
0x33: {  	p0 =	seq.s32 s10, $0x1;
	s10 =	sld [smem:$0x3FA7];
	_ =	sdelay $0x3  }
0x34: {  	[smem:$0x3FA7] =	sst s10  }
0x35: {  	s10 =	sld [smem:$0x3FA6];
	_ =	sdelay $0x3  }
0x36: {  	p1 =	seq.s32 s10, $0x1;
	s10 =	sld [smem:$0x3FA7];
	_ =	sdelay $0x3  }
0x37: {  	[smem:$0x3FA7] =	sst s10  }
0x38: {  	s10 =	sld [smem:$0x3FA8]  }
0x39: {  	_ = 	snop;
	(pc) =	sbr.ind lr, $3  }
0x3a: {  	_ = 	snop  }
0x3b: {  	_ = 	snop  }
0x3c: {  	p2 =	seq.s32 s10, $0x1;
	s10 =	sld [smem:$0x3FA7]  }
0x3d: {  	_ =	shalt  }
0x3e: {  	_ =	shalt  }
0x3f: {  	_ =	shalt  }
0x40: {  	_ =	shalt  }
0x41: {  	_ =	shalt  }
0x42: {  	_ =	shalt  }
0x43: {  	_ =	shalt  }
0x44: {  	_ =	shalt  }
0x45: {  	_ =	shalt  }
0x46: {  	_ =	shalt  }
0x47: {  	_ =	shalt  }
0x48: {  	_ =	shalt  }
0x49: {  	_ =	shalt  }
0x4a: {  	_ =	shalt  }
0x4b: {  	_ =	shalt  }
0x4c: {  	_ =	shalt  }
0x4d: {  	_ =	shalt  }
0x4e: {  	_ =	shalt  }
0x4f: {  	_ =	shalt  }
0x50: {  	_ =	shalt  }
0x51: {  	_ =	shalt  }
0x52: {  	_ =	shalt  }
0x53: {  	_ =	shalt  }
0x54: {  	_ =	shalt  }
0x55: {  	_ =	shalt  }
0x56: {  	_ =	shalt  }
0x57: {  	_ =	shalt  }
0x58: {  	_ =	shalt  }
0x59: {  	_ =	shalt  }
0x5a: {  	_ =	shalt  }
0x5b: {  	_ =	shalt  }
0x5c: {  	_ =	shalt  }
0x5d: {  	_ =	shalt  }
0x5e: {  	_ =	shalt  }
0x5f: {  	_ =	shalt  }
0x60: {  	_ =	shalt  }
0x61: {  	_ =	shalt  }
0x62: {  	_ =	shalt  }
0x63: {  	_ =	shalt  }
0x64: {  	_ =	shalt  }
0x65: {  	_ =	shalt  }
0x66: {  	_ =	shalt  }
0x67: {  	_ =	shalt  }
0x68: {  	_ =	shalt  }
0x69: {  	_ =	shalt  }
0x6a: {  	_ =	shalt  }
0x6b: {  	_ =	shalt  }
0x6c: {  	_ =	shalt  }
0x6d: {  	_ =	shalt  }
0x6e: {  	_ =	shalt  }
0x6f: {  	_ =	shalt  }
0x70: {  	_ =	shalt  }
0x71: {  	_ =	shalt  }
0x72: {  	_ =	shalt  }
0x73: {  	_ =	shalt  }
0x74: {  	_ =	shalt  }
0x75: {  	_ =	shalt  }
0x76: {  	_ =	shalt  }
0x77: {  	_ =	shalt  }
0x78: {  	_ =	shalt  }
0x79: {  	_ =	shalt  }
0x7a: {  	_ =	shalt  }
0x7b: {  	_ =	shalt  }
0x7c: {  	_ =	shalt  }
0x7d: {  	_ =	shalt  }
0x7e: {  	_ =	shalt  }
0x7f: {  	_ =	shalt  }
0x80: {  	_ =	shalt  }
0x81: {  	_ =	shalt  }
0x82: {  	_ =	shalt  }
0x83: {  	_ =	shalt  }
0x84: {  	_ =	shalt  }
0x85: {  	_ =	shalt  }
0x86: {  	_ =	shalt  }
0x87: {  	_ =	shalt  }
.Lfunc_end0:
.L_simem_size_0:
called_computation_lowered:
.L_overlay_start_0:
0x88: {  	s2 =	sld [smem:$0x3FD9]  }
0x89: {  	s3 =	sld [smem:$0x3FFE];
	_ =	sdelay $0x1  }
0x8a: {  	s1 =	srdreg.scid  }
0x8b: {  	s0 =	sand.u32 $0x1, s1  }
0x8c: {  	s16 =	sshll.u32 s0, $0xA;
	s2 =	sadd.s32 s3, s2  }
0x8d: {  	s2 =	sadd.s32 s2, s16  }
0x8e: {  	[smem:$0x3FB3] =	sst s2  }
0x8f: {  	_ = 	snop  }
0x90: {  	(tm) =	ssettm $0x1  }
0x91: {  	s17 =	sld [smem:$0x3FFB];
	_ =	sdelay $0x3  }
0x92: {  	_ =	strace s17  }
0x93: {  	s2 =	sld [smem:$0x3FFC];
	_ =	sdelay $0x3  }
0x94: {  	_ =	strace s2  }
0x95: {  	s2 =	sld [smem:$0x3FFD];
	_ =	sdelay $0x3  }
0x96: {  	_ =	strace s2  }
0x97: {  	_ =	strace $0x8FFFFFFF  }
0x98: {  	s18 =	sld [smem:$0x3FDB];
	_ =	sdelay $0x1  }
0x99: {  	s19 =	simm.s32 $_scs_section_size  }
0x9a: {  	s4 =	simm.s32 $_size__tile_overlayer_lowered;
	s5 =	simm.s32 $_tile_overlayer_lowered  }
0x9b: {  	s22 =	simm.s32 $0x1BFF;
	s21 =	sshll.u32 s5, $0x1;
	s2 =	sadd.s32 s19, s18  }
0x9c: {  	s6 =	simm.s32 $0x0;
	s20 =	sshll.u32 s4, $0x1;
	s4 =	sadd.s32 s21, s2  }
0x9d: {  	[timem:s6], [sflag:s22] =	dma.local [hbm:s4], s20  }
0x9e: {  	_ =	swait.ge [sflag:s22], s20  }
0x9f: {  	s3 =	ssub.s32 $0x0, s20;
	[sflag:s22] =	ssyncset.done $0x0  }
0xa0: {  	[sflag:s22] =	ssyncadd.s32 s3;
	_ =	sdelay $0x1  }
0xa1: {  	s23 =	simm.s32 $0x1B8B  }
0xa2: {  	_ =	swait.ge [sflag:s23], $0x1  }
0xa3: {  	[sflag:s23] =	ssyncset.done $0x0  }
0xa4: {  	s25 =	simm.s32 $0x1B8E;
	s24 =	sld [smem:$0x3FFE];
	[sflag:s23] =	ssyncadd.s32 $0xFFFFFFFF  }
0xa5: {  	s26 =	simm.s32 $execute0_lowered;
	[smem:$0x3FD2] =	sst s25  }
0xa6: {  	s4 =	sshll.u32 s26, $0x1;
	_ =	strace $0x80000046;
	[dreg:$0x1] =	wrdreg $0xFFFFFFFF  }
0xa7: {  	s28 =	simm.s32 $_size_execute0_lowered;
	s2 =	sadd.s32 s2, s4;
	[dreg:$0x0] =	wrdreg $0x0  }
0xa8: {  	s4 =	sshll.u32 s28, $0x1;
	[dreg:$0x2] =	wrdreg s2  }
0xa9: {  	[dreg:$0x3] =	wrdreg s4  }
0xaa: {  	[dreg:$0x4] =	wrdreg $0xC0  }
0xab: {  	_ =	task [dreg:s6], $0x5FFFF  }
0xac: {  	[dreg:$0x1] =	wrdreg $0xFFFFFFFF  }
0xad: {  	[dreg:$0x0] =	wrdreg $0x60  }
0xae: {  	[dreg:$0x2] =	wrdreg s24  }
0xaf: {  	[dreg:$0x3] =	wrdreg $0x84000  }
0xb0: {  	[dreg:$0x4] =	wrdreg $0x9  }
0xb1: {  	_ =	task.clear_ibuf [dreg:s6], $0x5FFFF;
	_ =	strace $0x90000046  }
0xb2: {  	s29 =	simm.s32 $0x9;
	_ =	strace $0x80000048  }
0xb3: {  	_ =	swait.ge [sflag:s29], $0x1  }
0xb4: {  	[sflag:s29] =	ssyncadd.s32 $0xFFFFFFFF  }
0xb5: {  	_ =	strace $0x90000048  }
0xb6: {  	_ =	sfence  }
0xb7: {  	s30 =	sld [smem:$0x0];
	_ =	sdelay $0x2  }
0xb8: {  	s31 =	sshll.u32 s1, $0xD;
	s1 =	sshrl.u32 s1, $0x2  }
0xb9: {  	s3 =	sand.u32 $0x4000, s31;
	s1 =	sadd.s32 s1, s30  }
0xba: {  	s0 =	sor.u32 s3, s0;
	s1 =	sshll.u32 s1, $0x11  }
0xbb: {  	s0 =	sor.u32 s1, s0  }
0xbc: {  	s0 =	sadd.s32 $0x8F2B, s0  }
0xbd: {  	[sflag:s0] =	ssyncadd.remote.s32 $0x1  }
0xbe: {  	_ =	sfence.sel $0xFFFF  }
0xbf: {  	[dreg:$0x0] =	wrdreg $0xFFFFFFFF;
	(pc) =	sbr.abs _section_cstart, $3  }
0xc0: {  	[dreg:$0x1] =	wrdreg $0xFFFFFFFF  }
0xc1: {  	_ =	task.clear_ibuf [dreg:s6], $0x2FFFF;
	_ =	strace $0x9FFFFFFF  }
0xc2: {  	(tm) =	ssettm $0x7FFFFFFF  }
0xc3: {  	_ =	shalt  }
tec
execute0_lowered:
.L_overlay_start_1:
0x0: {  	(tag) =	ssettag $0x1  }
0x1: {  	s0 =	rddreg [dreg:$0x0]  }
0x2: {  	s2 =	rddreg [dreg:$0x1];
	s3 =	simm.s32 $0x0  }
0x3: {  	s13 =	stileid.u32;
	s5 =	srdreg.scid;
	s28 =	simm.s32 $0x3  }
0x4: {  	s29 =	simm.s32 $0x7;
	s30 =	simm.s32 $0x6;
	s31 =	simm.s32 $0x180  }
0x5: {  	[smem:$0x7FF] =	sst s3;
	s1 =	smul.u32 $0x2780, s13;
	s4 =	sadd.s32 $0x2BE00, s0  }
0x6: {  	s6 =	sand.u32 $0x1, s5;
	s5 =	sadd.s32 $0x3E00, s0;
	s11 =	smul.u32 $0x4F000, s13  }
0x7: {  	s18 =	sshll.u32 s13, $0x6;
	s20 =	smul.u32 $0xA0, s13;
	_ =	strace $0x80000047  }
0x8: {  	s8 =	smul.u32 $0x27800, s6;
	s9 =	ssub.s32 $0x2, s6;
	s10 =	sshll.u32 s6, $0x4  }
0x9: {  	s6 =	smul.u32 $0xA00, s6;
	s7 =	sadd.s32 s1, s0;
	s14 =	sshrl.u32 s9, $0x1  }
0xa: {  	s10 =	sor.u32 s13, s10;
	s15 =	sshrl.u32 s11, $0x2;
	s0 =	sadd.s32 s8, s0  }
0xb: {  	s9 =	ssub.s32 s9, s14;
	s16 =	smul.u32 $0x1400, s10;
	s12 =	sadd.s32 s15, s2  }
0xc: {  	s7 =	sadd.s32 $0x53000, s7;
	s17 =	smul.u32 $0xA0, s10;
	s8 =	sor.u32 $0x1C09, s18  }
0xd: {  	s6 =	sadd.s32 s20, s6;
	[dreg:$0x5] =	wrdreg s7;
	s25 =	smax.u32 s9, $0x1  }
0xe: {  	s18 =	simm.s32 $0x9;
	s11 =	sadd.s32 s5, s16;
	[dreg:$0xc] =	wrdreg s25  }
0xf: {  	s20 =	simm.s32 $0x80;
	s24 =	sor.u32 $0x4, s17;
	[dreg:$0x6] =	wrdreg s11  }
0x10: {  	s0 =	sadd.s32 $0x7A800, s0;
	s7 =	sor.u32 $0x5, s17;
	[dreg:$0x3] =	wrdreg s24  }
0x11: {  	s10 =	simm.s32 $0x380;
	s0 =	sadd.s32 s1, s0;
	[dreg:$0x4] =	wrdreg s7  }
0x12: {  	s6 =	sshll.u32 s6, $0x5;
	s19 =	sadd.s32 $0x20, s11;
	[dreg:$0xf] =	wrdreg s0  }
0x13: {  	s13 =	sshrl.u32 s12, $0x3;
	s21 =	sadd.s32 $0x40, s11;
	[dreg:$0x7] =	wrdreg s19  }
0x14: {  	s9 =	simm.s32 $0x1;
	s22 =	sadd.s32 $0x60, s11;
	[dreg:$0x8] =	wrdreg s21  }
0x15: {  	s12 =	simm.s32 $0x0;
	s23 =	sadd.s32 $0x80, s11;
	[dreg:$0x9] =	wrdreg s22  }
0x16: {  	s6 =	sadd.s32 s6, s5;
	s11 =	sadd.s32 $0xA0, s11;
	[dreg:$0xa] =	wrdreg s23  }
0x17: {  	s25 =	simm.s32 $0x5;
	s26 =	sadd.s32 $0xE0, s6;
	[dreg:$0xb] =	wrdreg s11  }
0x18: {  	s1 =	simm.s32 $0x8;
	s6 =	sadd.s32 $0xC0, s6;
	[dreg:$0xd] =	wrdreg s26  }
0x19: {  	s0 =	simm.s32 $0x300;
	[dreg:$0xe] =	wrdreg s6;
	s19 =	simm.s32 $0x100  }
0x1a: {  	s21 =	simm.s32 $0x400;
	s22 =	simm.s32 $0x2;
	s23 =	simm.s32 $0x4400  }
0x1b: {  	s26 =	simm.s32 $0x200;
	s6 =	simm.s32 $0x280;
	s11 =	simm.s32 $0x4  }
.LBB2_1:
0x1c: {  	s7 =	rddreg [dreg:$0x5]  }
0x1d: {  	[spmem:s13], [sflag:s8] =	dma.local [hbm:s7], $0x2780  }
0x1e: {  	_ =	swait.ge [sflag:s18], $0x2780  }
0x1f: {  	[sflag:s18] =	ssyncset.done $0x0  }
0x20: {  	[sflag:s18] =	ssyncadd.s32 $0xFFFFD880  }
0x21: {  	[bflag:$0x0] =	sbarrier.arrive $0xFFFF  }
0x22: {  	s14 =	smov.u32 s8;
	s8 =	rddreg [dreg:$0x6]  }
0x23: {  	[tilespmem:s3], [sflag:$0x9] =	stream.linear.gather [hbm4b:s8+s3], $0x100, $0x38;
	[tilespmem:$0x1C000] =	vst v63  }
0x24: {  	_ =	swait.ge [sflag:s18], $0x100  }
0x25: {  	[sflag:s18] =	ssyncset.done $0x0  }
0x26: {  	s24 =	smov.u32 s13;
	s13 =	rddreg [dreg:$0x7];
	[sflag:s18] =	ssyncadd.s32 $0xFFFFFF00  }
0x27: {  	[tilespmem:s19], [sflag:$0x2] =	stream.linear.gather [hbm4b:s13+s3], $0x100, $0x38;
	[tilespmem:$0x1C000] =	vst v63  }
0x28: {  	_ = 	snop  }
0x29: {  	[tilespmem:s21], [sflag:$0x5] =	stream.indirect.gather [hbm4b:s4+s20], $0x80, s3, s20, $0xb8;
	[tilespmem:$0x1C000] =	vst v63  }
0x2a: {  	_ =	swait.ge [sflag:s22], $0x100  }
0x2b: {  	[sflag:s22] =	ssyncset.done $0x0  }
0x2c: {  	[sflag:s22] =	ssyncadd.s32 $0xFFFFFF00  }
0x2d: {  	[tilespmem:s23], [sflag:$0x6] =	stream.indirect.gather [hbm4b:s4+s20], $0x80, s19, s20, $0xb8;
	[tilespmem:$0x1C000] =	vst v63  }
0x2e: {  	_ =	swait.ge [sflag:s25], $0x4000  }
0x2f: {  	[sflag:s25] =	ssyncset.done $0x0  }
0x30: {  	[sflag:s25] =	ssyncadd.s32 $0xFFFFC000  }
0x31: {  	[spmem:s2] =	stream.indirect.scatter.add.f32 [tilespmem:s21], [sflag:$0x7], $0x80, s20, s20, $0xb8;
	[tilespmem:$0x1C000] =	vst v63  }
0x32: {  	s15 =	rddreg [dreg:$0x8]  }
0x33: {  	[tilespmem:s26], [sflag:$0x3] =	stream.linear.gather [hbm4b:s15+s3], $0x100, $0x38;
	[tilespmem:$0x1C000] =	vst v63  }
0x34: {  	_ =	swait.ge [sflag:s28], $0x100  }
0x35: {  	[sflag:s28] =	ssyncset.done $0x0  }
0x36: {  	[sflag:s28] =	ssyncadd.s32 $0xFFFFFF00  }
0x37: {  	_ =	swait.ge [sflag:s29], $0x4000  }
0x38: {  	[sflag:s29] =	ssyncset.done $0x0  }
0x39: {  	[sflag:s29] =	ssyncadd.s32 $0xFFFFC000  }
0x3a: {  	[tilespmem:s21], [sflag:$0x5] =	stream.indirect.gather [hbm4b:s4+s20], $0x80, s26, s20, $0xb8;
	[tilespmem:$0x1C000] =	vst v63  }
0x3b: {  	_ =	swait.ge [sflag:s30], $0x4000  }
0x3c: {  	[sflag:s30] =	ssyncset.done $0x0  }
0x3d: {  	[sflag:s30] =	ssyncadd.s32 $0xFFFFC000  }
0x3e: {  	[spmem:s2] =	stream.indirect.scatter.add.f32 [tilespmem:s23], [sflag:$0x8], $0x80, s31, s20, $0xb8;
	[tilespmem:$0x1C000] =	vst v63  }
0x3f: {  	s16 =	rddreg [dreg:$0x9]  }
0x40: {  	[tilespmem:s0], [sflag:$0x4] =	stream.linear.gather [hbm4b:s16+s3], $0x100, $0x38;
	[tilespmem:$0x1C000] =	vst v63  }
0x41: {  	_ =	swait.ge [sflag:s11], $0x100  }
0x42: {  	[sflag:s11] =	ssyncset.done $0x0  }
0x43: {  	[sflag:s11] =	ssyncadd.s32 $0xFFFFFF00  }
0x44: {  	_ =	swait.ge [sflag:s1], $0x4000  }
0x45: {  	[sflag:s1] =	ssyncset.done $0x0  }
0x46: {  	[sflag:s1] =	ssyncadd.s32 $0xFFFFC000  }
0x47: {  	[tilespmem:s23], [sflag:$0x6] =	stream.indirect.gather [hbm4b:s4+s20], $0x80, s0, s20, $0xb8;
	[tilespmem:$0x1C000] =	vst v63  }
0x48: {  	_ =	swait.ge [sflag:s25], $0x4000  }
0x49: {  	[sflag:s25] =	ssyncset.done $0x0  }
0x4a: {  	[sflag:s25] =	ssyncadd.s32 $0xFFFFC000  }
0x4b: {  	[spmem:s2] =	stream.indirect.scatter.add.f32 [tilespmem:s21], [sflag:$0x7], $0x80, s6, s20, $0xb8;
	[tilespmem:$0x1C000] =	vst v63  }
0x4c: {  	s17 =	rddreg [dreg:$0xa]  }
0x4d: {  	[tilespmem:s3], [sflag:$0x1] =	stream.linear.gather [hbm4b:s17+s3], $0x100, $0x38;
	[tilespmem:$0x1C000] =	vst v63  }
0x4e: {  	_ =	swait.ge [sflag:s9], $0x100  }
0x4f: {  	[sflag:s9] =	ssyncset.done $0x0  }
0x50: {  	[sflag:s9] =	ssyncadd.s32 $0xFFFFFF00  }
0x51: {  	_ =	swait.ge [sflag:s29], $0x4000  }
0x52: {  	[sflag:s29] =	ssyncset.done $0x0  }
0x53: {  	[sflag:s29] =	ssyncadd.s32 $0xFFFFC000  }
0x54: {  	[tilespmem:s21], [sflag:$0x5] =	stream.indirect.gather [hbm4b:s4+s20], $0x80, s3, s20, $0xb8;
	[tilespmem:$0x1C000] =	vst v63  }
0x55: {  	_ =	swait.ge [sflag:s30], $0x4000  }
0x56: {  	[sflag:s30] =	ssyncset.done $0x0  }
0x57: {  	[sflag:s30] =	ssyncadd.s32 $0xFFFFC000  }
0x58: {  	[spmem:s2] =	stream.indirect.scatter.add.f32 [tilespmem:s23], [sflag:$0x8], $0x80, s10, s20, $0xb8;
	[tilespmem:$0x1C000] =	vst v63  }
0x59: {  	s8 =	rddreg [dreg:$0xb]  }
0x5a: {  	[tilespmem:s19], [sflag:$0x2] =	stream.linear.gather [hbm4b:s8+s3], $0x100, $0x38;
	[tilespmem:$0x1C000] =	vst v63  }
0x5b: {  	_ =	swait.ge [sflag:s22], $0x100  }
0x5c: {  	[sflag:s22] =	ssyncset.done $0x0  }
0x5d: {  	[sflag:s22] =	ssyncadd.s32 $0xFFFFFF00  }
0x5e: {  	_ =	swait.ge [sflag:s1], $0x4000  }
0x5f: {  	[sflag:s1] =	ssyncset.done $0x0  }
0x60: {  	[sflag:s1] =	ssyncadd.s32 $0xFFFFC000  }
0x61: {  	[tilespmem:s23], [sflag:$0x6] =	stream.indirect.gather [hbm4b:s4+s20], $0x80, s19, s20, $0xb8;
	[tilespmem:$0x1C000] =	vst v63  }
0x62: {  	_ =	swait.ge [sflag:s25], $0x4000  }
0x63: {  	[sflag:s25] =	ssyncset.done $0x0  }
0x64: {  	[sflag:s25] =	ssyncadd.s32 $0xFFFFC000  }
0x65: {  	[spmem:s2] =	stream.indirect.scatter.add.f32 [tilespmem:s21], [sflag:$0x7], $0x80, s20, s20, $0xb8;
	[tilespmem:$0x1C000] =	vst v63  }
0x66: {  	s16 =	rddreg [dreg:$0xe]  }
0x67: {  	[tilespmem:s26], [sflag:$0x3] =	stream.linear.gather [hbm4b:s16+s3], $0x100, $0x38;
	[tilespmem:$0x1C000] =	vst v63  }
0x68: {  	_ =	swait.ge [sflag:s28], $0x100  }
0x69: {  	[sflag:s28] =	ssyncset.done $0x0  }
0x6a: {  	[sflag:s28] =	ssyncadd.s32 $0xFFFFFF00  }
0x6b: {  	_ =	swait.ge [sflag:s29], $0x4000  }
0x6c: {  	[sflag:s29] =	ssyncset.done $0x0  }
0x6d: {  	[sflag:s29] =	ssyncadd.s32 $0xFFFFC000  }
0x6e: {  	[tilespmem:s21], [sflag:$0x5] =	stream.indirect.gather [hbm4b:s4+s20], $0x80, s26, s20, $0xb8;
	[tilespmem:$0x1C000] =	vst v63  }
0x6f: {  	_ =	swait.ge [sflag:s30], $0x4000  }
0x70: {  	[sflag:s30] =	ssyncset.done $0x0  }
0x71: {  	[sflag:s30] =	ssyncadd.s32 $0xFFFFC000  }
0x72: {  	[spmem:s2] =	stream.indirect.scatter.add.f32 [tilespmem:s23], [sflag:$0x8], $0x80, s31, s20, $0xb8;
	[tilespmem:$0x1C000] =	vst v63  }
0x73: {  	s8 =	rddreg [dreg:$0xd]  }
0x74: {  	[tilespmem:s0], [sflag:$0x4] =	stream.linear.gather [hbm4b:s8+s3], $0x100, $0x38;
	[tilespmem:$0x1C000] =	vst v63  }
0x75: {  	_ =	swait.ge [sflag:s11], $0x100  }
0x76: {  	[sflag:s11] =	ssyncset.done $0x0  }
0x77: {  	[sflag:s11] =	ssyncadd.s32 $0xFFFFFF00  }
0x78: {  	_ =	swait.ge [sflag:s1], $0x4000  }
0x79: {  	[sflag:s1] =	ssyncset.done $0x0  }
0x7a: {  	[sflag:s1] =	ssyncadd.s32 $0xFFFFC000  }
0x7b: {  	[tilespmem:s23], [sflag:$0x6] =	stream.indirect.gather [hbm4b:s4+s20], $0x80, s0, s20, $0xb8;
	[tilespmem:$0x1C000] =	vst v63  }
0x7c: {  	_ =	swait.ge [sflag:s25], $0x4000  }
0x7d: {  	s15 =	smin.u32 s11, $0x9B;
	[sflag:s25] =	ssyncset.done $0x0;
	s13 =	rddreg [dreg:$0x3]  }
0x7e: {  	[sflag:s25] =	ssyncadd.s32 $0xFFFFC000;
	s7 =	sadd.s32 s15, s13  }
0x7f: {  	[spmem:s2] =	stream.indirect.scatter.add.f32 [tilespmem:s21], [sflag:$0x7], $0x80, s6, s20, $0xb8;
	[tilespmem:$0x1C000] =	vst v63  }
0x80: {  	s7 =	sshll.u32 s7, $0x5  }
0x81: {  	s7 =	sadd.s32 s5, s7  }
0x82: {  	[tilespmem:s3], [sflag:$0x1] =	stream.linear.gather [hbm4b:s7+s3], $0x100, $0x38;
	[tilespmem:$0x1C000] =	vst v63  }
0x83: {  	_ =	swait.ge [sflag:s9], $0x100  }
0x84: {  	[sflag:s9] =	ssyncset.done $0x0  }
0x85: {  	[sflag:s9] =	ssyncadd.s32 $0xFFFFFF00  }
0x86: {  	_ =	swait.ge [sflag:s29], $0x4000  }
0x87: {  	[sflag:s29] =	ssyncset.done $0x0  }
0x88: {  	[sflag:s29] =	ssyncadd.s32 $0xFFFFC000  }
0x89: {  	[tilespmem:s21], [sflag:$0x5] =	stream.indirect.gather [hbm4b:s4+s20], $0x80, s3, s20, $0xb8;
	[tilespmem:$0x1C000] =	vst v63  }
0x8a: {  	s15 =	smin.u32 s11, $0x9A;
	_ =	swait.ge [sflag:s30], $0x4000  }
0x8b: {  	s13 =	simm.s32 $0x8;
	[sflag:s30] =	ssyncset.done $0x0;
	s17 =	rddreg [dreg:$0x4]  }
0x8c: {  	[sflag:s30] =	ssyncadd.s32 $0xFFFFC000;
	s7 =	sadd.s32 s15, s17;
	s15 =	smov.u32 s8  }
0x8d: {  	[spmem:s2] =	stream.indirect.scatter.add.f32 [tilespmem:s23], [sflag:$0x8], $0x80, s10, s20, $0xb8;
	[tilespmem:$0x1C000] =	vst v63  }
.LBB2_2:
0x8e: {  	s8 =	sshll.u32 s7, $0x5  }
0x8f: {  	s8 =	sadd.s32 s5, s8  }
0x90: {  	[tilespmem:s19], [sflag:$0x2] =	stream.linear.gather [hbm4b:s8+s3], $0x100, $0x38;
	[tilespmem:$0x1C000] =	vst v63  }
0x91: {  	_ =	swait.ge [sflag:s22], $0x100  }
0x92: {  	[sflag:s22] =	ssyncset.done $0x0  }
0x93: {  	[sflag:s22] =	ssyncadd.s32 $0xFFFFFF00  }
0x94: {  	_ =	swait.ge [sflag:s1], $0x4000  }
0x95: {  	[sflag:s1] =	ssyncset.done $0x0  }
0x96: {  	[sflag:s1] =	ssyncadd.s32 $0xFFFFC000  }
0x97: {  	[tilespmem:s23], [sflag:$0x6] =	stream.indirect.gather [hbm4b:s4+s20], $0x80, s19, s20, $0xb8;
	[tilespmem:$0x1C000] =	vst v63  }
0x98: {  	_ =	swait.ge [sflag:s25], $0x4000  }
0x99: {  	[sflag:s25] =	ssyncset.done $0x0  }
0x9a: {  	[sflag:s25] =	ssyncadd.s32 $0xFFFFC000  }
0x9b: {  	[spmem:s2] =	stream.indirect.scatter.add.f32 [tilespmem:s21], [sflag:$0x7], $0x80, s20, s20, $0xb8;
	[tilespmem:$0x1C000] =	vst v63  }
0x9c: {  	s16 =	sadd.s32 $0x80, s16  }
0x9d: {  	[tilespmem:s26], [sflag:$0x3] =	stream.linear.gather [hbm4b:s16+s3], $0x100, $0x38;
	[tilespmem:$0x1C000] =	vst v63  }
0x9e: {  	_ =	swait.ge [sflag:s28], $0x100  }
0x9f: {  	[sflag:s28] =	ssyncset.done $0x0  }
0xa0: {  	[sflag:s28] =	ssyncadd.s32 $0xFFFFFF00  }
0xa1: {  	_ =	swait.ge [sflag:s29], $0x4000  }
0xa2: {  	[sflag:s29] =	ssyncset.done $0x0  }
0xa3: {  	[sflag:s29] =	ssyncadd.s32 $0xFFFFC000  }
0xa4: {  	[tilespmem:s21], [sflag:$0x5] =	stream.indirect.gather [hbm4b:s4+s20], $0x80, s26, s20, $0xb8;
	[tilespmem:$0x1C000] =	vst v63  }
0xa5: {  	_ =	swait.ge [sflag:s30], $0x4000  }
0xa6: {  	[sflag:s30] =	ssyncset.done $0x0  }
0xa7: {  	[sflag:s30] =	ssyncadd.s32 $0xFFFFC000  }
0xa8: {  	[spmem:s2] =	stream.indirect.scatter.add.f32 [tilespmem:s23], [sflag:$0x8], $0x80, s31, s20, $0xb8;
	[tilespmem:$0x1C000] =	vst v63  }
0xa9: {  	s15 =	sadd.s32 $0x80, s15  }
0xaa: {  	[tilespmem:s0], [sflag:$0x4] =	stream.linear.gather [hbm4b:s15+s3], $0x100, $0x38;
	[tilespmem:$0x1C000] =	vst v63  }
0xab: {  	_ =	swait.ge [sflag:s11], $0x100  }
0xac: {  	[sflag:s11] =	ssyncset.done $0x0  }
0xad: {  	[sflag:s11] =	ssyncadd.s32 $0xFFFFFF00  }
0xae: {  	_ =	swait.ge [sflag:s1], $0x4000  }
0xaf: {  	[sflag:s1] =	ssyncset.done $0x0  }
0xb0: {  	[sflag:s1] =	ssyncadd.s32 $0xFFFFC000  }
0xb1: {  	[tilespmem:s23], [sflag:$0x6] =	stream.indirect.gather [hbm4b:s4+s20], $0x80, s0, s20, $0xb8;
	[tilespmem:$0x1C000] =	vst v63  }
0xb2: {  	s7 =	smov.u32 s13;
	_ =	swait.ge [sflag:s25], $0x4000  }
0xb3: {  	s17 =	smin.u32 s7, $0x9B;
	[sflag:s25] =	ssyncset.done $0x0;
	s8 =	rddreg [dreg:$0x3]  }
0xb4: {  	[sflag:s25] =	ssyncadd.s32 $0xFFFFC000;
	s8 =	sadd.s32 s17, s8  }
0xb5: {  	[spmem:s2] =	stream.indirect.scatter.add.f32 [tilespmem:s21], [sflag:$0x7], $0x80, s6, s20, $0xb8;
	[tilespmem:$0x1C000] =	vst v63  }
0xb6: {  	s8 =	sshll.u32 s8, $0x5  }
0xb7: {  	s8 =	sadd.s32 s5, s8  }
0xb8: {  	[tilespmem:s3], [sflag:$0x1] =	stream.linear.gather [hbm4b:s8+s3], $0x100, $0x38;
	[tilespmem:$0x1C000] =	vst v63  }
0xb9: {  	_ =	swait.ge [sflag:s9], $0x100  }
0xba: {  	[sflag:s9] =	ssyncset.done $0x0  }
0xbb: {  	[sflag:s9] =	ssyncadd.s32 $0xFFFFFF00  }
0xbc: {  	_ =	swait.ge [sflag:s29], $0x4000  }
0xbd: {  	[sflag:s29] =	ssyncset.done $0x0  }
0xbe: {  	p0 =	sne.s32 s13, $0x9C;
	[sflag:s29] =	ssyncadd.s32 $0xFFFFC000  }
0xbf: {  	[tilespmem:s21], [sflag:$0x5] =	stream.indirect.gather [hbm4b:s4+s20], $0x80, s3, s20, $0xb8;
	[tilespmem:$0x1C000] =	vst v63  }
.Ltmp0:
0xc0: {  	_ = 	snop;
	(pc) =	sbr.rel @p0 .LBB2_2-.Ltmp0, $4  }
0xc1: {  	_ =	swait.ge [sflag:s30], $0x4000  }
0xc2: {  	s7 =	smin.u32 s7, $0x9A;
	[sflag:s30] =	ssyncset.done $0x0;
	s17 =	rddreg [dreg:$0x4]  }
0xc3: {  	s13 =	sadd.s32 $0x4, s13;
	[sflag:s30] =	ssyncadd.s32 $0xFFFFC000;
	s7 =	sadd.s32 s7, s17  }
0xc4: {  	[spmem:s2] =	stream.indirect.scatter.add.f32 [tilespmem:s23], [sflag:$0x8], $0x80, s10, s20, $0xb8;
	[tilespmem:$0x1C000] =	vst v63  }
0xc5: {  	s7 =	sshll.u32 s7, $0x5  }
0xc6: {  	s7 =	sadd.s32 s5, s7  }
0xc7: {  	[tilespmem:s19], [sflag:$0x2] =	stream.linear.gather [hbm4b:s7+s3], $0x100, $0x38;
	[tilespmem:$0x1C000] =	vst v63  }
0xc8: {  	_ =	swait.ge [sflag:s25], $0x4000  }
0xc9: {  	[sflag:s25] =	ssyncset.done $0x0  }
0xca: {  	[sflag:s25] =	ssyncadd.s32 $0xFFFFC000  }
0xcb: {  	_ =	swait.ge [sflag:s1], $0x4000  }
0xcc: {  	[sflag:s1] =	ssyncset.done $0x0  }
0xcd: {  	[sflag:s1] =	ssyncadd.s32 $0xFFFFC000  }
0xce: {  	_ =	swait.ge [sflag:s22], $0x100  }
0xcf: {  	[sflag:s22] =	ssyncset.done $0x0  }
0xd0: {  	[sflag:s22] =	ssyncadd.s32 $0xFFFFFF00  }
0xd1: {  	[bflag:$0x0] =	sbarrier.arrive $0xFFFF  }
0xd2: {  	s17 =	rddreg [dreg:$0xf]  }
0xd3: {  	[hbm:s17], [sflag:s14] =	dma.local [spmem:s24], $0x2780  }
0xd4: {  	_ =	swait.ge [sflag:s18], $0x2780  }
0xd5: {  	s13 =	smov.u32 s24;
	s12 =	sadd.s32 $0x1, s12;
	s24 =	rddreg [dreg:$0xc]  }
0xd6: {  	p0 =	sne.s32 s12, s24  }
.Ltmp1:
0xd7: {  	_ = 	snop;
	(pc) =	sbr.rel @p0 .LBB2_1-.Ltmp1, $3  }
0xd8: {  	_ =	sdelay $0x1  }
0xd9: {  	[sflag:s18] =	ssyncset.done $0x0  }
0xda: {  	s8 =	smov.u32 s14;
	[sflag:s18] =	ssyncadd.s32 $0xFFFFD880  }
0xdb: {  	_ =	sfence.sel $0x180000  }
0xdc: {  	[bflag:$0x0] =	sbarrier.arrive $0xFFFF  }
0xdd: {  	_ =	strace $0x90000047  }
0xde: {  	s0 =	stileid.u32;
	[bflag:$0x2] =	sbarrier.arrive $0xFFFF  }
0xdf: {  	p0 =	sne.s32 s0, $0x0;
	s0 =	rddreg [dreg:$0x2]  }
0xe0: {  	s0 =	sadd.s32 @!p0 $0x100000, s0  }
0xe1: {  	[sflag:s0] =	ssyncadd.tile.s32 @!p0 $0x1;
	_ =	shalt  }
.Lfunc_end2:
_tile_overlayer_lowered:
.L_overlay_start_2:
0xe2: {  	(tag) =	ssettag $0x2  }
0xe3: {  	s0 =	rddreg [dreg:$0x0];
	s2 =	stileid.u32  }
0xe4: {  	s1 =	rddreg [dreg:$0x1];
	p0 =	sne.s32 s2, $0x0  }
0xe5: {  	s3 =	rddreg [dreg:$0x2];
	[bflag:$0x3] =	sbarrier.arrive $0xFFFF;
	s2 =	simm.s32 @!p0 $0x1C09  }
0xe6: {  	[timem:s3], [sflag:s2] =	dma.local @!p0 [hbm:s0], s1  }
0xe7: {  	s0 =	simm.s32 @!p0 $0x9  }
0xe8: {  	_ =	swait.ge @!p0 [sflag:s0], s1  }
0xe9: {  	s1 =	ssub.s32 @!p0 $0x0, s1;
	[sflag:s0] =	ssyncset.done @!p0 $0x0  }
0xea: {  	[sflag:s0] =	ssyncadd.s32 @!p0 s1  }
0xeb: {  	[bflag:$0x3] =	sbarrier.arrive $0xFFFF  }
0xec: {  	_ =	shalt  }

</sc_bundles>
